<compile_context>
chip_gen: v7x
topology: tpu7x:2x2x1
jax: 0.10.2.dev20260603
libtpu: 0.0.44.dev20260713+nightly
codegen_flags: <defaults>
</compile_context>

<pallas_src>
import functools

import jax
import jax.numpy as jnp
from jax import lax
from jax.experimental import pallas as pl
from jax.experimental.pallas import tpu as pltpu
from jax.experimental.pallas import tpu_sc as plsc

N = 10000
E = 320000
D_IN = 128
D_HID = 16
N_CLASSES = 10

NC = 2
NS = 16
NW = NC * NS
L = 16

EPW = E // NW
SE = 1024
SLABS = [SE] * 9 + [EPW - 9 * SE]
SOFF = [i * SE for i in range(len(SLABS))]
NSLAB = len(SLABS)
NBUF = 3

NPR = 640
NP = NPR * L
RPT = NP // NS
CPT = NPR // NS

_MESH = plsc.VectorSubcoreMesh(
    core_axis_name="c", subcore_axis_name="s", num_cores=NC, num_subcores=NS
)
_SC_PARAMS = pltpu.CompilerParams(
    use_tc_tiling_on_sc=False, needs_layout_passes=False
)


def _zero_rows(buf, nrows):
    zero = jnp.zeros((L,), jnp.float32)

    def zb(i, c):
        for k in range(4):
            buf[i * 4 + k, :] = zero
        return c

    lax.fori_loop(0, nrows // 4, zb, 0)


def _wid():
    return lax.axis_index("s") * NC + lax.axis_index("c")


@functools.partial(
    pl.kernel,
    out_type=jax.ShapeDtypeStruct((NC, NPR, L), jnp.float32),
    mesh=_MESH,
    compiler_params=_SC_PARAMS,
    scratch_types=[
        pltpu.VMEM((NPR, L), jnp.float32),
        pltpu.VMEM((EPW,), jnp.int32),
        pltpu.VMEM((NPR,), jnp.int32),
        pltpu.SemaphoreType.DMA,
        pltpu.VMEM_SHARED((NPR, L), jnp.float32),
    ],
)
def _count_pass(ei, part, cnt, dbuf, idbuf, sem, acc):
    cid = lax.axis_index("c")
    sid = lax.axis_index("s")
    wid = _wid()

    pltpu.async_copy(ei.at[1, pl.ds(wid * EPW, EPW)], dbuf, sem)

    _zero_rows(cnt, NPR)
    base = lax.broadcasted_iota(jnp.int32, (L,), 0)

    def ib(i, c):
        idbuf[pl.ds(i * L, L)] = base + i * L
        return c

    lax.fori_loop(0, NPR // L, ib, 0)

    pltpu.sync_copy(cnt.at[pl.ds(0, CPT)], acc.at[pl.ds(sid * CPT, CPT)])

    pltpu.make_async_copy(ei.at[1, pl.ds(wid * EPW, EPW)], dbuf, sem).wait()
    plsc.subcore_barrier()

    ones = jnp.ones((L,), jnp.float32)

    def hist1(i):
        v = dbuf[pl.ds(i * L, L)]
        lane = lax.shift_right_logical(lax.shift_right_logical(v, 7) * 205, 10)
        row = v - lane * NPR
        plsc.addupdate_scatter(cnt, [row, lane], ones)

    def hist(i, c):
        for k in range(4):
            hist1(i * 4 + k)
        return c

    NV = EPW // L
    lax.fori_loop(0, NV // 4, hist, 0)
    for t in range((NV // 4) * 4, NV):
        hist1(t)

    pltpu.sync_copy(cnt, acc.at[idbuf], add=True)
    plsc.subcore_barrier()

    pltpu.sync_copy(acc.at[pl.ds(sid * CPT, CPT)], part.at[cid, pl.ds(sid * CPT, CPT)])


def _edge_ring(gtab, acc, sbuf, dbuf, rows, sems):
    def rbuf(b, n):
        return rows.at[pl.ds(b * SE, n)]

    def sidx(j):
        return sbuf.at[pl.ds(SOFF[j], SLABS[j])]

    def didx(j):
        return dbuf.at[pl.ds(SOFF[j], SLABS[j])]

    def fire_gather(j, b):
        pltpu.async_copy(gtab.at[sidx(j)], rbuf(b, SLABS[j]), sems[b])

    def wait_gather(j, b):
        pltpu.make_async_copy(gtab.at[sidx(j)], rbuf(b, SLABS[j]), sems[b]).wait()

    def fire_scatter(j, b):
        pltpu.async_copy(rbuf(b, SLABS[j]), acc.at[didx(j)], sems[b], add=True)

    def wait_scatter(j, b):
        pltpu.make_async_copy(rbuf(b, SLABS[j]), acc.at[didx(j)], sems[b]).wait()

    for b in range(NBUF):
        fire_gather(b, b)
    for j in range(NSLAB):
        b = j % NBUF
        wait_gather(j, b)
        fire_scatter(j, b)
        nj = j + NBUF
        if nj < NSLAB:
            wait_scatter(j, b)
            fire_gather(nj, b)
    for j in range(NSLAB - NBUF, NSLAB):
        wait_scatter(j, j % NBUF)


@functools.partial(
    pl.kernel,
    out_type=jax.ShapeDtypeStruct((NC, NP, L), jnp.float32),
    mesh=_MESH,
    compiler_params=_SC_PARAMS,
    scratch_types=[
        pltpu.VMEM((RPT, L), jnp.float32),
        pltpu.VMEM((EPW,), jnp.int32),
        pltpu.VMEM((EPW,), jnp.int32),
        pltpu.VMEM((NBUF * SE, L), jnp.float32),
        pltpu.SemaphoreType.DMA,
        pltpu.SemaphoreType.DMA,
        pltpu.SemaphoreType.DMA,
        pltpu.SemaphoreType.DMA,
        pltpu.VMEM_SHARED((NP, L), jnp.float32),
        pltpu.VMEM_SHARED((NP, L), jnp.float32),
    ],
)
def _message_pass(table, ei, part, zbuf, sbuf, dbuf, rows,
                  sem0, sem1, sem2, isem, acc, gtab):
    cid = lax.axis_index("c")
    sid = lax.axis_index("s")
    wid = _wid()

    pltpu.async_copy(
        table.at[pl.ds(sid * RPT, RPT)], gtab.at[pl.ds(sid * RPT, RPT)], isem
    )
    pltpu.async_copy(ei.at[0, pl.ds(wid * EPW, EPW)], sbuf, isem)
    pltpu.async_copy(ei.at[1, pl.ds(wid * EPW, EPW)], dbuf, isem)
    _zero_rows(zbuf, RPT)
    pltpu.sync_copy(zbuf, acc.at[pl.ds(sid * RPT, RPT)])
    pltpu.make_async_copy(
        table.at[pl.ds(sid * RPT, RPT)], gtab.at[pl.ds(sid * RPT, RPT)], isem
    ).wait()
    pltpu.make_async_copy(ei.at[0, pl.ds(wid * EPW, EPW)], sbuf, isem).wait()
    pltpu.make_async_copy(ei.at[1, pl.ds(wid * EPW, EPW)], dbuf, isem).wait()
    plsc.subcore_barrier()

    _edge_ring(gtab, acc, sbuf, dbuf, rows, [sem0, sem1, sem2])
    plsc.subcore_barrier()

    pltpu.sync_copy(acc.at[pl.ds(sid * RPT, RPT)], part.at[cid, pl.ds(sid * RPT, RPT)])


@functools.partial(
    pl.kernel,
    out_type=jax.ShapeDtypeStruct((NC, NP, L), jnp.float32),
    mesh=_MESH,
    compiler_params=_SC_PARAMS,
    scratch_types=[
        pltpu.VMEM((RPT, L), jnp.float32),
        pltpu.VMEM((RPT, L), jnp.float32),
        pltpu.VMEM((RPT, L), jnp.float32),
        pltpu.VMEM((RPT, L), jnp.float32),
        pltpu.VMEM((L,), jnp.float32),
        pltpu.VMEM((EPW,), jnp.int32),
        pltpu.VMEM((EPW,), jnp.int32),
        pltpu.VMEM((NBUF * SE, L), jnp.float32),
        pltpu.SemaphoreType.DMA,
        pltpu.SemaphoreType.DMA,
        pltpu.SemaphoreType.DMA,
        pltpu.SemaphoreType.DMA,
        pltpu.VMEM_SHARED((NP, L), jnp.float32),
        pltpu.VMEM_SHARED((NP, L), jnp.float32),
    ],
)
def _message_pass2(part1, g1, dis16, b1r, ei, part, abuf, bbuf, cbuf, dbuf16,
                   b1v, sbuf, dbuf, rows, sem0, sem1, sem2, isem, acc, gtab):
    cid = lax.axis_index("c")
    sid = lax.axis_index("s")
    wid = _wid()
    sl = pl.ds(sid * RPT, RPT)

    pltpu.async_copy(part1.at[0, sl], abuf, isem)
    pltpu.async_copy(part1.at[1, sl], bbuf, isem)
    pltpu.async_copy(g1.at[sl], cbuf, isem)
    pltpu.async_copy(dis16.at[sl], dbuf16, isem)
    pltpu.async_copy(ei.at[0, pl.ds(wid * EPW, EPW)], sbuf, isem)
    pltpu.async_copy(ei.at[1, pl.ds(wid * EPW, EPW)], dbuf, isem)
    pltpu.sync_copy(b1r.at[0], b1v)
    pltpu.make_async_copy(part1.at[0, sl], abuf, isem).wait()
    pltpu.make_async_copy(part1.at[1, sl], bbuf, isem).wait()
    pltpu.make_async_copy(g1.at[sl], cbuf, isem).wait()
    pltpu.make_async_copy(dis16.at[sl], dbuf16, isem).wait()

    b1vec = b1v[...]
    zero = jnp.zeros((L,), jnp.float32)

    def relu_row(i, c):
        for k in range(4):
            j = i * 4 + k
            a = abuf[j, :] + bbuf[j, :] + cbuf[j, :]
            d = dbuf16[j, :]
            abuf[j, :] = jnp.maximum(a * d + b1vec, 0.0) * d
            bbuf[j, :] = zero
        return c

    lax.fori_loop(0, RPT // 4, relu_row, 0)

    pltpu.sync_copy(abuf, gtab.at[sl])
    pltpu.sync_copy(bbuf, acc.at[sl])
    pltpu.make_async_copy(ei.at[0, pl.ds(wid * EPW, EPW)], sbuf, isem).wait()
    pltpu.make_async_copy(ei.at[1, pl.ds(wid * EPW, EPW)], dbuf, isem).wait()
    plsc.subcore_barrier()

    _edge_ring(gtab, acc, sbuf, dbuf, rows, [sem0, sem1, sem2])
    plsc.subcore_barrier()

    pltpu.sync_copy(acc.at[sl], part.at[cid, sl])


def _unpack_dis(cnt_ref):
    c = cnt_ref[0] + cnt_ref[1]
    disp = lax.rsqrt(c + 1.0)
    return jnp.concatenate(
        [jnp.broadcast_to(disp[:, l:l + 1], (NPR, L)) for l in range(L)], axis=0
    )


def _t1a_body(x_ref, w1_ref, h_ref):
    h_ref[...] = jnp.dot(
        x_ref[...], w1_ref[...], preferred_element_type=jnp.float32
    )


def _t1b_body(cnt_ref, h_ref, g1_ref, dis_ref):
    dis16 = _unpack_dis(cnt_ref)
    g1_ref[:N] = h_ref[...] * dis16[:N]
    g1_ref[N:] = jnp.zeros((NP - N, D_HID), jnp.float32)
    dis_ref[...] = dis16


def _t3_body(part2_ref, part1_ref, g1_ref, dis_ref, b1_ref, w2_ref, b2_ref,
             o_ref):
    d = dis_ref[:N]
    acc1 = part1_ref[0][:N] + part1_ref[1][:N] + g1_ref[:N]
    r = jnp.maximum(acc1 * d + b1_ref[...], 0.0) * d
    acc2 = part2_ref[0][:N] + part2_ref[1][:N] + r
    o_ref[...] = (
        jnp.dot(acc2 * d, w2_ref[...], preferred_element_type=jnp.float32)
        + b2_ref[...]
    )


_t1a = pl.pallas_call(
    _t1a_body,
    out_shape=jax.ShapeDtypeStruct((N, D_HID), jnp.float32),
)
_t1b = pl.pallas_call(
    _t1b_body,
    out_shape=[
        jax.ShapeDtypeStruct((NP, D_HID), jnp.float32),
        jax.ShapeDtypeStruct((NP, D_HID), jnp.float32),
    ],
)
_t3 = pl.pallas_call(
    _t3_body,
    out_shape=jax.ShapeDtypeStruct((N, N_CLASSES), jnp.float32),
)


def kernel(x, edge_index, W1, b1, W2, b2):
    ei = edge_index.astype(jnp.int32)
    b1r = b1.reshape(1, D_HID)

    h = _t1a(x, W1)
    part_cnt = _count_pass(ei)
    g1, dis16 = _t1b(part_cnt, h)
    part1 = _message_pass(g1, ei)
    part2 = _message_pass2(part1, g1, dis16, b1r, ei)
    out = _t3(part2, part1, g1, dis16, b1r, W2, b2.reshape(1, N_CLASSES))
    return out

# --- scband reference (transcript-rebuilt; emitter-appended) ---
"""Pipeline reference for scband-embedding-gcn-858993459363 (READ-ONLY COPY).

The authoritative reference and input builder live on the scoring server;
editing this copy changes nothing except your own understanding.
"""

import jax, jax.numpy as jnp
import numpy as np

N_NODES = 10000
N_EDGES = 320000
D_IN = 128
D_HID = 16
N_CLASSES = 10


def setup_inputs(seed: int = 0) -> dict:
    key = jax.random.key(seed)
    k1, k2, k3, k4, k5, k6 = jax.random.split(key, 6)
    x = jax.random.normal(k1, (N_NODES, D_IN), dtype=jnp.float32)
    edge_index = jax.random.randint(k2, (2, N_EDGES), 0, N_NODES, dtype=jnp.int64)
    # GCNConv layer 1 params (glorot-ish init)
    W1 = jax.random.normal(k3, (D_IN, D_HID), dtype=jnp.float32) * (1.0 / np.sqrt(D_IN))
    b1 = jnp.zeros((D_HID,), dtype=jnp.float32)
    # GCNConv layer 2 params
    W2 = jax.random.normal(k4, (D_HID, N_CLASSES), dtype=jnp.float32) * (1.0 / np.sqrt(D_HID))
    b2 = jnp.zeros((N_CLASSES,), dtype=jnp.float32)
    return {"x": x, "edge_index": edge_index, "W1": W1, "b1": b1, "W2": W2, "b2": b2}


def _gcn_conv(x, edge_index, W, b):
    # PyG GCNConv: h = W x; add self-loops; norm = deg^-1/2[src] * deg^-1/2[dst]; scatter-add by dst; + bias
    n = x.shape[0]
    h = x @ W
    src = edge_index[0]
    dst = edge_index[1]
    loop = jnp.arange(n, dtype=edge_index.dtype)
    src = jnp.concatenate([src, loop])
    dst = jnp.concatenate([dst, loop])
    deg = jnp.zeros((n,), dtype=h.dtype).at[dst].add(1.0)
    deg_inv_sqrt = jnp.where(deg > 0, deg ** -0.5, 0.0)
    norm = deg_inv_sqrt[src] * deg_inv_sqrt[dst]
    msg = h[src] * norm[:, None]
    out = jnp.zeros((n, h.shape[1]), dtype=h.dtype).at[dst].add(msg)
    return out + b


def reference(x, edge_index, W1, b1, W2, b2):
    h = _gcn_conv(x, edge_index, W1, b1)
    h = jax.nn.relu(h)
    # dropout is identity in eval mode (training=False)
    out = _gcn_conv(h, edge_index, W2, b2)
    return out

if __name__ == "__main__":
    import jax
    _d = setup_inputs()
    print(jax.jit(kernel)(*tuple(_d.values())))

</pallas_src>

<mosaic_0001>
#map = affine_map<(d0, d1) -> (0, 0, 0)>
#map1 = affine_map<(d0, d1) -> (0, 0)>
module attributes {stable_mosaic.version = 14 : i64} {
  func.func @_message_pass2(%arg0: i32, %arg1: i32, %arg2: memref<2x10240x16xf32, #tpu.memory_space<hbm>>, %arg3: memref<10240x16xf32, #tpu.memory_space<hbm>>, %arg4: memref<10240x16xf32, #tpu.memory_space<hbm>>, %arg5: memref<1x16xf32, #tpu.memory_space<hbm>>, %arg6: memref<2x320000xi32, #tpu.memory_space<hbm>>, %arg7: memref<2x10240x16xf32, #tpu.memory_space<hbm>>, %arg8: memref<640x16xf32, #tpu.memory_space<vmem>>, %arg9: memref<640x16xf32, #tpu.memory_space<vmem>>, %arg10: memref<640x16xf32, #tpu.memory_space<vmem>>, %arg11: memref<640x16xf32, #tpu.memory_space<vmem>>, %arg12: memref<16xf32, #tpu.memory_space<vmem>>, %arg13: memref<10000xi32, #tpu.memory_space<vmem>>, %arg14: memref<10000xi32, #tpu.memory_space<vmem>>, %arg15: memref<3072x16xf32, #tpu.memory_space<vmem>>, %arg16: memref<!tpu.dma_semaphore, #tpu.memory_space<semaphore_mem>>, %arg17: memref<!tpu.dma_semaphore, #tpu.memory_space<semaphore_mem>>, %arg18: memref<!tpu.dma_semaphore, #tpu.memory_space<semaphore_mem>>, %arg19: memref<!tpu.dma_semaphore, #tpu.memory_space<semaphore_mem>>, %arg20: memref<10240x16xf32, #tpu.memory_space<vmem_shared>>, %arg21: memref<10240x16xf32, #tpu.memory_space<vmem_shared>>) attributes {dimension_semantics = [#tpu.dimension_semantics<core_parallel>, #tpu.dimension_semantics<subcore_parallel>], iteration_bounds = array<i64: 2, 16>, scalar_prefetch = 0 : i64, scratch_operands = 14 : i64, tpu.core_type = #tpu.core_type<sc_vector_subcore>, window_params = [{transform_indices = #map}, {transform_indices = #map1}, {transform_indices = #map1}, {transform_indices = #map1}, {transform_indices = #map1}, {transform_indices = #map}]} {
    %mul3A = arith.constant 2 : i32
    %mul3A_0 = arith.muli %arg1, %mul3A : i32
    %add3A = arith.addi %mul3A_0, %arg0 : i32
    %mul3A_1 = arith.constant 640 : i32
    %mul3A_2 = arith.muli %arg1, %mul3A_1 : i32
    %dma_start3A = arith.constant 0 : i32
    %dma_start3A_3 = arith.constant 0 : i32
    %dma_start3A_4 = tpu.memref_slice %arg2[%dma_start3A, %mul3A_2, %dma_start3A_3] : memref<2x10240x16xf32, #tpu.memory_space<hbm>> -> memref<1x640x16xf32, #tpu.memory_space<hbm>>
    %dma_start3A_5 = tpu.memref_squeeze %dma_start3A_4 : memref<1x640x16xf32, #tpu.memory_space<hbm>> -> memref<640x16xf32, #tpu.memory_space<hbm>>
    %dma_start3A_6 = arith.constant 0 : i32
    %dma_start3A_7 = tpu.memref_slice %arg2[%dma_start3A, %mul3A_2, %dma_start3A_6] : memref<2x10240x16xf32, #tpu.memory_space<hbm>> -> memref<1x640x16xf32, #tpu.memory_space<hbm>>
    %dma_start3A_8 = tpu.memref_squeeze %dma_start3A_7 : memref<1x640x16xf32, #tpu.memory_space<hbm>> -> memref<640x16xf32, #tpu.memory_space<hbm>>
    tpu.enqueue_dma source(%dma_start3A_8 : memref<640x16xf32, #tpu.memory_space<hbm>>) target(%arg8 : memref<640x16xf32, #tpu.memory_space<vmem>>) target_semaphore(%arg19 : memref<!tpu.dma_semaphore, #tpu.memory_space<semaphore_mem>>)
    %dma_start3A_9 = arith.constant 1 : i32
    %dma_start3A_10 = arith.constant 0 : i32
    %dma_start3A_11 = tpu.memref_slice %arg2[%dma_start3A_9, %mul3A_2, %dma_start3A_10] : memref<2x10240x16xf32, #tpu.memory_space<hbm>> -> memref<1x640x16xf32, #tpu.memory_space<hbm>>
    %dma_start3A_12 = tpu.memref_squeeze %dma_start3A_11 : memref<1x640x16xf32, #tpu.memory_space<hbm>> -> memref<640x16xf32, #tpu.memory_space<hbm>>
    %dma_start3A_13 = arith.constant 0 : i32
    %dma_start3A_14 = tpu.memref_slice %arg2[%dma_start3A_9, %mul3A_2, %dma_start3A_13] : memref<2x10240x16xf32, #tpu.memory_space<hbm>> -> memref<1x640x16xf32, #tpu.memory_space<hbm>>
    %dma_start3A_15 = tpu.memref_squeeze %dma_start3A_14 : memref<1x640x16xf32, #tpu.memory_space<hbm>> -> memref<640x16xf32, #tpu.memory_space<hbm>>
    tpu.enqueue_dma source(%dma_start3A_15 : memref<640x16xf32, #tpu.memory_space<hbm>>) target(%arg9 : memref<640x16xf32, #tpu.memory_space<vmem>>) target_semaphore(%arg19 : memref<!tpu.dma_semaphore, #tpu.memory_space<semaphore_mem>>)
    %dma_start3A_16 = arith.constant 0 : i32
    %dma_start3A_17 = tpu.memref_slice %arg3[%mul3A_2, %dma_start3A_16] : memref<10240x16xf32, #tpu.memory_space<hbm>> -> memref<640x16xf32, #tpu.memory_space<hbm>>
    %dma_start3A_18 = arith.constant 0 : i32
    %dma_start3A_19 = tpu.memref_slice %arg3[%mul3A_2, %dma_start3A_18] : memref<10240x16xf32, #tpu.memory_space<hbm>> -> memref<640x16xf32, #tpu.memory_space<hbm>>
    tpu.enqueue_dma source(%dma_start3A_19 : memref<640x16xf32, #tpu.memory_space<hbm>>) target(%arg10 : memref<640x16xf32, #tpu.memory_space<vmem>>) target_semaphore(%arg19 : memref<!tpu.dma_semaphore, #tpu.memory_space<semaphore_mem>>)
    %dma_start3A_20 = arith.constant 0 : i32
    %dma_start3A_21 = tpu.memref_slice %arg4[%mul3A_2, %dma_start3A_20] : memref<10240x16xf32, #tpu.memory_space<hbm>> -> memref<640x16xf32, #tpu.memory_space<hbm>>
    %dma_start3A_22 = arith.constant 0 : i32
    %dma_start3A_23 = tpu.memref_slice %arg4[%mul3A_2, %dma_start3A_22] : memref<10240x16xf32, #tpu.memory_space<hbm>> -> memref<640x16xf32, #tpu.memory_space<hbm>>
    tpu.enqueue_dma source(%dma_start3A_23 : memref<640x16xf32, #tpu.memory_space<hbm>>) target(%arg11 : memref<640x16xf32, #tpu.memory_space<vmem>>) target_semaphore(%arg19 : memref<!tpu.dma_semaphore, #tpu.memory_space<semaphore_mem>>)
    %mul3A_24 = arith.constant 10000 : i32
    %mul3A_25 = arith.muli %add3A, %mul3A_24 : i32
    %dma_start3A_26 = arith.constant 0 : i32
    %dma_start3A_27 = tpu.memref_slice %arg6[%dma_start3A_26, %mul3A_25] : memref<2x320000xi32, #tpu.memory_space<hbm>> -> memref<1x10000xi32, #tpu.memory_space<hbm>>
    %dma_start3A_28 = tpu.memref_squeeze %dma_start3A_27 : memref<1x10000xi32, #tpu.memory_space<hbm>> -> memref<10000xi32, #tpu.memory_space<hbm>>
    %dma_start3A_29 = tpu.memref_slice %arg6[%dma_start3A_26, %mul3A_25] : memref<2x320000xi32, #tpu.memory_space<hbm>> -> memref<1x10000xi32, #tpu.memory_space<hbm>>
    %dma_start3A_30 = tpu.memref_squeeze %dma_start3A_29 : memref<1x10000xi32, #tpu.memory_space<hbm>> -> memref<10000xi32, #tpu.memory_space<hbm>>
    tpu.enqueue_dma source(%dma_start3A_30 : memref<10000xi32, #tpu.memory_space<hbm>>) target(%arg13 : memref<10000xi32, #tpu.memory_space<vmem>>) target_semaphore(%arg19 : memref<!tpu.dma_semaphore, #tpu.memory_space<semaphore_mem>>)
    %mul3A_31 = arith.constant 10000 : i32
    %mul3A_32 = arith.muli %add3A, %mul3A_31 : i32
    %dma_start3A_33 = arith.constant 1 : i32
    %dma_start3A_34 = tpu.memref_slice %arg6[%dma_start3A_33, %mul3A_32] : memref<2x320000xi32, #tpu.memory_space<hbm>> -> memref<1x10000xi32, #tpu.memory_space<hbm>>
    %dma_start3A_35 = tpu.memref_squeeze %dma_start3A_34 : memref<1x10000xi32, #tpu.memory_space<hbm>> -> memref<10000xi32, #tpu.memory_space<hbm>>
    %dma_start3A_36 = tpu.memref_slice %arg6[%dma_start3A_33, %mul3A_32] : memref<2x320000xi32, #tpu.memory_space<hbm>> -> memref<1x10000xi32, #tpu.memory_space<hbm>>
    %dma_start3A_37 = tpu.memref_squeeze %dma_start3A_36 : memref<1x10000xi32, #tpu.memory_space<hbm>> -> memref<10000xi32, #tpu.memory_space<hbm>>
    tpu.enqueue_dma source(%dma_start3A_37 : memref<10000xi32, #tpu.memory_space<hbm>>) target(%arg14 : memref<10000xi32, #tpu.memory_space<vmem>>) target_semaphore(%arg19 : memref<!tpu.dma_semaphore, #tpu.memory_space<semaphore_mem>>)
    %run_scoped3A = arith.constant 0 : i32
    "tpu.region"() ({
      %run_scoped3A_401 = tpu.sem_alloc : memref<!tpu.dma_semaphore, #tpu.memory_space<semaphore_mem>>
      %dma_start3A_402 = arith.constant 0 : i32
      %dma_start3A_403 = tpu.memref_slice %arg5[%run_scoped3A, %dma_start3A_402] : memref<1x16xf32, #tpu.memory_space<hbm>> -> memref<1x16xf32, #tpu.memory_space<hbm>>
      %dma_start3A_404 = tpu.memref_squeeze %dma_start3A_403 : memref<1x16xf32, #tpu.memory_space<hbm>> -> memref<16xf32, #tpu.memory_space<hbm>>
      %dma_start3A_405 = arith.constant 0 : i32
      %dma_start3A_406 = tpu.memref_slice %arg5[%run_scoped3A, %dma_start3A_405] : memref<1x16xf32, #tpu.memory_space<hbm>> -> memref<1x16xf32, #tpu.memory_space<hbm>>
      %dma_start3A_407 = tpu.memref_squeeze %dma_start3A_406 : memref<1x16xf32, #tpu.memory_space<hbm>> -> memref<16xf32, #tpu.memory_space<hbm>>
      tpu.enqueue_dma source(%dma_start3A_407 : memref<16xf32, #tpu.memory_space<hbm>>) target(%arg12 : memref<16xf32, #tpu.memory_space<vmem>>) target_semaphore(%run_scoped3A_401 : memref<!tpu.dma_semaphore, #tpu.memory_space<semaphore_mem>>)
      %dma_wait3A_408 = arith.constant 0 : i32
      %dma_wait3A_409 = tpu.memref_slice %arg5[%run_scoped3A, %dma_wait3A_408] : memref<1x16xf32, #tpu.memory_space<hbm>> -> memref<1x16xf32, #tpu.memory_space<hbm>>
      %dma_wait3A_410 = tpu.memref_squeeze %dma_wait3A_409 : memref<1x16xf32, #tpu.memory_space<hbm>> -> memref<16xf32, #tpu.memory_space<hbm>>
      %dma_wait3A_411 = arith.constant 0 : i32
      %dma_wait3A_412 = tpu.memref_slice %arg5[%run_scoped3A, %dma_wait3A_411] : memref<1x16xf32, #tpu.memory_space<hbm>> -> memref<1x16xf32, #tpu.memory_space<hbm>>
      %dma_wait3A_413 = tpu.memref_squeeze %dma_wait3A_412 : memref<1x16xf32, #tpu.memory_space<hbm>> -> memref<16xf32, #tpu.memory_space<hbm>>
      tpu.wait_dma2 semaphore(%run_scoped3A_401 : memref<!tpu.dma_semaphore, #tpu.memory_space<semaphore_mem>>) src(%dma_wait3A_413 : memref<16xf32, #tpu.memory_space<hbm>>) dst(%arg12 : memref<16xf32, #tpu.memory_space<vmem>>)
      tpu.yield
    }) : () -> ()
    %dma_wait3A = arith.constant 0 : i32
    %dma_wait3A_38 = arith.constant 0 : i32
    %dma_wait3A_39 = tpu.memref_slice %arg2[%dma_wait3A, %mul3A_2, %dma_wait3A_38] : memref<2x10240x16xf32, #tpu.memory_space<hbm>> -> memref<1x640x16xf32, #tpu.memory_space<hbm>>
    %dma_wait3A_40 = tpu.memref_squeeze %dma_wait3A_39 : memref<1x640x16xf32, #tpu.memory_space<hbm>> -> memref<640x16xf32, #tpu.memory_space<hbm>>
    %dma_wait3A_41 = arith.constant 0 : i32
    %dma_wait3A_42 = tpu.memref_slice %arg2[%dma_wait3A, %mul3A_2, %dma_wait3A_41] : memref<2x10240x16xf32, #tpu.memory_space<hbm>> -> memref<1x640x16xf32, #tpu.memory_space<hbm>>
    %dma_wait3A_43 = tpu.memref_squeeze %dma_wait3A_42 : memref<1x640x16xf32, #tpu.memory_space<hbm>> -> memref<640x16xf32, #tpu.memory_space<hbm>>
    tpu.wait_dma2 semaphore(%arg19 : memref<!tpu.dma_semaphore, #tpu.memory_space<semaphore_mem>>) src(%dma_wait3A_43 : memref<640x16xf32, #tpu.memory_space<hbm>>) dst(%arg8 : memref<640x16xf32, #tpu.memory_space<vmem>>)
    %dma_wait3A_44 = arith.constant 1 : i32
    %dma_wait3A_45 = arith.constant 0 : i32
    %dma_wait3A_46 = tpu.memref_slice %arg2[%dma_wait3A_44, %mul3A_2, %dma_wait3A_45] : memref<2x10240x16xf32, #tpu.memory_space<hbm>> -> memref<1x640x16xf32, #tpu.memory_space<hbm>>
    %dma_wait3A_47 = tpu.memref_squeeze %dma_wait3A_46 : memref<1x640x16xf32, #tpu.memory_space<hbm>> -> memref<640x16xf32, #tpu.memory_space<hbm>>
    %dma_wait3A_48 = arith.constant 0 : i32
    %dma_wait3A_49 = tpu.memref_slice %arg2[%dma_wait3A_44, %mul3A_2, %dma_wait3A_48] : memref<2x10240x16xf32, #tpu.memory_space<hbm>> -> memref<1x640x16xf32, #tpu.memory_space<hbm>>
    %dma_wait3A_50 = tpu.memref_squeeze %dma_wait3A_49 : memref<1x640x16xf32, #tpu.memory_space<hbm>> -> memref<640x16xf32, #tpu.memory_space<hbm>>
    tpu.wait_dma2 semaphore(%arg19 : memref<!tpu.dma_semaphore, #tpu.memory_space<semaphore_mem>>) src(%dma_wait3A_50 : memref<640x16xf32, #tpu.memory_space<hbm>>) dst(%arg9 : memref<640x16xf32, #tpu.memory_space<vmem>>)
    %dma_wait3A_51 = arith.constant 0 : i32
    %dma_wait3A_52 = tpu.memref_slice %arg3[%mul3A_2, %dma_wait3A_51] : memref<10240x16xf32, #tpu.memory_space<hbm>> -> memref<640x16xf32, #tpu.memory_space<hbm>>
    %dma_wait3A_53 = arith.constant 0 : i32
    %dma_wait3A_54 = tpu.memref_slice %arg3[%mul3A_2, %dma_wait3A_53] : memref<10240x16xf32, #tpu.memory_space<hbm>> -> memref<640x16xf32, #tpu.memory_space<hbm>>
    tpu.wait_dma2 semaphore(%arg19 : memref<!tpu.dma_semaphore, #tpu.memory_space<semaphore_mem>>) src(%dma_wait3A_54 : memref<640x16xf32, #tpu.memory_space<hbm>>) dst(%arg10 : memref<640x16xf32, #tpu.memory_space<vmem>>)
    %dma_wait3A_55 = arith.constant 0 : i32
    %dma_wait3A_56 = tpu.memref_slice %arg4[%mul3A_2, %dma_wait3A_55] : memref<10240x16xf32, #tpu.memory_space<hbm>> -> memref<640x16xf32, #tpu.memory_space<hbm>>
    %dma_wait3A_57 = arith.constant 0 : i32
    %dma_wait3A_58 = tpu.memref_slice %arg4[%mul3A_2, %dma_wait3A_57] : memref<10240x16xf32, #tpu.memory_space<hbm>> -> memref<640x16xf32, #tpu.memory_space<hbm>>
    tpu.wait_dma2 semaphore(%arg19 : memref<!tpu.dma_semaphore, #tpu.memory_space<semaphore_mem>>) src(%dma_wait3A_58 : memref<640x16xf32, #tpu.memory_space<hbm>>) dst(%arg11 : memref<640x16xf32, #tpu.memory_space<vmem>>)
    %get3A = arith.constant 0 : index
    %get3A_59 = tpu.vector_load %arg12[%get3A] {strides = array<i32>} : memref<16xf32, #tpu.memory_space<vmem>>, vector<16xf32>,
    %broadcast_in_dim3A = arith.constant 0.000000e+00 : f32
    %broadcast_in_dim3A_60 = vector.broadcast %broadcast_in_dim3A : f32 to vector<16xf32>
    %scan3A = arith.constant 0 : i32
    %scan3A_61 = arith.constant 0 : i32
    %scan3A_62 = arith.constant 160 : i32
    %scan3A_63 = arith.addi %scan3A_61, %scan3A_62 : i32
    %scan3A_64 = arith.constant 1 : i32
    scf.for %scan3A_401 = %scan3A_61 to %scan3A_63 step %scan3A_64  : i32 {
      %mul3A_402 = arith.constant 4 : i32
      %mul3A_403 = arith.muli %scan3A_401, %mul3A_402 : i32
      %add3A_404 = arith.constant 0 : i32
      %add3A_405 = arith.addi %mul3A_403, %add3A_404 : i32
      %get3A_406 = arith.index_cast %add3A_405 : i32 to index
      %get3A_407 = arith.constant 0 : index
      %get3A_408 = tpu.vector_load %arg8[%get3A_406, %get3A_407] {strides = array<i32>} : memref<640x16xf32, #tpu.memory_space<vmem>>, vector<16xf32>,
      %get3A_409 = arith.index_cast %add3A_405 : i32 to index
      %get3A_410 = arith.constant 0 : index
      %get3A_411 = tpu.vector_load %arg9[%get3A_409, %get3A_410] {strides = array<i32>} : memref<640x16xf32, #tpu.memory_space<vmem>>, vector<16xf32>,
      %add3A_412 = arith.addf %get3A_408, %get3A_411 : vector<16xf32>
      %get3A_413 = arith.index_cast %add3A_405 : i32 to index
      %get3A_414 = arith.constant 0 : index
      %get3A_415 = tpu.vector_load %arg10[%get3A_413, %get3A_414] {strides = array<i32>} : memref<640x16xf32, #tpu.memory_space<vmem>>, vector<16xf32>,
      %add3A_416 = arith.addf %add3A_412, %get3A_415 : vector<16xf32>
      %get3A_417 = arith.index_cast %add3A_405 : i32 to index
      %get3A_418 = arith.constant 0 : index
      %get3A_419 = tpu.vector_load %arg11[%get3A_417, %get3A_418] {strides = array<i32>} : memref<640x16xf32, #tpu.memory_space<vmem>>, vector<16xf32>,
      %mul3A_420 = arith.mulf %add3A_416, %get3A_419 : vector<16xf32>
      %add3A_421 = arith.addf %mul3A_420, %get3A_59 : vector<16xf32>
      %max3A = arith.constant 0.000000e+00 : f32
      %max3A_422 = vector.broadcast %max3A : f32 to vector<16xf32>
      %max3A_423 = arith.maximumf %add3A_421, %max3A_422 : vector<16xf32>
      %mul3A_424 = arith.mulf %max3A_423, %get3A_419 : vector<16xf32>
      %swap3A = arith.index_cast %add3A_405 : i32 to index
      %swap3A_425 = arith.constant 0 : index
      %swap3A_426 = tpu.vector_load %arg8[%swap3A, %swap3A_425] {strides = array<i32>} : memref<640x16xf32, #tpu.memory_space<vmem>>, vector<16xf32>,
      tpu.vector_store %arg8[%swap3A, %swap3A_425], %mul3A_424 {strides = array<i32>} : memref<640x16xf32, #tpu.memory_space<vmem>>, vector<16xf32>,
      %swap3A_427 = arith.index_cast %add3A_405 : i32 to index
      %swap3A_428 = arith.constant 0 : index
      %swap3A_429 = tpu.vector_load %arg9[%swap3A_427, %swap3A_428] {strides = array<i32>} : memref<640x16xf32, #tpu.memory_space<vmem>>, vector<16xf32>,
      tpu.vector_store %arg9[%swap3A_427, %swap3A_428], %broadcast_in_dim3A_60 {strides = array<i32>} : memref<640x16xf32, #tpu.memory_space<vmem>>, vector<16xf32>,
      %mul3A_430 = arith.constant 4 : i32
      %mul3A_431 = arith.muli %scan3A_401, %mul3A_430 : i32
      %add3A_432 = arith.constant 1 : i32
      %add3A_433 = arith.addi %mul3A_431, %add3A_432 : i32
      %get3A_434 = arith.index_cast %add3A_433 : i32 to index
      %get3A_435 = arith.constant 0 : index
      %get3A_436 = tpu.vector_load %arg8[%get3A_434, %get3A_435] {strides = array<i32>} : memref<640x16xf32, #tpu.memory_space<vmem>>, vector<16xf32>,
      %get3A_437 = arith.index_cast %add3A_433 : i32 to index
      %get3A_438 = arith.constant 0 : index
      %get3A_439 = tpu.vector_load %arg9[%get3A_437, %get3A_438] {strides = array<i32>} : memref<640x16xf32, #tpu.memory_space<vmem>>, vector<16xf32>,
      %add3A_440 = arith.addf %get3A_436, %get3A_439 : vector<16xf32>
      %get3A_441 = arith.index_cast %add3A_433 : i32 to index
      %get3A_442 = arith.constant 0 : index
      %get3A_443 = tpu.vector_load %arg10[%get3A_441, %get3A_442] {strides = array<i32>} : memref<640x16xf32, #tpu.memory_space<vmem>>, vector<16xf32>,
      %add3A_444 = arith.addf %add3A_440, %get3A_443 : vector<16xf32>
      %get3A_445 = arith.index_cast %add3A_433 : i32 to index
      %get3A_446 = arith.constant 0 : index
      %get3A_447 = tpu.vector_load %arg11[%get3A_445, %get3A_446] {strides = array<i32>} : memref<640x16xf32, #tpu.memory_space<vmem>>, vector<16xf32>,
      %mul3A_448 = arith.mulf %add3A_444, %get3A_447 : vector<16xf32>
      %add3A_449 = arith.addf %mul3A_448, %get3A_59 : vector<16xf32>
      %max3A_450 = arith.constant 0.000000e+00 : f32
      %max3A_451 = vector.broadcast %max3A_450 : f32 to vector<16xf32>
      %max3A_452 = arith.maximumf %add3A_449, %max3A_451 : vector<16xf32>
      %mul3A_453 = arith.mulf %max3A_452, %get3A_447 : vector<16xf32>
      %swap3A_454 = arith.index_cast %add3A_433 : i32 to index
      %swap3A_455 = arith.constant 0 : index
      %swap3A_456 = tpu.vector_load %arg8[%swap3A_454, %swap3A_455] {strides = array<i32>} : memref<640x16xf32, #tpu.memory_space<vmem>>, vector<16xf32>,
      tpu.vector_store %arg8[%swap3A_454, %swap3A_455], %mul3A_453 {strides = array<i32>} : memref<640x16xf32, #tpu.memory_space<vmem>>, vector<16xf32>,
      %swap3A_457 = arith.index_cast %add3A_433 : i32 to index
      %swap3A_458 = arith.constant 0 : index
      %swap3A_459 = tpu.vector_load %arg9[%swap3A_457, %swap3A_458] {strides = array<i32>} : memref<640x16xf32, #tpu.memory_space<vmem>>, vector<16xf32>,
      tpu.vector_store %arg9[%swap3A_457, %swap3A_458], %broadcast_in_dim3A_60 {strides = array<i32>} : memref<640x16xf32, #tpu.memory_space<vmem>>, vector<16xf32>,
      %mul3A_460 = arith.constant 4 : i32
      %mul3A_461 = arith.muli %scan3A_401, %mul3A_460 : i32
      %add3A_462 = arith.constant 2 : i32
      %add3A_463 = arith.addi %mul3A_461, %add3A_462 : i32
      %get3A_464 = arith.index_cast %add3A_463 : i32 to index
      %get3A_465 = arith.constant 0 : index
      %get3A_466 = tpu.vector_load %arg8[%get3A_464, %get3A_465] {strides = array<i32>} : memref<640x16xf32, #tpu.memory_space<vmem>>, vector<16xf32>,
      %get3A_467 = arith.index_cast %add3A_463 : i32 to index
      %get3A_468 = arith.constant 0 : index
      %get3A_469 = tpu.vector_load %arg9[%get3A_467, %get3A_468] {strides = array<i32>} : memref<640x16xf32, #tpu.memory_space<vmem>>, vector<16xf32>,
      %add3A_470 = arith.addf %get3A_466, %get3A_469 : vector<16xf32>
      %get3A_471 = arith.index_cast %add3A_463 : i32 to index
      %get3A_472 = arith.constant 0 : index
      %get3A_473 = tpu.vector_load %arg10[%get3A_471, %get3A_472] {strides = array<i32>} : memref<640x16xf32, #tpu.memory_space<vmem>>, vector<16xf32>,
      %add3A_474 = arith.addf %add3A_470, %get3A_473 : vector<16xf32>
      %get3A_475 = arith.index_cast %add3A_463 : i32 to index
      %get3A_476 = arith.constant 0 : index
      %get3A_477 = tpu.vector_load %arg11[%get3A_475, %get3A_476] {strides = array<i32>} : memref<640x16xf32, #tpu.memory_space<vmem>>, vector<16xf32>,
      %mul3A_478 = arith.mulf %add3A_474, %get3A_477 : vector<16xf32>
      %add3A_479 = arith.addf %mul3A_478, %get3A_59 : vector<16xf32>
      %max3A_480 = arith.constant 0.000000e+00 : f32
      %max3A_481 = vector.broadcast %max3A_480 : f32 to vector<16xf32>
      %max3A_482 = arith.maximumf %add3A_479, %max3A_481 : vector<16xf32>
      %mul3A_483 = arith.mulf %max3A_482, %get3A_477 : vector<16xf32>
      %swap3A_484 = arith.index_cast %add3A_463 : i32 to index
      %swap3A_485 = arith.constant 0 : index
      %swap3A_486 = tpu.vector_load %arg8[%swap3A_484, %swap3A_485] {strides = array<i32>} : memref<640x16xf32, #tpu.memory_space<vmem>>, vector<16xf32>,
      tpu.vector_store %arg8[%swap3A_484, %swap3A_485], %mul3A_483 {strides = array<i32>} : memref<640x16xf32, #tpu.memory_space<vmem>>, vector<16xf32>,
      %swap3A_487 = arith.index_cast %add3A_463 : i32 to index
      %swap3A_488 = arith.constant 0 : index
      %swap3A_489 = tpu.vector_load %arg9[%swap3A_487, %swap3A_488] {strides = array<i32>} : memref<640x16xf32, #tpu.memory_space<vmem>>, vector<16xf32>,
      tpu.vector_store %arg9[%swap3A_487, %swap3A_488], %broadcast_in_dim3A_60 {strides = array<i32>} : memref<640x16xf32, #tpu.memory_space<vmem>>, vector<16xf32>,
      %mul3A_490 = arith.constant 4 : i32
      %mul3A_491 = arith.muli %scan3A_401, %mul3A_490 : i32
      %add3A_492 = arith.constant 3 : i32
      %add3A_493 = arith.addi %mul3A_491, %add3A_492 : i32
      %get3A_494 = arith.index_cast %add3A_493 : i32 to index
      %get3A_495 = arith.constant 0 : index
      %get3A_496 = tpu.vector_load %arg8[%get3A_494, %get3A_495] {strides = array<i32>} : memref<640x16xf32, #tpu.memory_space<vmem>>, vector<16xf32>,
      %get3A_497 = arith.index_cast %add3A_493 : i32 to index
      %get3A_498 = arith.constant 0 : index
      %get3A_499 = tpu.vector_load %arg9[%get3A_497, %get3A_498] {strides = array<i32>} : memref<640x16xf32, #tpu.memory_space<vmem>>, vector<16xf32>,
      %add3A_500 = arith.addf %get3A_496, %get3A_499 : vector<16xf32>
      %get3A_501 = arith.index_cast %add3A_493 : i32 to index
      %get3A_502 = arith.constant 0 : index
      %get3A_503 = tpu.vector_load %arg10[%get3A_501, %get3A_502] {strides = array<i32>} : memref<640x16xf32, #tpu.memory_space<vmem>>, vector<16xf32>,
      %add3A_504 = arith.addf %add3A_500, %get3A_503 : vector<16xf32>
      %get3A_505 = arith.index_cast %add3A_493 : i32 to index
      %get3A_506 = arith.constant 0 : index
      %get3A_507 = tpu.vector_load %arg11[%get3A_505, %get3A_506] {strides = array<i32>} : memref<640x16xf32, #tpu.memory_space<vmem>>, vector<16xf32>,
      %mul3A_508 = arith.mulf %add3A_504, %get3A_507 : vector<16xf32>
      %add3A_509 = arith.addf %mul3A_508, %get3A_59 : vector<16xf32>
      %max3A_510 = arith.constant 0.000000e+00 : f32
      %max3A_511 = vector.broadcast %max3A_510 : f32 to vector<16xf32>
      %max3A_512 = arith.maximumf %add3A_509, %max3A_511 : vector<16xf32>
      %mul3A_513 = arith.mulf %max3A_512, %get3A_507 : vector<16xf32>
      %swap3A_514 = arith.index_cast %add3A_493 : i32 to index
      %swap3A_515 = arith.constant 0 : index
      %swap3A_516 = tpu.vector_load %arg8[%swap3A_514, %swap3A_515] {strides = array<i32>} : memref<640x16xf32, #tpu.memory_space<vmem>>, vector<16xf32>,
      tpu.vector_store %arg8[%swap3A_514, %swap3A_515], %mul3A_513 {strides = array<i32>} : memref<640x16xf32, #tpu.memory_space<vmem>>, vector<16xf32>,
      %swap3A_517 = arith.index_cast %add3A_493 : i32 to index
      %swap3A_518 = arith.constant 0 : index
      %swap3A_519 = tpu.vector_load %arg9[%swap3A_517, %swap3A_518] {strides = array<i32>} : memref<640x16xf32, #tpu.memory_space<vmem>>, vector<16xf32>,
      tpu.vector_store %arg9[%swap3A_517, %swap3A_518], %broadcast_in_dim3A_60 {strides = array<i32>} : memref<640x16xf32, #tpu.memory_space<vmem>>, vector<16xf32>,
    }
    %scan3A_65 = arith.constant 160 : i32
    "tpu.region"() ({
      %run_scoped3A_401 = tpu.sem_alloc : memref<!tpu.dma_semaphore, #tpu.memory_space<semaphore_mem>>
      %dma_start3A_402 = arith.constant 0 : i32
      %dma_start3A_403 = tpu.memref_slice %arg21[%mul3A_2, %dma_start3A_402] : memref<10240x16xf32, #tpu.memory_space<vmem_shared>> -> memref<640x16xf32, #tpu.memory_space<vmem_shared>>
      %dma_start3A_404 = arith.constant 0 : i32
      %dma_start3A_405 = tpu.memref_slice %arg21[%mul3A_2, %dma_start3A_404] : memref<10240x16xf32, #tpu.memory_space<vmem_shared>> -> memref<640x16xf32, #tpu.memory_space<vmem_shared>>
      tpu.enqueue_dma source(%arg8 : memref<640x16xf32, #tpu.memory_space<vmem>>) target(%dma_start3A_405 : memref<640x16xf32, #tpu.memory_space<vmem_shared>>) target_semaphore(%run_scoped3A_401 : memref<!tpu.dma_semaphore, #tpu.memory_space<semaphore_mem>>)
      %dma_wait3A_406 = arith.constant 0 : i32
      %dma_wait3A_407 = tpu.memref_slice %arg21[%mul3A_2, %dma_wait3A_406] : memref<10240x16xf32, #tpu.memory_space<vmem_shared>> -> memref<640x16xf32, #tpu.memory_space<vmem_shared>>
      %dma_wait3A_408 = arith.constant 0 : i32
      %dma_wait3A_409 = tpu.memref_slice %arg21[%mul3A_2, %dma_wait3A_408] : memref<10240x16xf32, #tpu.memory_space<vmem_shared>> -> memref<640x16xf32, #tpu.memory_space<vmem_shared>>
      tpu.wait_dma2 semaphore(%run_scoped3A_401 : memref<!tpu.dma_semaphore, #tpu.memory_space<semaphore_mem>>) src(%arg8 : memref<640x16xf32, #tpu.memory_space<vmem>>) dst(%dma_wait3A_409 : memref<640x16xf32, #tpu.memory_space<vmem_shared>>)
      tpu.yield
    }) : () -> ()
    "tpu.region"() ({
      %run_scoped3A_401 = tpu.sem_alloc : memref<!tpu.dma_semaphore, #tpu.memory_space<semaphore_mem>>
      %dma_start3A_402 = arith.constant 0 : i32
      %dma_start3A_403 = tpu.memref_slice %arg20[%mul3A_2, %dma_start3A_402] : memref<10240x16xf32, #tpu.memory_space<vmem_shared>> -> memref<640x16xf32, #tpu.memory_space<vmem_shared>>
      %dma_start3A_404 = arith.constant 0 : i32
      %dma_start3A_405 = tpu.memref_slice %arg20[%mul3A_2, %dma_start3A_404] : memref<10240x16xf32, #tpu.memory_space<vmem_shared>> -> memref<640x16xf32, #tpu.memory_space<vmem_shared>>
      tpu.enqueue_dma source(%arg9 : memref<640x16xf32, #tpu.memory_space<vmem>>) target(%dma_start3A_405 : memref<640x16xf32, #tpu.memory_space<vmem_shared>>) target_semaphore(%run_scoped3A_401 : memref<!tpu.dma_semaphore, #tpu.memory_space<semaphore_mem>>)
      %dma_wait3A_406 = arith.constant 0 : i32
      %dma_wait3A_407 = tpu.memref_slice %arg20[%mul3A_2, %dma_wait3A_406] : memref<10240x16xf32, #tpu.memory_space<vmem_shared>> -> memref<640x16xf32, #tpu.memory_space<vmem_shared>>
      %dma_wait3A_408 = arith.constant 0 : i32
      %dma_wait3A_409 = tpu.memref_slice %arg20[%mul3A_2, %dma_wait3A_408] : memref<10240x16xf32, #tpu.memory_space<vmem_shared>> -> memref<640x16xf32, #tpu.memory_space<vmem_shared>>
      tpu.wait_dma2 semaphore(%run_scoped3A_401 : memref<!tpu.dma_semaphore, #tpu.memory_space<semaphore_mem>>) src(%arg9 : memref<640x16xf32, #tpu.memory_space<vmem>>) dst(%dma_wait3A_409 : memref<640x16xf32, #tpu.memory_space<vmem_shared>>)
      tpu.yield
    }) : () -> ()
    %mul3A_66 = arith.constant 10000 : i32
    %mul3A_67 = arith.muli %add3A, %mul3A_66 : i32
    %dma_wait3A_68 = arith.constant 0 : i32
    %dma_wait3A_69 = tpu.memref_slice %arg6[%dma_wait3A_68, %mul3A_67] : memref<2x320000xi32, #tpu.memory_space<hbm>> -> memref<1x10000xi32, #tpu.memory_space<hbm>>
    %dma_wait3A_70 = tpu.memref_squeeze %dma_wait3A_69 : memref<1x10000xi32, #tpu.memory_space<hbm>> -> memref<10000xi32, #tpu.memory_space<hbm>>
    %dma_wait3A_71 = tpu.memref_slice %arg6[%dma_wait3A_68, %mul3A_67] : memref<2x320000xi32, #tpu.memory_space<hbm>> -> memref<1x10000xi32, #tpu.memory_space<hbm>>
    %dma_wait3A_72 = tpu.memref_squeeze %dma_wait3A_71 : memref<1x10000xi32, #tpu.memory_space<hbm>> -> memref<10000xi32, #tpu.memory_space<hbm>>
    tpu.wait_dma2 semaphore(%arg19 : memref<!tpu.dma_semaphore, #tpu.memory_space<semaphore_mem>>) src(%dma_wait3A_72 : memref<10000xi32, #tpu.memory_space<hbm>>) dst(%arg13 : memref<10000xi32, #tpu.memory_space<vmem>>)
    %mul3A_73 = arith.constant 10000 : i32
    %mul3A_74 = arith.muli %add3A, %mul3A_73 : i32
    %dma_wait3A_75 = arith.constant 1 : i32
    %dma_wait3A_76 = tpu.memref_slice %arg6[%dma_wait3A_75, %mul3A_74] : memref<2x320000xi32, #tpu.memory_space<hbm>> -> memref<1x10000xi32, #tpu.memory_space<hbm>>
    %dma_wait3A_77 = tpu.memref_squeeze %dma_wait3A_76 : memref<1x10000xi32, #tpu.memory_space<hbm>> -> memref<10000xi32, #tpu.memory_space<hbm>>
    %dma_wait3A_78 = tpu.memref_slice %arg6[%dma_wait3A_75, %mul3A_74] : memref<2x320000xi32, #tpu.memory_space<hbm>> -> memref<1x10000xi32, #tpu.memory_space<hbm>>
    %dma_wait3A_79 = tpu.memref_squeeze %dma_wait3A_78 : memref<1x10000xi32, #tpu.memory_space<hbm>> -> memref<10000xi32, #tpu.memory_space<hbm>>
    tpu.wait_dma2 semaphore(%arg19 : memref<!tpu.dma_semaphore, #tpu.memory_space<semaphore_mem>>) src(%dma_wait3A_79 : memref<10000xi32, #tpu.memory_space<hbm>>) dst(%arg14 : memref<10000xi32, #tpu.memory_space<vmem>>)
    %barrier3A = arith.constant 0 : index
    tpu.barrier barrier_id(%barrier3A)
    %dma_start3A_80 = arith.constant 0 : i32
    %dma_start3A_81 = arith.constant 0 : i32
    %dma_start3A_82 = tpu.memref_slice %arg15[%dma_start3A_80, %dma_start3A_81] : memref<3072x16xf32, #tpu.memory_space<vmem>> -> memref<1024x16xf32, #tpu.memory_space<vmem>>
    %dma_start3A_83 = arith.constant 0 : i32
    %dma_start3A_84 = tpu.memref_slice %arg13[%dma_start3A_83] : memref<10000xi32, #tpu.memory_space<vmem>> -> memref<1024xi32, #tpu.memory_space<vmem>>
    %dma_start3A_85 = arith.constant 0 : i32
    %dma_start3A_86 = arith.constant 0 : i32
    %dma_start3A_87 = tpu.memref_slice %arg21[%dma_start3A_85, %dma_start3A_86] : memref<10240x16xf32, #tpu.memory_space<vmem_shared>> -> memref<10240x16xf32, #tpu.memory_space<vmem_shared>>
    tpu.enqueue_indirect_dma source(%dma_start3A_87 : memref<10240x16xf32, #tpu.memory_space<vmem_shared>>) target(%dma_start3A_82 : memref<1024x16xf32, #tpu.memory_space<vmem>>) offsets(%dma_start3A_84 : memref<1024xi32, #tpu.memory_space<vmem>>) semaphore(%arg16 : memref<!tpu.dma_semaphore, #tpu.memory_space<semaphore_mem>>)
    %dma_start3A_88 = arith.constant 1024 : i32
    %dma_start3A_89 = arith.constant 0 : i32
    %dma_start3A_90 = tpu.memref_slice %arg15[%dma_start3A_88, %dma_start3A_89] : memref<3072x16xf32, #tpu.memory_space<vmem>> -> memref<1024x16xf32, #tpu.memory_space<vmem>>
    %dma_start3A_91 = arith.constant 1024 : i32
    %dma_start3A_92 = tpu.memref_slice %arg13[%dma_start3A_91] : memref<10000xi32, #tpu.memory_space<vmem>> -> memref<1024xi32, #tpu.memory_space<vmem>>
    %dma_start3A_93 = arith.constant 0 : i32
    %dma_start3A_94 = arith.constant 0 : i32
    %dma_start3A_95 = tpu.memref_slice %arg21[%dma_start3A_93, %dma_start3A_94] : memref<10240x16xf32, #tpu.memory_space<vmem_shared>> -> memref<10240x16xf32, #tpu.memory_space<vmem_shared>>
    tpu.enqueue_indirect_dma source(%dma_start3A_95 : memref<10240x16xf32, #tpu.memory_space<vmem_shared>>) target(%dma_start3A_90 : memref<1024x16xf32, #tpu.memory_space<vmem>>) offsets(%dma_start3A_92 : memref<1024xi32, #tpu.memory_space<vmem>>) semaphore(%arg17 : memref<!tpu.dma_semaphore, #tpu.memory_space<semaphore_mem>>)
    %dma_start3A_96 = arith.constant 2048 : i32
    %dma_start3A_97 = arith.constant 0 : i32
    %dma_start3A_98 = tpu.memref_slice %arg15[%dma_start3A_96, %dma_start3A_97] : memref<3072x16xf32, #tpu.memory_space<vmem>> -> memref<1024x16xf32, #tpu.memory_space<vmem>>
    %dma_start3A_99 = arith.constant 2048 : i32
    %dma_start3A_100 = tpu.memref_slice %arg13[%dma_start3A_99] : memref<10000xi32, #tpu.memory_space<vmem>> -> memref<1024xi32, #tpu.memory_space<vmem>>
    %dma_start3A_101 = arith.constant 0 : i32
    %dma_start3A_102 = arith.constant 0 : i32
    %dma_start3A_103 = tpu.memref_slice %arg21[%dma_start3A_101, %dma_start3A_102] : memref<10240x16xf32, #tpu.memory_space<vmem_shared>> -> memref<10240x16xf32, #tpu.memory_space<vmem_shared>>
    tpu.enqueue_indirect_dma source(%dma_start3A_103 : memref<10240x16xf32, #tpu.memory_space<vmem_shared>>) target(%dma_start3A_98 : memref<1024x16xf32, #tpu.memory_space<vmem>>) offsets(%dma_start3A_100 : memref<1024xi32, #tpu.memory_space<vmem>>) semaphore(%arg18 : memref<!tpu.dma_semaphore, #tpu.memory_space<semaphore_mem>>)
    %dma_wait3A_104 = arith.constant 0 : i32
    %dma_wait3A_105 = arith.constant 0 : i32
    %dma_wait3A_106 = tpu.memref_slice %arg15[%dma_wait3A_104, %dma_wait3A_105] : memref<3072x16xf32, #tpu.memory_space<vmem>> -> memref<1024x16xf32, #tpu.memory_space<vmem>>
    %dma_wait3A_107 = arith.constant 0 : i32
    %dma_wait3A_108 = tpu.memref_slice %arg13[%dma_wait3A_107] : memref<10000xi32, #tpu.memory_space<vmem>> -> memref<1024xi32, #tpu.memory_space<vmem>>
    %dma_wait3A_109 = arith.constant 0 : i32
    %dma_wait3A_110 = arith.constant 0 : i32
    %dma_wait3A_111 = tpu.memref_slice %arg21[%dma_wait3A_109, %dma_wait3A_110] : memref<10240x16xf32, #tpu.memory_space<vmem_shared>> -> memref<10240x16xf32, #tpu.memory_space<vmem_shared>>
    tpu.wait_indirect_dma semaphore(%arg16 : memref<!tpu.dma_semaphore, #tpu.memory_space<semaphore_mem>>) src(%dma_wait3A_111 : memref<10240x16xf32, #tpu.memory_space<vmem_shared>>) dst(%dma_wait3A_106 : memref<1024x16xf32, #tpu.memory_space<vmem>>)
    %dma_start3A_112 = arith.constant 0 : i32
    %dma_start3A_113 = arith.constant 0 : i32
    %dma_start3A_114 = tpu.memref_slice %arg15[%dma_start3A_112, %dma_start3A_113] : memref<3072x16xf32, #tpu.memory_space<vmem>> -> memref<1024x16xf32, #tpu.memory_space<vmem>>
    %dma_start3A_115 = arith.constant 0 : i32
    %dma_start3A_116 = tpu.memref_slice %arg14[%dma_start3A_115] : memref<10000xi32, #tpu.memory_space<vmem>> -> memref<1024xi32, #tpu.memory_space<vmem>>
    %dma_start3A_117 = arith.constant 0 : i32
    %dma_start3A_118 = arith.constant 0 : i32
    %dma_start3A_119 = tpu.memref_slice %arg20[%dma_start3A_117, %dma_start3A_118] : memref<10240x16xf32, #tpu.memory_space<vmem_shared>> -> memref<10240x16xf32, #tpu.memory_space<vmem_shared>>
    tpu.enqueue_indirect_dma source(%dma_start3A_114 : memref<1024x16xf32, #tpu.memory_space<vmem>>) target(%dma_start3A_119 : memref<10240x16xf32, #tpu.memory_space<vmem_shared>>) offsets(%dma_start3A_116 : memref<1024xi32, #tpu.memory_space<vmem>>) semaphore(%arg16 : memref<!tpu.dma_semaphore, #tpu.memory_space<semaphore_mem>>) {add = true}
    %dma_wait3A_120 = arith.constant 0 : i32
    %dma_wait3A_121 = arith.constant 0 : i32
    %dma_wait3A_122 = tpu.memref_slice %arg15[%dma_wait3A_120, %dma_wait3A_121] : memref<3072x16xf32, #tpu.memory_space<vmem>> -> memref<1024x16xf32, #tpu.memory_space<vmem>>
    %dma_wait3A_123 = arith.constant 0 : i32
    %dma_wait3A_124 = tpu.memref_slice %arg14[%dma_wait3A_123] : memref<10000xi32, #tpu.memory_space<vmem>> -> memref<1024xi32, #tpu.memory_space<vmem>>
    %dma_wait3A_125 = arith.constant 0 : i32
    %dma_wait3A_126 = arith.constant 0 : i32
    %dma_wait3A_127 = tpu.memref_slice %arg20[%dma_wait3A_125, %dma_wait3A_126] : memref<10240x16xf32, #tpu.memory_space<vmem_shared>> -> memref<10240x16xf32, #tpu.memory_space<vmem_shared>>
    tpu.wait_indirect_dma semaphore(%arg16 : memref<!tpu.dma_semaphore, #tpu.memory_space<semaphore_mem>>) src(%dma_wait3A_122 : memref<1024x16xf32, #tpu.memory_space<vmem>>) dst(%dma_wait3A_127 : memref<10240x16xf32, #tpu.memory_space<vmem_shared>>)
    %dma_start3A_128 = arith.constant 0 : i32
    %dma_start3A_129 = arith.constant 0 : i32
    %dma_start3A_130 = tpu.memref_slice %arg15[%dma_start3A_128, %dma_start3A_129] : memref<3072x16xf32, #tpu.memory_space<vmem>> -> memref<1024x16xf32, #tpu.memory_space<vmem>>
    %dma_start3A_131 = arith.constant 3072 : i32
    %dma_start3A_132 = tpu.memref_slice %arg13[%dma_start3A_131] : memref<10000xi32, #tpu.memory_space<vmem>> -> memref<1024xi32, #tpu.memory_space<vmem>>
    %dma_start3A_133 = arith.constant 0 : i32
    %dma_start3A_134 = arith.constant 0 : i32
    %dma_start3A_135 = tpu.memref_slice %arg21[%dma_start3A_133, %dma_start3A_134] : memref<10240x16xf32, #tpu.memory_space<vmem_shared>> -> memref<10240x16xf32, #tpu.memory_space<vmem_shared>>
    tpu.enqueue_indirect_dma source(%dma_start3A_135 : memref<10240x16xf32, #tpu.memory_space<vmem_shared>>) target(%dma_start3A_130 : memref<1024x16xf32, #tpu.memory_space<vmem>>) offsets(%dma_start3A_132 : memref<1024xi32, #tpu.memory_space<vmem>>) semaphore(%arg16 : memref<!tpu.dma_semaphore, #tpu.memory_space<semaphore_mem>>)
    %dma_wait3A_136 = arith.constant 1024 : i32
    %dma_wait3A_137 = arith.constant 0 : i32
    %dma_wait3A_138 = tpu.memref_slice %arg15[%dma_wait3A_136, %dma_wait3A_137] : memref<3072x16xf32, #tpu.memory_space<vmem>> -> memref<1024x16xf32, #tpu.memory_space<vmem>>
    %dma_wait3A_139 = arith.constant 1024 : i32
    %dma_wait3A_140 = tpu.memref_slice %arg13[%dma_wait3A_139] : memref<10000xi32, #tpu.memory_space<vmem>> -> memref<1024xi32, #tpu.memory_space<vmem>>
    %dma_wait3A_141 = arith.constant 0 : i32
    %dma_wait3A_142 = arith.constant 0 : i32
    %dma_wait3A_143 = tpu.memref_slice %arg21[%dma_wait3A_141, %dma_wait3A_142] : memref<10240x16xf32, #tpu.memory_space<vmem_shared>> -> memref<10240x16xf32, #tpu.memory_space<vmem_shared>>
    tpu.wait_indirect_dma semaphore(%arg17 : memref<!tpu.dma_semaphore, #tpu.memory_space<semaphore_mem>>) src(%dma_wait3A_143 : memref<10240x16xf32, #tpu.memory_space<vmem_shared>>) dst(%dma_wait3A_138 : memref<1024x16xf32, #tpu.memory_space<vmem>>)
    %dma_start3A_144 = arith.constant 1024 : i32
    %dma_start3A_145 = arith.constant 0 : i32
    %dma_start3A_146 = tpu.memref_slice %arg15[%dma_start3A_144, %dma_start3A_145] : memref<3072x16xf32, #tpu.memory_space<vmem>> -> memref<1024x16xf32, #tpu.memory_space<vmem>>
    %dma_start3A_147 = arith.constant 1024 : i32
    %dma_start3A_148 = tpu.memref_slice %arg14[%dma_start3A_147] : memref<10000xi32, #tpu.memory_space<vmem>> -> memref<1024xi32, #tpu.memory_space<vmem>>
    %dma_start3A_149 = arith.constant 0 : i32
    %dma_start3A_150 = arith.constant 0 : i32
    %dma_start3A_151 = tpu.memref_slice %arg20[%dma_start3A_149, %dma_start3A_150] : memref<10240x16xf32, #tpu.memory_space<vmem_shared>> -> memref<10240x16xf32, #tpu.memory_space<vmem_shared>>
    tpu.enqueue_indirect_dma source(%dma_start3A_146 : memref<1024x16xf32, #tpu.memory_space<vmem>>) target(%dma_start3A_151 : memref<10240x16xf32, #tpu.memory_space<vmem_shared>>) offsets(%dma_start3A_148 : memref<1024xi32, #tpu.memory_space<vmem>>) semaphore(%arg17 : memref<!tpu.dma_semaphore, #tpu.memory_space<semaphore_mem>>) {add = true}
    %dma_wait3A_152 = arith.constant 1024 : i32
    %dma_wait3A_153 = arith.constant 0 : i32
    %dma_wait3A_154 = tpu.memref_slice %arg15[%dma_wait3A_152, %dma_wait3A_153] : memref<3072x16xf32, #tpu.memory_space<vmem>> -> memref<1024x16xf32, #tpu.memory_space<vmem>>
    %dma_wait3A_155 = arith.constant 1024 : i32
    %dma_wait3A_156 = tpu.memref_slice %arg14[%dma_wait3A_155] : memref<10000xi32, #tpu.memory_space<vmem>> -> memref<1024xi32, #tpu.memory_space<vmem>>
    %dma_wait3A_157 = arith.constant 0 : i32
    %dma_wait3A_158 = arith.constant 0 : i32
    %dma_wait3A_159 = tpu.memref_slice %arg20[%dma_wait3A_157, %dma_wait3A_158] : memref<10240x16xf32, #tpu.memory_space<vmem_shared>> -> memref<10240x16xf32, #tpu.memory_space<vmem_shared>>
    tpu.wait_indirect_dma semaphore(%arg17 : memref<!tpu.dma_semaphore, #tpu.memory_space<semaphore_mem>>) src(%dma_wait3A_154 : memref<1024x16xf32, #tpu.memory_space<vmem>>) dst(%dma_wait3A_159 : memref<10240x16xf32, #tpu.memory_space<vmem_shared>>)
    %dma_start3A_160 = arith.constant 1024 : i32
    %dma_start3A_161 = arith.constant 0 : i32
    %dma_start3A_162 = tpu.memref_slice %arg15[%dma_start3A_160, %dma_start3A_161] : memref<3072x16xf32, #tpu.memory_space<vmem>> -> memref<1024x16xf32, #tpu.memory_space<vmem>>
    %dma_start3A_163 = arith.constant 4096 : i32
    %dma_start3A_164 = tpu.memref_slice %arg13[%dma_start3A_163] : memref<10000xi32, #tpu.memory_space<vmem>> -> memref<1024xi32, #tpu.memory_space<vmem>>
    %dma_start3A_165 = arith.constant 0 : i32
    %dma_start3A_166 = arith.constant 0 : i32
    %dma_start3A_167 = tpu.memref_slice %arg21[%dma_start3A_165, %dma_start3A_166] : memref<10240x16xf32, #tpu.memory_space<vmem_shared>> -> memref<10240x16xf32, #tpu.memory_space<vmem_shared>>
    tpu.enqueue_indirect_dma source(%dma_start3A_167 : memref<10240x16xf32, #tpu.memory_space<vmem_shared>>) target(%dma_start3A_162 : memref<1024x16xf32, #tpu.memory_space<vmem>>) offsets(%dma_start3A_164 : memref<1024xi32, #tpu.memory_space<vmem>>) semaphore(%arg17 : memref<!tpu.dma_semaphore, #tpu.memory_space<semaphore_mem>>)
    %dma_wait3A_168 = arith.constant 2048 : i32
    %dma_wait3A_169 = arith.constant 0 : i32
    %dma_wait3A_170 = tpu.memref_slice %arg15[%dma_wait3A_168, %dma_wait3A_169] : memref<3072x16xf32, #tpu.memory_space<vmem>> -> memref<1024x16xf32, #tpu.memory_space<vmem>>
    %dma_wait3A_171 = arith.constant 2048 : i32
    %dma_wait3A_172 = tpu.memref_slice %arg13[%dma_wait3A_171] : memref<10000xi32, #tpu.memory_space<vmem>> -> memref<1024xi32, #tpu.memory_space<vmem>>
    %dma_wait3A_173 = arith.constant 0 : i32
    %dma_wait3A_174 = arith.constant 0 : i32
    %dma_wait3A_175 = tpu.memref_slice %arg21[%dma_wait3A_173, %dma_wait3A_174] : memref<10240x16xf32, #tpu.memory_space<vmem_shared>> -> memref<10240x16xf32, #tpu.memory_space<vmem_shared>>
    tpu.wait_indirect_dma semaphore(%arg18 : memref<!tpu.dma_semaphore, #tpu.memory_space<semaphore_mem>>) src(%dma_wait3A_175 : memref<10240x16xf32, #tpu.memory_space<vmem_shared>>) dst(%dma_wait3A_170 : memref<1024x16xf32, #tpu.memory_space<vmem>>)
    %dma_start3A_176 = arith.constant 2048 : i32
    %dma_start3A_177 = arith.constant 0 : i32
    %dma_start3A_178 = tpu.memref_slice %arg15[%dma_start3A_176, %dma_start3A_177] : memref<3072x16xf32, #tpu.memory_space<vmem>> -> memref<1024x16xf32, #tpu.memory_space<vmem>>
    %dma_start3A_179 = arith.constant 2048 : i32
    %dma_start3A_180 = tpu.memref_slice %arg14[%dma_start3A_179] : memref<10000xi32, #tpu.memory_space<vmem>> -> memref<1024xi32, #tpu.memory_space<vmem>>
    %dma_start3A_181 = arith.constant 0 : i32
    %dma_start3A_182 = arith.constant 0 : i32
    %dma_start3A_183 = tpu.memref_slice %arg20[%dma_start3A_181, %dma_start3A_182] : memref<10240x16xf32, #tpu.memory_space<vmem_shared>> -> memref<10240x16xf32, #tpu.memory_space<vmem_shared>>
    tpu.enqueue_indirect_dma source(%dma_start3A_178 : memref<1024x16xf32, #tpu.memory_space<vmem>>) target(%dma_start3A_183 : memref<10240x16xf32, #tpu.memory_space<vmem_shared>>) offsets(%dma_start3A_180 : memref<1024xi32, #tpu.memory_space<vmem>>) semaphore(%arg18 : memref<!tpu.dma_semaphore, #tpu.memory_space<semaphore_mem>>) {add = true}
    %dma_wait3A_184 = arith.constant 2048 : i32
    %dma_wait3A_185 = arith.constant 0 : i32
    %dma_wait3A_186 = tpu.memref_slice %arg15[%dma_wait3A_184, %dma_wait3A_185] : memref<3072x16xf32, #tpu.memory_space<vmem>> -> memref<1024x16xf32, #tpu.memory_space<vmem>>
    %dma_wait3A_187 = arith.constant 2048 : i32
    %dma_wait3A_188 = tpu.memref_slice %arg14[%dma_wait3A_187] : memref<10000xi32, #tpu.memory_space<vmem>> -> memref<1024xi32, #tpu.memory_space<vmem>>
    %dma_wait3A_189 = arith.constant 0 : i32
    %dma_wait3A_190 = arith.constant 0 : i32
    %dma_wait3A_191 = tpu.memref_slice %arg20[%dma_wait3A_189, %dma_wait3A_190] : memref<10240x16xf32, #tpu.memory_space<vmem_shared>> -> memref<10240x16xf32, #tpu.memory_space<vmem_shared>>
    tpu.wait_indirect_dma semaphore(%arg18 : memref<!tpu.dma_semaphore, #tpu.memory_space<semaphore_mem>>) src(%dma_wait3A_186 : memref<1024x16xf32, #tpu.memory_space<vmem>>) dst(%dma_wait3A_191 : memref<10240x16xf32, #tpu.memory_space<vmem_shared>>)
    %dma_start3A_192 = arith.constant 2048 : i32
    %dma_start3A_193 = arith.constant 0 : i32
    %dma_start3A_194 = tpu.memref_slice %arg15[%dma_start3A_192, %dma_start3A_193] : memref<3072x16xf32, #tpu.memory_space<vmem>> -> memref<1024x16xf32, #tpu.memory_space<vmem>>
    %dma_start3A_195 = arith.constant 5120 : i32
    %dma_start3A_196 = tpu.memref_slice %arg13[%dma_start3A_195] : memref<10000xi32, #tpu.memory_space<vmem>> -> memref<1024xi32, #tpu.memory_space<vmem>>
    %dma_start3A_197 = arith.constant 0 : i32
    %dma_start3A_198 = arith.constant 0 : i32
    %dma_start3A_199 = tpu.memref_slice %arg21[%dma_start3A_197, %dma_start3A_198] : memref<10240x16xf32, #tpu.memory_space<vmem_shared>> -> memref<10240x16xf32, #tpu.memory_space<vmem_shared>>
    tpu.enqueue_indirect_dma source(%dma_start3A_199 : memref<10240x16xf32, #tpu.memory_space<vmem_shared>>) target(%dma_start3A_194 : memref<1024x16xf32, #tpu.memory_space<vmem>>) offsets(%dma_start3A_196 : memref<1024xi32, #tpu.memory_space<vmem>>) semaphore(%arg18 : memref<!tpu.dma_semaphore, #tpu.memory_space<semaphore_mem>>)
    %dma_wait3A_200 = arith.constant 0 : i32
    %dma_wait3A_201 = arith.constant 0 : i32
    %dma_wait3A_202 = tpu.memref_slice %arg15[%dma_wait3A_200, %dma_wait3A_201] : memref<3072x16xf32, #tpu.memory_space<vmem>> -> memref<1024x16xf32, #tpu.memory_space<vmem>>
    %dma_wait3A_203 = arith.constant 3072 : i32
    %dma_wait3A_204 = tpu.memref_slice %arg13[%dma_wait3A_203] : memref<10000xi32, #tpu.memory_space<vmem>> -> memref<1024xi32, #tpu.memory_space<vmem>>
    %dma_wait3A_205 = arith.constant 0 : i32
    %dma_wait3A_206 = arith.constant 0 : i32
    %dma_wait3A_207 = tpu.memref_slice %arg21[%dma_wait3A_205, %dma_wait3A_206] : memref<10240x16xf32, #tpu.memory_space<vmem_shared>> -> memref<10240x16xf32, #tpu.memory_space<vmem_shared>>
    tpu.wait_indirect_dma semaphore(%arg16 : memref<!tpu.dma_semaphore, #tpu.memory_space<semaphore_mem>>) src(%dma_wait3A_207 : memref<10240x16xf32, #tpu.memory_space<vmem_shared>>) dst(%dma_wait3A_202 : memref<1024x16xf32, #tpu.memory_space<vmem>>)
    %dma_start3A_208 = arith.constant 0 : i32
    %dma_start3A_209 = arith.constant 0 : i32
    %dma_start3A_210 = tpu.memref_slice %arg15[%dma_start3A_208, %dma_start3A_209] : memref<3072x16xf32, #tpu.memory_space<vmem>> -> memref<1024x16xf32, #tpu.memory_space<vmem>>
    %dma_start3A_211 = arith.constant 3072 : i32
    %dma_start3A_212 = tpu.memref_slice %arg14[%dma_start3A_211] : memref<10000xi32, #tpu.memory_space<vmem>> -> memref<1024xi32, #tpu.memory_space<vmem>>
    %dma_start3A_213 = arith.constant 0 : i32
    %dma_start3A_214 = arith.constant 0 : i32
    %dma_start3A_215 = tpu.memref_slice %arg20[%dma_start3A_213, %dma_start3A_214] : memref<10240x16xf32, #tpu.memory_space<vmem_shared>> -> memref<10240x16xf32, #tpu.memory_space<vmem_shared>>
    tpu.enqueue_indirect_dma source(%dma_start3A_210 : memref<1024x16xf32, #tpu.memory_space<vmem>>) target(%dma_start3A_215 : memref<10240x16xf32, #tpu.memory_space<vmem_shared>>) offsets(%dma_start3A_212 : memref<1024xi32, #tpu.memory_space<vmem>>) semaphore(%arg16 : memref<!tpu.dma_semaphore, #tpu.memory_space<semaphore_mem>>) {add = true}
    %dma_wait3A_216 = arith.constant 0 : i32
    %dma_wait3A_217 = arith.constant 0 : i32
    %dma_wait3A_218 = tpu.memref_slice %arg15[%dma_wait3A_216, %dma_wait3A_217] : memref<3072x16xf32, #tpu.memory_space<vmem>> -> memref<1024x16xf32, #tpu.memory_space<vmem>>
    %dma_wait3A_219 = arith.constant 3072 : i32
    %dma_wait3A_220 = tpu.memref_slice %arg14[%dma_wait3A_219] : memref<10000xi32, #tpu.memory_space<vmem>> -> memref<1024xi32, #tpu.memory_space<vmem>>
    %dma_wait3A_221 = arith.constant 0 : i32
    %dma_wait3A_222 = arith.constant 0 : i32
    %dma_wait3A_223 = tpu.memref_slice %arg20[%dma_wait3A_221, %dma_wait3A_222] : memref<10240x16xf32, #tpu.memory_space<vmem_shared>> -> memref<10240x16xf32, #tpu.memory_space<vmem_shared>>
    tpu.wait_indirect_dma semaphore(%arg16 : memref<!tpu.dma_semaphore, #tpu.memory_space<semaphore_mem>>) src(%dma_wait3A_218 : memref<1024x16xf32, #tpu.memory_space<vmem>>) dst(%dma_wait3A_223 : memref<10240x16xf32, #tpu.memory_space<vmem_shared>>)
    %dma_start3A_224 = arith.constant 0 : i32
    %dma_start3A_225 = arith.constant 0 : i32
    %dma_start3A_226 = tpu.memref_slice %arg15[%dma_start3A_224, %dma_start3A_225] : memref<3072x16xf32, #tpu.memory_space<vmem>> -> memref<1024x16xf32, #tpu.memory_space<vmem>>
    %dma_start3A_227 = arith.constant 6144 : i32
    %dma_start3A_228 = tpu.memref_slice %arg13[%dma_start3A_227] : memref<10000xi32, #tpu.memory_space<vmem>> -> memref<1024xi32, #tpu.memory_space<vmem>>
    %dma_start3A_229 = arith.constant 0 : i32
    %dma_start3A_230 = arith.constant 0 : i32
    %dma_start3A_231 = tpu.memref_slice %arg21[%dma_start3A_229, %dma_start3A_230] : memref<10240x16xf32, #tpu.memory_space<vmem_shared>> -> memref<10240x16xf32, #tpu.memory_space<vmem_shared>>
    tpu.enqueue_indirect_dma source(%dma_start3A_231 : memref<10240x16xf32, #tpu.memory_space<vmem_shared>>) target(%dma_start3A_226 : memref<1024x16xf32, #tpu.memory_space<vmem>>) offsets(%dma_start3A_228 : memref<1024xi32, #tpu.memory_space<vmem>>) semaphore(%arg16 : memref<!tpu.dma_semaphore, #tpu.memory_space<semaphore_mem>>)
    %dma_wait3A_232 = arith.constant 1024 : i32
    %dma_wait3A_233 = arith.constant 0 : i32
    %dma_wait3A_234 = tpu.memref_slice %arg15[%dma_wait3A_232, %dma_wait3A_233] : memref<3072x16xf32, #tpu.memory_space<vmem>> -> memref<1024x16xf32, #tpu.memory_space<vmem>>
    %dma_wait3A_235 = arith.constant 4096 : i32
    %dma_wait3A_236 = tpu.memref_slice %arg13[%dma_wait3A_235] : memref<10000xi32, #tpu.memory_space<vmem>> -> memref<1024xi32, #tpu.memory_space<vmem>>
    %dma_wait3A_237 = arith.constant 0 : i32
    %dma_wait3A_238 = arith.constant 0 : i32
    %dma_wait3A_239 = tpu.memref_slice %arg21[%dma_wait3A_237, %dma_wait3A_238] : memref<10240x16xf32, #tpu.memory_space<vmem_shared>> -> memref<10240x16xf32, #tpu.memory_space<vmem_shared>>
    tpu.wait_indirect_dma semaphore(%arg17 : memref<!tpu.dma_semaphore, #tpu.memory_space<semaphore_mem>>) src(%dma_wait3A_239 : memref<10240x16xf32, #tpu.memory_space<vmem_shared>>) dst(%dma_wait3A_234 : memref<1024x16xf32, #tpu.memory_space<vmem>>)
    %dma_start3A_240 = arith.constant 1024 : i32
    %dma_start3A_241 = arith.constant 0 : i32
    %dma_start3A_242 = tpu.memref_slice %arg15[%dma_start3A_240, %dma_start3A_241] : memref<3072x16xf32, #tpu.memory_space<vmem>> -> memref<1024x16xf32, #tpu.memory_space<vmem>>
    %dma_start3A_243 = arith.constant 4096 : i32
    %dma_start3A_244 = tpu.memref_slice %arg14[%dma_start3A_243] : memref<10000xi32, #tpu.memory_space<vmem>> -> memref<1024xi32, #tpu.memory_space<vmem>>
    %dma_start3A_245 = arith.constant 0 : i32
    %dma_start3A_246 = arith.constant 0 : i32
    %dma_start3A_247 = tpu.memref_slice %arg20[%dma_start3A_245, %dma_start3A_246] : memref<10240x16xf32, #tpu.memory_space<vmem_shared>> -> memref<10240x16xf32, #tpu.memory_space<vmem_shared>>
    tpu.enqueue_indirect_dma source(%dma_start3A_242 : memref<1024x16xf32, #tpu.memory_space<vmem>>) target(%dma_start3A_247 : memref<10240x16xf32, #tpu.memory_space<vmem_shared>>) offsets(%dma_start3A_244 : memref<1024xi32, #tpu.memory_space<vmem>>) semaphore(%arg17 : memref<!tpu.dma_semaphore, #tpu.memory_space<semaphore_mem>>) {add = true}
    %dma_wait3A_248 = arith.constant 1024 : i32
    %dma_wait3A_249 = arith.constant 0 : i32
    %dma_wait3A_250 = tpu.memref_slice %arg15[%dma_wait3A_248, %dma_wait3A_249] : memref<3072x16xf32, #tpu.memory_space<vmem>> -> memref<1024x16xf32, #tpu.memory_space<vmem>>
    %dma_wait3A_251 = arith.constant 4096 : i32
    %dma_wait3A_252 = tpu.memref_slice %arg14[%dma_wait3A_251] : memref<10000xi32, #tpu.memory_space<vmem>> -> memref<1024xi32, #tpu.memory_space<vmem>>
    %dma_wait3A_253 = arith.constant 0 : i32
    %dma_wait3A_254 = arith.constant 0 : i32
    %dma_wait3A_255 = tpu.memref_slice %arg20[%dma_wait3A_253, %dma_wait3A_254] : memref<10240x16xf32, #tpu.memory_space<vmem_shared>> -> memref<10240x16xf32, #tpu.memory_space<vmem_shared>>
    tpu.wait_indirect_dma semaphore(%arg17 : memref<!tpu.dma_semaphore, #tpu.memory_space<semaphore_mem>>) src(%dma_wait3A_250 : memref<1024x16xf32, #tpu.memory_space<vmem>>) dst(%dma_wait3A_255 : memref<10240x16xf32, #tpu.memory_space<vmem_shared>>)
    %dma_start3A_256 = arith.constant 1024 : i32
    %dma_start3A_257 = arith.constant 0 : i32
    %dma_start3A_258 = tpu.memref_slice %arg15[%dma_start3A_256, %dma_start3A_257] : memref<3072x16xf32, #tpu.memory_space<vmem>> -> memref<1024x16xf32, #tpu.memory_space<vmem>>
    %dma_start3A_259 = arith.constant 7168 : i32
    %dma_start3A_260 = tpu.memref_slice %arg13[%dma_start3A_259] : memref<10000xi32, #tpu.memory_space<vmem>> -> memref<1024xi32, #tpu.memory_space<vmem>>
    %dma_start3A_261 = arith.constant 0 : i32
    %dma_start3A_262 = arith.constant 0 : i32
    %dma_start3A_263 = tpu.memref_slice %arg21[%dma_start3A_261, %dma_start3A_262] : memref<10240x16xf32, #tpu.memory_space<vmem_shared>> -> memref<10240x16xf32, #tpu.memory_space<vmem_shared>>
    tpu.enqueue_indirect_dma source(%dma_start3A_263 : memref<10240x16xf32, #tpu.memory_space<vmem_shared>>) target(%dma_start3A_258 : memref<1024x16xf32, #tpu.memory_space<vmem>>) offsets(%dma_start3A_260 : memref<1024xi32, #tpu.memory_space<vmem>>) semaphore(%arg17 : memref<!tpu.dma_semaphore, #tpu.memory_space<semaphore_mem>>)
    %dma_wait3A_264 = arith.constant 2048 : i32
    %dma_wait3A_265 = arith.constant 0 : i32
    %dma_wait3A_266 = tpu.memref_slice %arg15[%dma_wait3A_264, %dma_wait3A_265] : memref<3072x16xf32, #tpu.memory_space<vmem>> -> memref<1024x16xf32, #tpu.memory_space<vmem>>
    %dma_wait3A_267 = arith.constant 5120 : i32
    %dma_wait3A_268 = tpu.memref_slice %arg13[%dma_wait3A_267] : memref<10000xi32, #tpu.memory_space<vmem>> -> memref<1024xi32, #tpu.memory_space<vmem>>
    %dma_wait3A_269 = arith.constant 0 : i32
    %dma_wait3A_270 = arith.constant 0 : i32
    %dma_wait3A_271 = tpu.memref_slice %arg21[%dma_wait3A_269, %dma_wait3A_270] : memref<10240x16xf32, #tpu.memory_space<vmem_shared>> -> memref<10240x16xf32, #tpu.memory_space<vmem_shared>>
    tpu.wait_indirect_dma semaphore(%arg18 : memref<!tpu.dma_semaphore, #tpu.memory_space<semaphore_mem>>) src(%dma_wait3A_271 : memref<10240x16xf32, #tpu.memory_space<vmem_shared>>) dst(%dma_wait3A_266 : memref<1024x16xf32, #tpu.memory_space<vmem>>)
    %dma_start3A_272 = arith.constant 2048 : i32
    %dma_start3A_273 = arith.constant 0 : i32
    %dma_start3A_274 = tpu.memref_slice %arg15[%dma_start3A_272, %dma_start3A_273] : memref<3072x16xf32, #tpu.memory_space<vmem>> -> memref<1024x16xf32, #tpu.memory_space<vmem>>
    %dma_start3A_275 = arith.constant 5120 : i32
    %dma_start3A_276 = tpu.memref_slice %arg14[%dma_start3A_275] : memref<10000xi32, #tpu.memory_space<vmem>> -> memref<1024xi32, #tpu.memory_space<vmem>>
    %dma_start3A_277 = arith.constant 0 : i32
    %dma_start3A_278 = arith.constant 0 : i32
    %dma_start3A_279 = tpu.memref_slice %arg20[%dma_start3A_277, %dma_start3A_278] : memref<10240x16xf32, #tpu.memory_space<vmem_shared>> -> memref<10240x16xf32, #tpu.memory_space<vmem_shared>>
    tpu.enqueue_indirect_dma source(%dma_start3A_274 : memref<1024x16xf32, #tpu.memory_space<vmem>>) target(%dma_start3A_279 : memref<10240x16xf32, #tpu.memory_space<vmem_shared>>) offsets(%dma_start3A_276 : memref<1024xi32, #tpu.memory_space<vmem>>) semaphore(%arg18 : memref<!tpu.dma_semaphore, #tpu.memory_space<semaphore_mem>>) {add = true}
    %dma_wait3A_280 = arith.constant 2048 : i32
    %dma_wait3A_281 = arith.constant 0 : i32
    %dma_wait3A_282 = tpu.memref_slice %arg15[%dma_wait3A_280, %dma_wait3A_281] : memref<3072x16xf32, #tpu.memory_space<vmem>> -> memref<1024x16xf32, #tpu.memory_space<vmem>>
    %dma_wait3A_283 = arith.constant 5120 : i32
    %dma_wait3A_284 = tpu.memref_slice %arg14[%dma_wait3A_283] : memref<10000xi32, #tpu.memory_space<vmem>> -> memref<1024xi32, #tpu.memory_space<vmem>>
    %dma_wait3A_285 = arith.constant 0 : i32
    %dma_wait3A_286 = arith.constant 0 : i32
    %dma_wait3A_287 = tpu.memref_slice %arg20[%dma_wait3A_285, %dma_wait3A_286] : memref<10240x16xf32, #tpu.memory_space<vmem_shared>> -> memref<10240x16xf32, #tpu.memory_space<vmem_shared>>
    tpu.wait_indirect_dma semaphore(%arg18 : memref<!tpu.dma_semaphore, #tpu.memory_space<semaphore_mem>>) src(%dma_wait3A_282 : memref<1024x16xf32, #tpu.memory_space<vmem>>) dst(%dma_wait3A_287 : memref<10240x16xf32, #tpu.memory_space<vmem_shared>>)
    %dma_start3A_288 = arith.constant 2048 : i32
    %dma_start3A_289 = arith.constant 0 : i32
    %dma_start3A_290 = tpu.memref_slice %arg15[%dma_start3A_288, %dma_start3A_289] : memref<3072x16xf32, #tpu.memory_space<vmem>> -> memref<1024x16xf32, #tpu.memory_space<vmem>>
    %dma_start3A_291 = arith.constant 8192 : i32
    %dma_start3A_292 = tpu.memref_slice %arg13[%dma_start3A_291] : memref<10000xi32, #tpu.memory_space<vmem>> -> memref<1024xi32, #tpu.memory_space<vmem>>
    %dma_start3A_293 = arith.constant 0 : i32
    %dma_start3A_294 = arith.constant 0 : i32
    %dma_start3A_295 = tpu.memref_slice %arg21[%dma_start3A_293, %dma_start3A_294] : memref<10240x16xf32, #tpu.memory_space<vmem_shared>> -> memref<10240x16xf32, #tpu.memory_space<vmem_shared>>
    tpu.enqueue_indirect_dma source(%dma_start3A_295 : memref<10240x16xf32, #tpu.memory_space<vmem_shared>>) target(%dma_start3A_290 : memref<1024x16xf32, #tpu.memory_space<vmem>>) offsets(%dma_start3A_292 : memref<1024xi32, #tpu.memory_space<vmem>>) semaphore(%arg18 : memref<!tpu.dma_semaphore, #tpu.memory_space<semaphore_mem>>)
    %dma_wait3A_296 = arith.constant 0 : i32
    %dma_wait3A_297 = arith.constant 0 : i32
    %dma_wait3A_298 = tpu.memref_slice %arg15[%dma_wait3A_296, %dma_wait3A_297] : memref<3072x16xf32, #tpu.memory_space<vmem>> -> memref<1024x16xf32, #tpu.memory_space<vmem>>
    %dma_wait3A_299 = arith.constant 6144 : i32
    %dma_wait3A_300 = tpu.memref_slice %arg13[%dma_wait3A_299] : memref<10000xi32, #tpu.memory_space<vmem>> -> memref<1024xi32, #tpu.memory_space<vmem>>
    %dma_wait3A_301 = arith.constant 0 : i32
    %dma_wait3A_302 = arith.constant 0 : i32
    %dma_wait3A_303 = tpu.memref_slice %arg21[%dma_wait3A_301, %dma_wait3A_302] : memref<10240x16xf32, #tpu.memory_space<vmem_shared>> -> memref<10240x16xf32, #tpu.memory_space<vmem_shared>>
    tpu.wait_indirect_dma semaphore(%arg16 : memref<!tpu.dma_semaphore, #tpu.memory_space<semaphore_mem>>) src(%dma_wait3A_303 : memref<10240x16xf32, #tpu.memory_space<vmem_shared>>) dst(%dma_wait3A_298 : memref<1024x16xf32, #tpu.memory_space<vmem>>)
    %dma_start3A_304 = arith.constant 0 : i32
    %dma_start3A_305 = arith.constant 0 : i32
    %dma_start3A_306 = tpu.memref_slice %arg15[%dma_start3A_304, %dma_start3A_305] : memref<3072x16xf32, #tpu.memory_space<vmem>> -> memref<1024x16xf32, #tpu.memory_space<vmem>>
    %dma_start3A_307 = arith.constant 6144 : i32
    %dma_start3A_308 = tpu.memref_slice %arg14[%dma_start3A_307] : memref<10000xi32, #tpu.memory_space<vmem>> -> memref<1024xi32, #tpu.memory_space<vmem>>
    %dma_start3A_309 = arith.constant 0 : i32
    %dma_start3A_310 = arith.constant 0 : i32
    %dma_start3A_311 = tpu.memref_slice %arg20[%dma_start3A_309, %dma_start3A_310] : memref<10240x16xf32, #tpu.memory_space<vmem_shared>> -> memref<10240x16xf32, #tpu.memory_space<vmem_shared>>
    tpu.enqueue_indirect_dma source(%dma_start3A_306 : memref<1024x16xf32, #tpu.memory_space<vmem>>) target(%dma_start3A_311 : memref<10240x16xf32, #tpu.memory_space<vmem_shared>>) offsets(%dma_start3A_308 : memref<1024xi32, #tpu.memory_space<vmem>>) semaphore(%arg16 : memref<!tpu.dma_semaphore, #tpu.memory_space<semaphore_mem>>) {add = true}
    %dma_wait3A_312 = arith.constant 0 : i32
    %dma_wait3A_313 = arith.constant 0 : i32
    %dma_wait3A_314 = tpu.memref_slice %arg15[%dma_wait3A_312, %dma_wait3A_313] : memref<3072x16xf32, #tpu.memory_space<vmem>> -> memref<1024x16xf32, #tpu.memory_space<vmem>>
    %dma_wait3A_315 = arith.constant 6144 : i32
    %dma_wait3A_316 = tpu.memref_slice %arg14[%dma_wait3A_315] : memref<10000xi32, #tpu.memory_space<vmem>> -> memref<1024xi32, #tpu.memory_space<vmem>>
    %dma_wait3A_317 = arith.constant 0 : i32
    %dma_wait3A_318 = arith.constant 0 : i32
    %dma_wait3A_319 = tpu.memref_slice %arg20[%dma_wait3A_317, %dma_wait3A_318] : memref<10240x16xf32, #tpu.memory_space<vmem_shared>> -> memref<10240x16xf32, #tpu.memory_space<vmem_shared>>
    tpu.wait_indirect_dma semaphore(%arg16 : memref<!tpu.dma_semaphore, #tpu.memory_space<semaphore_mem>>) src(%dma_wait3A_314 : memref<1024x16xf32, #tpu.memory_space<vmem>>) dst(%dma_wait3A_319 : memref<10240x16xf32, #tpu.memory_space<vmem_shared>>)
    %dma_start3A_320 = arith.constant 0 : i32
    %dma_start3A_321 = arith.constant 0 : i32
    %dma_start3A_322 = tpu.memref_slice %arg15[%dma_start3A_320, %dma_start3A_321] : memref<3072x16xf32, #tpu.memory_space<vmem>> -> memref<784x16xf32, #tpu.memory_space<vmem>>
    %dma_start3A_323 = arith.constant 9216 : i32
    %dma_start3A_324 = tpu.memref_slice %arg13[%dma_start3A_323] : memref<10000xi32, #tpu.memory_space<vmem>> -> memref<784xi32, #tpu.memory_space<vmem>>
    %dma_start3A_325 = arith.constant 0 : i32
    %dma_start3A_326 = arith.constant 0 : i32
    %dma_start3A_327 = tpu.memref_slice %arg21[%dma_start3A_325, %dma_start3A_326] : memref<10240x16xf32, #tpu.memory_space<vmem_shared>> -> memref<10240x16xf32, #tpu.memory_space<vmem_shared>>
    tpu.enqueue_indirect_dma source(%dma_start3A_327 : memref<10240x16xf32, #tpu.memory_space<vmem_shared>>) target(%dma_start3A_322 : memref<784x16xf32, #tpu.memory_space<vmem>>) offsets(%dma_start3A_324 : memref<784xi32, #tpu.memory_space<vmem>>) semaphore(%arg16 : memref<!tpu.dma_semaphore, #tpu.memory_space<semaphore_mem>>)
    %dma_wait3A_328 = arith.constant 1024 : i32
    %dma_wait3A_329 = arith.constant 0 : i32
    %dma_wait3A_330 = tpu.memref_slice %arg15[%dma_wait3A_328, %dma_wait3A_329] : memref<3072x16xf32, #tpu.memory_space<vmem>> -> memref<1024x16xf32, #tpu.memory_space<vmem>>
    %dma_wait3A_331 = arith.constant 7168 : i32
    %dma_wait3A_332 = tpu.memref_slice %arg13[%dma_wait3A_331] : memref<10000xi32, #tpu.memory_space<vmem>> -> memref<1024xi32, #tpu.memory_space<vmem>>
    %dma_wait3A_333 = arith.constant 0 : i32
    %dma_wait3A_334 = arith.constant 0 : i32
    %dma_wait3A_335 = tpu.memref_slice %arg21[%dma_wait3A_333, %dma_wait3A_334] : memref<10240x16xf32, #tpu.memory_space<vmem_shared>> -> memref<10240x16xf32, #tpu.memory_space<vmem_shared>>
    tpu.wait_indirect_dma semaphore(%arg17 : memref<!tpu.dma_semaphore, #tpu.memory_space<semaphore_mem>>) src(%dma_wait3A_335 : memref<10240x16xf32, #tpu.memory_space<vmem_shared>>) dst(%dma_wait3A_330 : memref<1024x16xf32, #tpu.memory_space<vmem>>)
    %dma_start3A_336 = arith.constant 1024 : i32
    %dma_start3A_337 = arith.constant 0 : i32
    %dma_start3A_338 = tpu.memref_slice %arg15[%dma_start3A_336, %dma_start3A_337] : memref<3072x16xf32, #tpu.memory_space<vmem>> -> memref<1024x16xf32, #tpu.memory_space<vmem>>
    %dma_start3A_339 = arith.constant 7168 : i32
    %dma_start3A_340 = tpu.memref_slice %arg14[%dma_start3A_339] : memref<10000xi32, #tpu.memory_space<vmem>> -> memref<1024xi32, #tpu.memory_space<vmem>>
    %dma_start3A_341 = arith.constant 0 : i32
    %dma_start3A_342 = arith.constant 0 : i32
    %dma_start3A_343 = tpu.memref_slice %arg20[%dma_start3A_341, %dma_start3A_342] : memref<10240x16xf32, #tpu.memory_space<vmem_shared>> -> memref<10240x16xf32, #tpu.memory_space<vmem_shared>>
    tpu.enqueue_indirect_dma source(%dma_start3A_338 : memref<1024x16xf32, #tpu.memory_space<vmem>>) target(%dma_start3A_343 : memref<10240x16xf32, #tpu.memory_space<vmem_shared>>) offsets(%dma_start3A_340 : memref<1024xi32, #tpu.memory_space<vmem>>) semaphore(%arg17 : memref<!tpu.dma_semaphore, #tpu.memory_space<semaphore_mem>>) {add = true}
    %dma_wait3A_344 = arith.constant 2048 : i32
    %dma_wait3A_345 = arith.constant 0 : i32
    %dma_wait3A_346 = tpu.memref_slice %arg15[%dma_wait3A_344, %dma_wait3A_345] : memref<3072x16xf32, #tpu.memory_space<vmem>> -> memref<1024x16xf32, #tpu.memory_space<vmem>>
    %dma_wait3A_347 = arith.constant 8192 : i32
    %dma_wait3A_348 = tpu.memref_slice %arg13[%dma_wait3A_347] : memref<10000xi32, #tpu.memory_space<vmem>> -> memref<1024xi32, #tpu.memory_space<vmem>>
    %dma_wait3A_349 = arith.constant 0 : i32
    %dma_wait3A_350 = arith.constant 0 : i32
    %dma_wait3A_351 = tpu.memref_slice %arg21[%dma_wait3A_349, %dma_wait3A_350] : memref<10240x16xf32, #tpu.memory_space<vmem_shared>> -> memref<10240x16xf32, #tpu.memory_space<vmem_shared>>
    tpu.wait_indirect_dma semaphore(%arg18 : memref<!tpu.dma_semaphore, #tpu.memory_space<semaphore_mem>>) src(%dma_wait3A_351 : memref<10240x16xf32, #tpu.memory_space<vmem_shared>>) dst(%dma_wait3A_346 : memref<1024x16xf32, #tpu.memory_space<vmem>>)
    %dma_start3A_352 = arith.constant 2048 : i32
    %dma_start3A_353 = arith.constant 0 : i32
    %dma_start3A_354 = tpu.memref_slice %arg15[%dma_start3A_352, %dma_start3A_353] : memref<3072x16xf32, #tpu.memory_space<vmem>> -> memref<1024x16xf32, #tpu.memory_space<vmem>>
    %dma_start3A_355 = arith.constant 8192 : i32
    %dma_start3A_356 = tpu.memref_slice %arg14[%dma_start3A_355] : memref<10000xi32, #tpu.memory_space<vmem>> -> memref<1024xi32, #tpu.memory_space<vmem>>
    %dma_start3A_357 = arith.constant 0 : i32
    %dma_start3A_358 = arith.constant 0 : i32
    %dma_start3A_359 = tpu.memref_slice %arg20[%dma_start3A_357, %dma_start3A_358] : memref<10240x16xf32, #tpu.memory_space<vmem_shared>> -> memref<10240x16xf32, #tpu.memory_space<vmem_shared>>
    tpu.enqueue_indirect_dma source(%dma_start3A_354 : memref<1024x16xf32, #tpu.memory_space<vmem>>) target(%dma_start3A_359 : memref<10240x16xf32, #tpu.memory_space<vmem_shared>>) offsets(%dma_start3A_356 : memref<1024xi32, #tpu.memory_space<vmem>>) semaphore(%arg18 : memref<!tpu.dma_semaphore, #tpu.memory_space<semaphore_mem>>) {add = true}
    %dma_wait3A_360 = arith.constant 0 : i32
    %dma_wait3A_361 = arith.constant 0 : i32
    %dma_wait3A_362 = tpu.memref_slice %arg15[%dma_wait3A_360, %dma_wait3A_361] : memref<3072x16xf32, #tpu.memory_space<vmem>> -> memref<784x16xf32, #tpu.memory_space<vmem>>
    %dma_wait3A_363 = arith.constant 9216 : i32
    %dma_wait3A_364 = tpu.memref_slice %arg13[%dma_wait3A_363] : memref<10000xi32, #tpu.memory_space<vmem>> -> memref<784xi32, #tpu.memory_space<vmem>>
    %dma_wait3A_365 = arith.constant 0 : i32
    %dma_wait3A_366 = arith.constant 0 : i32
    %dma_wait3A_367 = tpu.memref_slice %arg21[%dma_wait3A_365, %dma_wait3A_366] : memref<10240x16xf32, #tpu.memory_space<vmem_shared>> -> memref<10240x16xf32, #tpu.memory_space<vmem_shared>>
    tpu.wait_indirect_dma semaphore(%arg16 : memref<!tpu.dma_semaphore, #tpu.memory_space<semaphore_mem>>) src(%dma_wait3A_367 : memref<10240x16xf32, #tpu.memory_space<vmem_shared>>) dst(%dma_wait3A_362 : memref<784x16xf32, #tpu.memory_space<vmem>>)
    %dma_start3A_368 = arith.constant 0 : i32
    %dma_start3A_369 = arith.constant 0 : i32
    %dma_start3A_370 = tpu.memref_slice %arg15[%dma_start3A_368, %dma_start3A_369] : memref<3072x16xf32, #tpu.memory_space<vmem>> -> memref<784x16xf32, #tpu.memory_space<vmem>>
    %dma_start3A_371 = arith.constant 9216 : i32
    %dma_start3A_372 = tpu.memref_slice %arg14[%dma_start3A_371] : memref<10000xi32, #tpu.memory_space<vmem>> -> memref<784xi32, #tpu.memory_space<vmem>>
    %dma_start3A_373 = arith.constant 0 : i32
    %dma_start3A_374 = arith.constant 0 : i32
    %dma_start3A_375 = tpu.memref_slice %arg20[%dma_start3A_373, %dma_start3A_374] : memref<10240x16xf32, #tpu.memory_space<vmem_shared>> -> memref<10240x16xf32, #tpu.memory_space<vmem_shared>>
    tpu.enqueue_indirect_dma source(%dma_start3A_370 : memref<784x16xf32, #tpu.memory_space<vmem>>) target(%dma_start3A_375 : memref<10240x16xf32, #tpu.memory_space<vmem_shared>>) offsets(%dma_start3A_372 : memref<784xi32, #tpu.memory_space<vmem>>) semaphore(%arg16 : memref<!tpu.dma_semaphore, #tpu.memory_space<semaphore_mem>>) {add = true}
    %dma_wait3A_376 = arith.constant 1024 : i32
    %dma_wait3A_377 = arith.constant 0 : i32
    %dma_wait3A_378 = tpu.memref_slice %arg15[%dma_wait3A_376, %dma_wait3A_377] : memref<3072x16xf32, #tpu.memory_space<vmem>> -> memref<1024x16xf32, #tpu.memory_space<vmem>>
    %dma_wait3A_379 = arith.constant 7168 : i32
    %dma_wait3A_380 = tpu.memref_slice %arg14[%dma_wait3A_379] : memref<10000xi32, #tpu.memory_space<vmem>> -> memref<1024xi32, #tpu.memory_space<vmem>>
    %dma_wait3A_381 = arith.constant 0 : i32
    %dma_wait3A_382 = arith.constant 0 : i32
    %dma_wait3A_383 = tpu.memref_slice %arg20[%dma_wait3A_381, %dma_wait3A_382] : memref<10240x16xf32, #tpu.memory_space<vmem_shared>> -> memref<10240x16xf32, #tpu.memory_space<vmem_shared>>
    tpu.wait_indirect_dma semaphore(%arg17 : memref<!tpu.dma_semaphore, #tpu.memory_space<semaphore_mem>>) src(%dma_wait3A_378 : memref<1024x16xf32, #tpu.memory_space<vmem>>) dst(%dma_wait3A_383 : memref<10240x16xf32, #tpu.memory_space<vmem_shared>>)
    %dma_wait3A_384 = arith.constant 2048 : i32
    %dma_wait3A_385 = arith.constant 0 : i32
    %dma_wait3A_386 = tpu.memref_slice %arg15[%dma_wait3A_384, %dma_wait3A_385] : memref<3072x16xf32, #tpu.memory_space<vmem>> -> memref<1024x16xf32, #tpu.memory_space<vmem>>
    %dma_wait3A_387 = arith.constant 8192 : i32
    %dma_wait3A_388 = tpu.memref_slice %arg14[%dma_wait3A_387] : memref<10000xi32, #tpu.memory_space<vmem>> -> memref<1024xi32, #tpu.memory_space<vmem>>
    %dma_wait3A_389 = arith.constant 0 : i32
    %dma_wait3A_390 = arith.constant 0 : i32
    %dma_wait3A_391 = tpu.memref_slice %arg20[%dma_wait3A_389, %dma_wait3A_390] : memref<10240x16xf32, #tpu.memory_space<vmem_shared>> -> memref<10240x16xf32, #tpu.memory_space<vmem_shared>>
    tpu.wait_indirect_dma semaphore(%arg18 : memref<!tpu.dma_semaphore, #tpu.memory_space<semaphore_mem>>) src(%dma_wait3A_386 : memref<1024x16xf32, #tpu.memory_space<vmem>>) dst(%dma_wait3A_391 : memref<10240x16xf32, #tpu.memory_space<vmem_shared>>)
    %dma_wait3A_392 = arith.constant 0 : i32
    %dma_wait3A_393 = arith.constant 0 : i32
    %dma_wait3A_394 = tpu.memref_slice %arg15[%dma_wait3A_392, %dma_wait3A_393] : memref<3072x16xf32, #tpu.memory_space<vmem>> -> memref<784x16xf32, #tpu.memory_space<vmem>>
    %dma_wait3A_395 = arith.constant 9216 : i32
    %dma_wait3A_396 = tpu.memref_slice %arg14[%dma_wait3A_395] : memref<10000xi32, #tpu.memory_space<vmem>> -> memref<784xi32, #tpu.memory_space<vmem>>
    %dma_wait3A_397 = arith.constant 0 : i32
    %dma_wait3A_398 = arith.constant 0 : i32
    %dma_wait3A_399 = tpu.memref_slice %arg20[%dma_wait3A_397, %dma_wait3A_398] : memref<10240x16xf32, #tpu.memory_space<vmem_shared>> -> memref<10240x16xf32, #tpu.memory_space<vmem_shared>>
    tpu.wait_indirect_dma semaphore(%arg16 : memref<!tpu.dma_semaphore, #tpu.memory_space<semaphore_mem>>) src(%dma_wait3A_394 : memref<784x16xf32, #tpu.memory_space<vmem>>) dst(%dma_wait3A_399 : memref<10240x16xf32, #tpu.memory_space<vmem_shared>>)
    %barrier3A_400 = arith.constant 0 : index
    tpu.barrier barrier_id(%barrier3A_400)
    "tpu.region"() ({
      %run_scoped3A_401 = tpu.sem_alloc : memref<!tpu.dma_semaphore, #tpu.memory_space<semaphore_mem>>
      %dma_start3A_402 = arith.constant 0 : i32
      %dma_start3A_403 = tpu.memref_slice %arg7[%arg0, %mul3A_2, %dma_start3A_402] : memref<2x10240x16xf32, #tpu.memory_space<hbm>> -> memref<1x640x16xf32, #tpu.memory_space<hbm>>
      %dma_start3A_404 = tpu.memref_squeeze %dma_start3A_403 : memref<1x640x16xf32, #tpu.memory_space<hbm>> -> memref<640x16xf32, #tpu.memory_space<hbm>>
      %dma_start3A_405 = arith.constant 0 : i32
      %dma_start3A_406 = tpu.memref_slice %arg20[%mul3A_2, %dma_start3A_405] : memref<10240x16xf32, #tpu.memory_space<vmem_shared>> -> memref<640x16xf32, #tpu.memory_space<vmem_shared>>
      tpu.enqueue_dma source(%dma_start3A_406 : memref<640x16xf32, #tpu.memory_space<vmem_shared>>) target(%dma_start3A_404 : memref<640x16xf32, #tpu.memory_space<hbm>>) target_semaphore(%run_scoped3A_401 : memref<!tpu.dma_semaphore, #tpu.memory_space<semaphore_mem>>)
      %dma_wait3A_407 = arith.constant 0 : i32
      %dma_wait3A_408 = tpu.memref_slice %arg7[%arg0, %mul3A_2, %dma_wait3A_407] : memref<2x10240x16xf32, #tpu.memory_space<hbm>> -> memref<1x640x16xf32, #tpu.memory_space<hbm>>
      %dma_wait3A_409 = tpu.memref_squeeze %dma_wait3A_408 : memref<1x640x16xf32, #tpu.memory_space<hbm>> -> memref<640x16xf32, #tpu.memory_space<hbm>>
      %dma_wait3A_410 = arith.constant 0 : i32
      %dma_wait3A_411 = tpu.memref_slice %arg20[%mul3A_2, %dma_wait3A_410] : memref<10240x16xf32, #tpu.memory_space<vmem_shared>> -> memref<640x16xf32, #tpu.memory_space<vmem_shared>>
      tpu.wait_dma2 semaphore(%run_scoped3A_401 : memref<!tpu.dma_semaphore, #tpu.memory_space<semaphore_mem>>) src(%dma_wait3A_411 : memref<640x16xf32, #tpu.memory_space<vmem_shared>>) dst(%dma_wait3A_409 : memref<640x16xf32, #tpu.memory_space<hbm>>)
      tpu.yield
    }) : () -> ()
    return
  }
}

#map = affine_map<(d0, d1) -> (0, 0)>
#map1 = affine_map<(d0, d1) -> (0, 0, 0)>
module attributes {stable_mosaic.version = 14 : i64} {
  func.func @_count_pass(%arg0: i32, %arg1: i32, %arg2: memref<2x320000xi32, #tpu.memory_space<hbm>>, %arg3: memref<2x640x16xf32, #tpu.memory_space<hbm>>, %arg4: memref<640x16xf32, #tpu.memory_space<vmem>>, %arg5: memref<10000xi32, #tpu.memory_space<vmem>>, %arg6: memref<640xi32, #tpu.memory_space<vmem>>, %arg7: memref<!tpu.dma_semaphore, #tpu.memory_space<semaphore_mem>>, %arg8: memref<640x16xf32, #tpu.memory_space<vmem_shared>>) attributes {dimension_semantics = [#tpu.dimension_semantics<core_parallel>, #tpu.dimension_semantics<subcore_parallel>], iteration_bounds = array<i64: 2, 16>, scalar_prefetch = 0 : i64, scratch_operands = 5 : i64, tpu.core_type = #tpu.core_type<sc_vector_subcore>, window_params = [{transform_indices = #map}, {transform_indices = #map1}]} {
    %mul3A = arith.constant 2 : i32
    %mul3A_0 = arith.muli %arg1, %mul3A : i32
    %add3A = arith.addi %mul3A_0, %arg0 : i32
    %mul3A_1 = arith.constant 10000 : i32
    %mul3A_2 = arith.muli %add3A, %mul3A_1 : i32
    %dma_start3A = arith.constant 1 : i32
    %dma_start3A_3 = tpu.memref_slice %arg2[%dma_start3A, %mul3A_2] : memref<2x320000xi32, #tpu.memory_space<hbm>> -> memref<1x10000xi32, #tpu.memory_space<hbm>>
    %dma_start3A_4 = tpu.memref_squeeze %dma_start3A_3 : memref<1x10000xi32, #tpu.memory_space<hbm>> -> memref<10000xi32, #tpu.memory_space<hbm>>
    %dma_start3A_5 = tpu.memref_slice %arg2[%dma_start3A, %mul3A_2] : memref<2x320000xi32, #tpu.memory_space<hbm>> -> memref<1x10000xi32, #tpu.memory_space<hbm>>
    %dma_start3A_6 = tpu.memref_squeeze %dma_start3A_5 : memref<1x10000xi32, #tpu.memory_space<hbm>> -> memref<10000xi32, #tpu.memory_space<hbm>>
    tpu.enqueue_dma source(%dma_start3A_6 : memref<10000xi32, #tpu.memory_space<hbm>>) target(%arg5 : memref<10000xi32, #tpu.memory_space<vmem>>) target_semaphore(%arg7 : memref<!tpu.dma_semaphore, #tpu.memory_space<semaphore_mem>>)
    %broadcast_in_dim3A = arith.constant 0.000000e+00 : f32
    %broadcast_in_dim3A_7 = vector.broadcast %broadcast_in_dim3A : f32 to vector<16xf32>
    %scan3A = arith.constant 0 : i32
    %scan3A_8 = arith.constant 0 : i32
    %scan3A_9 = arith.constant 160 : i32
    %scan3A_10 = arith.addi %scan3A_8, %scan3A_9 : i32
    %scan3A_11 = arith.constant 1 : i32
    scf.for %scan3A_52 = %scan3A_8 to %scan3A_10 step %scan3A_11  : i32 {
      %mul3A_53 = arith.constant 4 : i32
      %mul3A_54 = arith.muli %scan3A_52, %mul3A_53 : i32
      %add3A_55 = arith.constant 0 : i32
      %add3A_56 = arith.addi %mul3A_54, %add3A_55 : i32
      %swap3A = arith.index_cast %add3A_56 : i32 to index
      %swap3A_57 = arith.constant 0 : index
      %swap3A_58 = tpu.vector_load %arg4[%swap3A, %swap3A_57] {strides = array<i32>} : memref<640x16xf32, #tpu.memory_space<vmem>>, vector<16xf32>,
      tpu.vector_store %arg4[%swap3A, %swap3A_57], %broadcast_in_dim3A_7 {strides = array<i32>} : memref<640x16xf32, #tpu.memory_space<vmem>>, vector<16xf32>,
      %mul3A_59 = arith.constant 4 : i32
      %mul3A_60 = arith.muli %scan3A_52, %mul3A_59 : i32
      %add3A_61 = arith.constant 1 : i32
      %add3A_62 = arith.addi %mul3A_60, %add3A_61 : i32
      %swap3A_63 = arith.index_cast %add3A_62 : i32 to index
      %swap3A_64 = arith.constant 0 : index
      %swap3A_65 = tpu.vector_load %arg4[%swap3A_63, %swap3A_64] {strides = array<i32>} : memref<640x16xf32, #tpu.memory_space<vmem>>, vector<16xf32>,
      tpu.vector_store %arg4[%swap3A_63, %swap3A_64], %broadcast_in_dim3A_7 {strides = array<i32>} : memref<640x16xf32, #tpu.memory_space<vmem>>, vector<16xf32>,
      %mul3A_66 = arith.constant 4 : i32
      %mul3A_67 = arith.muli %scan3A_52, %mul3A_66 : i32
      %add3A_68 = arith.constant 2 : i32
      %add3A_69 = arith.addi %mul3A_67, %add3A_68 : i32
      %swap3A_70 = arith.index_cast %add3A_69 : i32 to index
      %swap3A_71 = arith.constant 0 : index
      %swap3A_72 = tpu.vector_load %arg4[%swap3A_70, %swap3A_71] {strides = array<i32>} : memref<640x16xf32, #tpu.memory_space<vmem>>, vector<16xf32>,
      tpu.vector_store %arg4[%swap3A_70, %swap3A_71], %broadcast_in_dim3A_7 {strides = array<i32>} : memref<640x16xf32, #tpu.memory_space<vmem>>, vector<16xf32>,
      %mul3A_73 = arith.constant 4 : i32
      %mul3A_74 = arith.muli %scan3A_52, %mul3A_73 : i32
      %add3A_75 = arith.constant 3 : i32
      %add3A_76 = arith.addi %mul3A_74, %add3A_75 : i32
      %swap3A_77 = arith.index_cast %add3A_76 : i32 to index
      %swap3A_78 = arith.constant 0 : index
      %swap3A_79 = tpu.vector_load %arg4[%swap3A_77, %swap3A_78] {strides = array<i32>} : memref<640x16xf32, #tpu.memory_space<vmem>>, vector<16xf32>,
      tpu.vector_store %arg4[%swap3A_77, %swap3A_78], %broadcast_in_dim3A_7 {strides = array<i32>} : memref<640x16xf32, #tpu.memory_space<vmem>>, vector<16xf32>,
    }
    %scan3A_12 = arith.constant 160 : i32
    %iota3A = tpu.iota {dimensions = array<i32: 0>} : vector<16xi32>
    %scan3A_13 = arith.constant 0 : i32
    %scan3A_14 = arith.constant 0 : i32
    %scan3A_15 = arith.constant 40 : i32
    %scan3A_16 = arith.addi %scan3A_14, %scan3A_15 : i32
    %scan3A_17 = arith.constant 1 : i32
    scf.for %scan3A_52 = %scan3A_14 to %scan3A_16 step %scan3A_17  : i32 {
      %mul3A_53 = arith.constant 16 : i32
      %mul3A_54 = arith.muli %scan3A_52, %mul3A_53 : i32
      %add3A_55 = vector.broadcast %mul3A_54 : i32 to vector<16xi32>
      %add3A_56 = arith.addi %iota3A, %add3A_55 : vector<16xi32>
      %mul3A_57 = arith.constant 16 : i32
      %mul3A_58 = arith.muli %scan3A_52, %mul3A_57 : i32
      %swap3A = arith.index_cast %mul3A_58 : i32 to index
      %swap3A_59 = tpu.vector_load %arg6[%swap3A] {strides = array<i32>} : memref<640xi32, #tpu.memory_space<vmem>>, vector<16xi32>,
      tpu.vector_store %arg6[%swap3A], %add3A_56 {strides = array<i32>} : memref<640xi32, #tpu.memory_space<vmem>>, vector<16xi32>,
    }
    %scan3A_18 = arith.constant 40 : i32
    %mul3A_19 = arith.constant 40 : i32
    %mul3A_20 = arith.muli %arg1, %mul3A_19 : i32
    "tpu.region"() ({
      %run_scoped3A = tpu.sem_alloc : memref<!tpu.dma_semaphore, #tpu.memory_space<semaphore_mem>>
      %dma_start3A_52 = arith.constant 0 : i32
      %dma_start3A_53 = arith.constant 0 : i32
      %dma_start3A_54 = tpu.memref_slice %arg4[%dma_start3A_52, %dma_start3A_53] : memref<640x16xf32, #tpu.memory_space<vmem>> -> memref<40x16xf32, #tpu.memory_space<vmem>>
      %dma_start3A_55 = arith.constant 0 : i32
      %dma_start3A_56 = tpu.memref_slice %arg8[%mul3A_20, %dma_start3A_55] : memref<640x16xf32, #tpu.memory_space<vmem_shared>> -> memref<40x16xf32, #tpu.memory_space<vmem_shared>>
      %dma_start3A_57 = arith.constant 0 : i32
      %dma_start3A_58 = tpu.memref_slice %arg8[%mul3A_20, %dma_start3A_57] : memref<640x16xf32, #tpu.memory_space<vmem_shared>> -> memref<40x16xf32, #tpu.memory_space<vmem_shared>>
      %dma_start3A_59 = arith.constant 0 : i32
      %dma_start3A_60 = arith.constant 0 : i32
      %dma_start3A_61 = tpu.memref_slice %arg4[%dma_start3A_59, %dma_start3A_60] : memref<640x16xf32, #tpu.memory_space<vmem>> -> memref<40x16xf32, #tpu.memory_space<vmem>>
      tpu.enqueue_dma source(%dma_start3A_61 : memref<40x16xf32, #tpu.memory_space<vmem>>) target(%dma_start3A_58 : memref<40x16xf32, #tpu.memory_space<vmem_shared>>) target_semaphore(%run_scoped3A : memref<!tpu.dma_semaphore, #tpu.memory_space<semaphore_mem>>)
      %dma_wait3A_62 = arith.constant 0 : i32
      %dma_wait3A_63 = arith.constant 0 : i32
      %dma_wait3A_64 = tpu.memref_slice %arg4[%dma_wait3A_62, %dma_wait3A_63] : memref<640x16xf32, #tpu.memory_space<vmem>> -> memref<40x16xf32, #tpu.memory_space<vmem>>
      %dma_wait3A_65 = arith.constant 0 : i32
      %dma_wait3A_66 = tpu.memref_slice %arg8[%mul3A_20, %dma_wait3A_65] : memref<640x16xf32, #tpu.memory_space<vmem_shared>> -> memref<40x16xf32, #tpu.memory_space<vmem_shared>>
      %dma_wait3A_67 = arith.constant 0 : i32
      %dma_wait3A_68 = tpu.memref_slice %arg8[%mul3A_20, %dma_wait3A_67] : memref<640x16xf32, #tpu.memory_space<vmem_shared>> -> memref<40x16xf32, #tpu.memory_space<vmem_shared>>
      %dma_wait3A_69 = arith.constant 0 : i32
      %dma_wait3A_70 = arith.constant 0 : i32
      %dma_wait3A_71 = tpu.memref_slice %arg4[%dma_wait3A_69, %dma_wait3A_70] : memref<640x16xf32, #tpu.memory_space<vmem>> -> memref<40x16xf32, #tpu.memory_space<vmem>>
      tpu.wait_dma2 semaphore(%run_scoped3A : memref<!tpu.dma_semaphore, #tpu.memory_space<semaphore_mem>>) src(%dma_wait3A_71 : memref<40x16xf32, #tpu.memory_space<vmem>>) dst(%dma_wait3A_68 : memref<40x16xf32, #tpu.memory_space<vmem_shared>>)
      tpu.yield
    }) : () -> ()
    %mul3A_21 = arith.constant 10000 : i32
    %mul3A_22 = arith.muli %add3A, %mul3A_21 : i32
    %dma_wait3A = arith.constant 1 : i32
    %dma_wait3A_23 = tpu.memref_slice %arg2[%dma_wait3A, %mul3A_22] : memref<2x320000xi32, #tpu.memory_space<hbm>> -> memref<1x10000xi32, #tpu.memory_space<hbm>>
    %dma_wait3A_24 = tpu.memref_squeeze %dma_wait3A_23 : memref<1x10000xi32, #tpu.memory_space<hbm>> -> memref<10000xi32, #tpu.memory_space<hbm>>
    %dma_wait3A_25 = tpu.memref_slice %arg2[%dma_wait3A, %mul3A_22] : memref<2x320000xi32, #tpu.memory_space<hbm>> -> memref<1x10000xi32, #tpu.memory_space<hbm>>
    %dma_wait3A_26 = tpu.memref_squeeze %dma_wait3A_25 : memref<1x10000xi32, #tpu.memory_space<hbm>> -> memref<10000xi32, #tpu.memory_space<hbm>>
    tpu.wait_dma2 semaphore(%arg7 : memref<!tpu.dma_semaphore, #tpu.memory_space<semaphore_mem>>) src(%dma_wait3A_26 : memref<10000xi32, #tpu.memory_space<hbm>>) dst(%arg5 : memref<10000xi32, #tpu.memory_space<vmem>>)
    %barrier3A = arith.constant 0 : index
    tpu.barrier barrier_id(%barrier3A)
    %broadcast_in_dim3A_27 = arith.constant 1.000000e+00 : f32
    %broadcast_in_dim3A_28 = vector.broadcast %broadcast_in_dim3A_27 : f32 to vector<16xf32>
    %scan3A_29 = arith.constant 0 : i32
    %scan3A_30 = arith.constant 0 : i32
    %scan3A_31 = arith.constant 156 : i32
    %scan3A_32 = arith.addi %scan3A_30, %scan3A_31 : i32
    %scan3A_33 = arith.constant 1 : i32
    scf.for %scan3A_52 = %scan3A_30 to %scan3A_32 step %scan3A_33  : i32 {
      %mul3A_53 = arith.constant 4 : i32
      %mul3A_54 = arith.muli %scan3A_52, %mul3A_53 : i32
      %add3A_55 = arith.constant 0 : i32
      %add3A_56 = arith.addi %mul3A_54, %add3A_55 : i32
      %mul3A_57 = arith.constant 16 : i32
      %mul3A_58 = arith.muli %add3A_56, %mul3A_57 : i32
      %get3A_59 = arith.index_cast %mul3A_58 : i32 to index
      %get3A_60 = tpu.vector_load %arg5[%get3A_59] {strides = array<i32>} : memref<10000xi32, #tpu.memory_space<vmem>>, vector<16xi32>,
      %shift_right_logical3A_61 = arith.constant 7 : i32
      %shift_right_logical3A_62 = vector.broadcast %shift_right_logical3A_61 : i32 to vector<16xi32>
      %shift_right_logical3A_63 = arith.shrui %get3A_60, %shift_right_logical3A_62 : vector<16xi32>
      %mul3A_64 = arith.constant 205 : i32
      %mul3A_65 = vector.broadcast %mul3A_64 : i32 to vector<16xi32>
      %mul3A_66 = arith.muli %shift_right_logical3A_63, %mul3A_65 : vector<16xi32>
      %shift_right_logical3A_67 = arith.constant 10 : i32
      %shift_right_logical3A_68 = vector.broadcast %shift_right_logical3A_67 : i32 to vector<16xi32>
      %shift_right_logical3A_69 = arith.shrui %mul3A_66, %shift_right_logical3A_68 : vector<16xi32>
      %mul3A_70 = arith.constant 640 : i32
      %mul3A_71 = vector.broadcast %mul3A_70 : i32 to vector<16xi32>
      %mul3A_72 = arith.muli %shift_right_logical3A_69, %mul3A_71 : vector<16xi32>
      %sub3A_73 = arith.subi %get3A_60, %mul3A_72 : vector<16xi32>
      tpu.vector_store_idx %arg4[%sub3A_73, %shift_right_logical3A_69], %broadcast_in_dim3A_28 {add = true} : memref<640x16xf32, #tpu.memory_space<vmem>>[vector<16xi32>, vector<16xi32>], vector<16xf32>,
      %mul3A_74 = arith.constant 4 : i32
      %mul3A_75 = arith.muli %scan3A_52, %mul3A_74 : i32
      %add3A_76 = arith.constant 1 : i32
      %add3A_77 = arith.addi %mul3A_75, %add3A_76 : i32
      %mul3A_78 = arith.constant 16 : i32
      %mul3A_79 = arith.muli %add3A_77, %mul3A_78 : i32
      %get3A_80 = arith.index_cast %mul3A_79 : i32 to index
      %get3A_81 = tpu.vector_load %arg5[%get3A_80] {strides = array<i32>} : memref<10000xi32, #tpu.memory_space<vmem>>, vector<16xi32>,
      %shift_right_logical3A_82 = arith.constant 7 : i32
      %shift_right_logical3A_83 = vector.broadcast %shift_right_logical3A_82 : i32 to vector<16xi32>
      %shift_right_logical3A_84 = arith.shrui %get3A_81, %shift_right_logical3A_83 : vector<16xi32>
      %mul3A_85 = arith.constant 205 : i32
      %mul3A_86 = vector.broadcast %mul3A_85 : i32 to vector<16xi32>
      %mul3A_87 = arith.muli %shift_right_logical3A_84, %mul3A_86 : vector<16xi32>
      %shift_right_logical3A_88 = arith.constant 10 : i32
      %shift_right_logical3A_89 = vector.broadcast %shift_right_logical3A_88 : i32 to vector<16xi32>
      %shift_right_logical3A_90 = arith.shrui %mul3A_87, %shift_right_logical3A_89 : vector<16xi32>
      %mul3A_91 = arith.constant 640 : i32
      %mul3A_92 = vector.broadcast %mul3A_91 : i32 to vector<16xi32>
      %mul3A_93 = arith.muli %shift_right_logical3A_90, %mul3A_92 : vector<16xi32>
      %sub3A_94 = arith.subi %get3A_81, %mul3A_93 : vector<16xi32>
      tpu.vector_store_idx %arg4[%sub3A_94, %shift_right_logical3A_90], %broadcast_in_dim3A_28 {add = true} : memref<640x16xf32, #tpu.memory_space<vmem>>[vector<16xi32>, vector<16xi32>], vector<16xf32>,
      %mul3A_95 = arith.constant 4 : i32
      %mul3A_96 = arith.muli %scan3A_52, %mul3A_95 : i32
      %add3A_97 = arith.constant 2 : i32
      %add3A_98 = arith.addi %mul3A_96, %add3A_97 : i32
      %mul3A_99 = arith.constant 16 : i32
      %mul3A_100 = arith.muli %add3A_98, %mul3A_99 : i32
      %get3A_101 = arith.index_cast %mul3A_100 : i32 to index
      %get3A_102 = tpu.vector_load %arg5[%get3A_101] {strides = array<i32>} : memref<10000xi32, #tpu.memory_space<vmem>>, vector<16xi32>,
      %shift_right_logical3A_103 = arith.constant 7 : i32
      %shift_right_logical3A_104 = vector.broadcast %shift_right_logical3A_103 : i32 to vector<16xi32>
      %shift_right_logical3A_105 = arith.shrui %get3A_102, %shift_right_logical3A_104 : vector<16xi32>
      %mul3A_106 = arith.constant 205 : i32
      %mul3A_107 = vector.broadcast %mul3A_106 : i32 to vector<16xi32>
      %mul3A_108 = arith.muli %shift_right_logical3A_105, %mul3A_107 : vector<16xi32>
      %shift_right_logical3A_109 = arith.constant 10 : i32
      %shift_right_logical3A_110 = vector.broadcast %shift_right_logical3A_109 : i32 to vector<16xi32>
      %shift_right_logical3A_111 = arith.shrui %mul3A_108, %shift_right_logical3A_110 : vector<16xi32>
      %mul3A_112 = arith.constant 640 : i32
      %mul3A_113 = vector.broadcast %mul3A_112 : i32 to vector<16xi32>
      %mul3A_114 = arith.muli %shift_right_logical3A_111, %mul3A_113 : vector<16xi32>
      %sub3A_115 = arith.subi %get3A_102, %mul3A_114 : vector<16xi32>
      tpu.vector_store_idx %arg4[%sub3A_115, %shift_right_logical3A_111], %broadcast_in_dim3A_28 {add = true} : memref<640x16xf32, #tpu.memory_space<vmem>>[vector<16xi32>, vector<16xi32>], vector<16xf32>,
      %mul3A_116 = arith.constant 4 : i32
      %mul3A_117 = arith.muli %scan3A_52, %mul3A_116 : i32
      %add3A_118 = arith.constant 3 : i32
      %add3A_119 = arith.addi %mul3A_117, %add3A_118 : i32
      %mul3A_120 = arith.constant 16 : i32
      %mul3A_121 = arith.muli %add3A_119, %mul3A_120 : i32
      %get3A_122 = arith.index_cast %mul3A_121 : i32 to index
      %get3A_123 = tpu.vector_load %arg5[%get3A_122] {strides = array<i32>} : memref<10000xi32, #tpu.memory_space<vmem>>, vector<16xi32>,
      %shift_right_logical3A_124 = arith.constant 7 : i32
      %shift_right_logical3A_125 = vector.broadcast %shift_right_logical3A_124 : i32 to vector<16xi32>
      %shift_right_logical3A_126 = arith.shrui %get3A_123, %shift_right_logical3A_125 : vector<16xi32>
      %mul3A_127 = arith.constant 205 : i32
      %mul3A_128 = vector.broadcast %mul3A_127 : i32 to vector<16xi32>
      %mul3A_129 = arith.muli %shift_right_logical3A_126, %mul3A_128 : vector<16xi32>
      %shift_right_logical3A_130 = arith.constant 10 : i32
      %shift_right_logical3A_131 = vector.broadcast %shift_right_logical3A_130 : i32 to vector<16xi32>
      %shift_right_logical3A_132 = arith.shrui %mul3A_129, %shift_right_logical3A_131 : vector<16xi32>
      %mul3A_133 = arith.constant 640 : i32
      %mul3A_134 = vector.broadcast %mul3A_133 : i32 to vector<16xi32>
      %mul3A_135 = arith.muli %shift_right_logical3A_132, %mul3A_134 : vector<16xi32>
      %sub3A_136 = arith.subi %get3A_123, %mul3A_135 : vector<16xi32>
      tpu.vector_store_idx %arg4[%sub3A_136, %shift_right_logical3A_132], %broadcast_in_dim3A_28 {add = true} : memref<640x16xf32, #tpu.memory_space<vmem>>[vector<16xi32>, vector<16xi32>], vector<16xf32>,
    }
    %scan3A_34 = arith.constant 156 : i32
    %get3A = arith.constant 9984 : index
    %get3A_35 = tpu.vector_load %arg5[%get3A] {strides = array<i32>} : memref<10000xi32, #tpu.memory_space<vmem>>, vector<16xi32>,
    %shift_right_logical3A = arith.constant 7 : i32
    %shift_right_logical3A_36 = vector.broadcast %shift_right_logical3A : i32 to vector<16xi32>
    %shift_right_logical3A_37 = arith.shrui %get3A_35, %shift_right_logical3A_36 : vector<16xi32>
    %mul3A_38 = arith.constant 205 : i32
    %mul3A_39 = vector.broadcast %mul3A_38 : i32 to vector<16xi32>
    %mul3A_40 = arith.muli %shift_right_logical3A_37, %mul3A_39 : vector<16xi32>
    %shift_right_logical3A_41 = arith.constant 10 : i32
    %shift_right_logical3A_42 = vector.broadcast %shift_right_logical3A_41 : i32 to vector<16xi32>
    %shift_right_logical3A_43 = arith.shrui %mul3A_40, %shift_right_logical3A_42 : vector<16xi32>
    %mul3A_44 = arith.constant 640 : i32
    %mul3A_45 = vector.broadcast %mul3A_44 : i32 to vector<16xi32>
    %mul3A_46 = arith.muli %shift_right_logical3A_43, %mul3A_45 : vector<16xi32>
    %sub3A = arith.subi %get3A_35, %mul3A_46 : vector<16xi32>
    tpu.vector_store_idx %arg4[%sub3A, %shift_right_logical3A_43], %broadcast_in_dim3A_28 {add = true} : memref<640x16xf32, #tpu.memory_space<vmem>>[vector<16xi32>, vector<16xi32>], vector<16xf32>,
    "tpu.region"() ({
      %run_scoped3A = tpu.sem_alloc : memref<!tpu.dma_semaphore, #tpu.memory_space<semaphore_mem>>
      %dma_start3A_52 = arith.constant 0 : i32
      %dma_start3A_53 = arith.constant 0 : i32
      %dma_start3A_54 = tpu.memref_slice %arg8[%dma_start3A_52, %dma_start3A_53] : memref<640x16xf32, #tpu.memory_space<vmem_shared>> -> memref<640x16xf32, #tpu.memory_space<vmem_shared>>
      tpu.enqueue_indirect_dma source(%arg4 : memref<640x16xf32, #tpu.memory_space<vmem>>) target(%dma_start3A_54 : memref<640x16xf32, #tpu.memory_space<vmem_shared>>) offsets(%arg6 : memref<640xi32, #tpu.memory_space<vmem>>) semaphore(%run_scoped3A : memref<!tpu.dma_semaphore, #tpu.memory_space<semaphore_mem>>) {add = true}
      %dma_wait3A_55 = arith.constant 0 : i32
      %dma_wait3A_56 = arith.constant 0 : i32
      %dma_wait3A_57 = tpu.memref_slice %arg8[%dma_wait3A_55, %dma_wait3A_56] : memref<640x16xf32, #tpu.memory_space<vmem_shared>> -> memref<640x16xf32, #tpu.memory_space<vmem_shared>>
      tpu.wait_indirect_dma semaphore(%run_scoped3A : memref<!tpu.dma_semaphore, #tpu.memory_space<semaphore_mem>>) src(%arg4 : memref<640x16xf32, #tpu.memory_space<vmem>>) dst(%dma_wait3A_57 : memref<640x16xf32, #tpu.memory_space<vmem_shared>>)
      tpu.yield
    }) : () -> ()
    %barrier3A_47 = arith.constant 0 : index
    tpu.barrier barrier_id(%barrier3A_47)
    %mul3A_48 = arith.constant 40 : i32
    %mul3A_49 = arith.muli %arg1, %mul3A_48 : i32
    %mul3A_50 = arith.constant 40 : i32
    %mul3A_51 = arith.muli %arg1, %mul3A_50 : i32
    "tpu.region"() ({
      %run_scoped3A = tpu.sem_alloc : memref<!tpu.dma_semaphore, #tpu.memory_space<semaphore_mem>>
      %dma_start3A_52 = arith.constant 0 : i32
      %dma_start3A_53 = tpu.memref_slice %arg3[%arg0, %mul3A_51, %dma_start3A_52] : memref<2x640x16xf32, #tpu.memory_space<hbm>> -> memref<1x40x16xf32, #tpu.memory_space<hbm>>
      %dma_start3A_54 = tpu.memref_squeeze %dma_start3A_53 : memref<1x40x16xf32, #tpu.memory_space<hbm>> -> memref<40x16xf32, #tpu.memory_space<hbm>>
      %dma_start3A_55 = arith.constant 0 : i32
      %dma_start3A_56 = tpu.memref_slice %arg8[%mul3A_49, %dma_start3A_55] : memref<640x16xf32, #tpu.memory_space<vmem_shared>> -> memref<40x16xf32, #tpu.memory_space<vmem_shared>>
      tpu.enqueue_dma source(%dma_start3A_56 : memref<40x16xf32, #tpu.memory_space<vmem_shared>>) target(%dma_start3A_54 : memref<40x16xf32, #tpu.memory_space<hbm>>) target_semaphore(%run_scoped3A : memref<!tpu.dma_semaphore, #tpu.memory_space<semaphore_mem>>)
      %dma_wait3A_57 = arith.constant 0 : i32
      %dma_wait3A_58 = tpu.memref_slice %arg3[%arg0, %mul3A_51, %dma_wait3A_57] : memref<2x640x16xf32, #tpu.memory_space<hbm>> -> memref<1x40x16xf32, #tpu.memory_space<hbm>>
      %dma_wait3A_59 = tpu.memref_squeeze %dma_wait3A_58 : memref<1x40x16xf32, #tpu.memory_space<hbm>> -> memref<40x16xf32, #tpu.memory_space<hbm>>
      %dma_wait3A_60 = arith.constant 0 : i32
      %dma_wait3A_61 = tpu.memref_slice %arg8[%mul3A_49, %dma_wait3A_60] : memref<640x16xf32, #tpu.memory_space<vmem_shared>> -> memref<40x16xf32, #tpu.memory_space<vmem_shared>>
      tpu.wait_dma2 semaphore(%run_scoped3A : memref<!tpu.dma_semaphore, #tpu.memory_space<semaphore_mem>>) src(%dma_wait3A_61 : memref<40x16xf32, #tpu.memory_space<vmem_shared>>) dst(%dma_wait3A_59 : memref<40x16xf32, #tpu.memory_space<hbm>>)
      tpu.yield
    }) : () -> ()
    return
  }
}

#map = affine_map<(d0, d1) -> (0, 0)>
#map1 = affine_map<(d0, d1) -> (0, 0, 0)>
module attributes {stable_mosaic.version = 14 : i64} {
  func.func @_message_pass(%arg0: i32, %arg1: i32, %arg2: memref<10240x16xf32, #tpu.memory_space<hbm>>, %arg3: memref<2x320000xi32, #tpu.memory_space<hbm>>, %arg4: memref<2x10240x16xf32, #tpu.memory_space<hbm>>, %arg5: memref<640x16xf32, #tpu.memory_space<vmem>>, %arg6: memref<10000xi32, #tpu.memory_space<vmem>>, %arg7: memref<10000xi32, #tpu.memory_space<vmem>>, %arg8: memref<3072x16xf32, #tpu.memory_space<vmem>>, %arg9: memref<!tpu.dma_semaphore, #tpu.memory_space<semaphore_mem>>, %arg10: memref<!tpu.dma_semaphore, #tpu.memory_space<semaphore_mem>>, %arg11: memref<!tpu.dma_semaphore, #tpu.memory_space<semaphore_mem>>, %arg12: memref<!tpu.dma_semaphore, #tpu.memory_space<semaphore_mem>>, %arg13: memref<10240x16xf32, #tpu.memory_space<vmem_shared>>, %arg14: memref<10240x16xf32, #tpu.memory_space<vmem_shared>>) attributes {dimension_semantics = [#tpu.dimension_semantics<core_parallel>, #tpu.dimension_semantics<subcore_parallel>], iteration_bounds = array<i64: 2, 16>, scalar_prefetch = 0 : i64, scratch_operands = 10 : i64, tpu.core_type = #tpu.core_type<sc_vector_subcore>, window_params = [{transform_indices = #map}, {transform_indices = #map}, {transform_indices = #map1}]} {
    %mul3A = arith.constant 2 : i32
    %mul3A_0 = arith.muli %arg1, %mul3A : i32
    %add3A = arith.addi %mul3A_0, %arg0 : i32
    %mul3A_1 = arith.constant 640 : i32
    %mul3A_2 = arith.muli %arg1, %mul3A_1 : i32
    %mul3A_3 = arith.constant 640 : i32
    %mul3A_4 = arith.muli %arg1, %mul3A_3 : i32
    %dma_start3A = arith.constant 0 : i32
    %dma_start3A_5 = tpu.memref_slice %arg14[%mul3A_4, %dma_start3A] : memref<10240x16xf32, #tpu.memory_space<vmem_shared>> -> memref<640x16xf32, #tpu.memory_space<vmem_shared>>
    %dma_start3A_6 = arith.constant 0 : i32
    %dma_start3A_7 = tpu.memref_slice %arg2[%mul3A_2, %dma_start3A_6] : memref<10240x16xf32, #tpu.memory_space<hbm>> -> memref<640x16xf32, #tpu.memory_space<hbm>>
    tpu.enqueue_dma source(%dma_start3A_7 : memref<640x16xf32, #tpu.memory_space<hbm>>) target(%dma_start3A_5 : memref<640x16xf32, #tpu.memory_space<vmem_shared>>) target_semaphore(%arg12 : memref<!tpu.dma_semaphore, #tpu.memory_space<semaphore_mem>>)
    %mul3A_8 = arith.constant 10000 : i32
    %mul3A_9 = arith.muli %add3A, %mul3A_8 : i32
    %dma_start3A_10 = arith.constant 0 : i32
    %dma_start3A_11 = tpu.memref_slice %arg3[%dma_start3A_10, %mul3A_9] : memref<2x320000xi32, #tpu.memory_space<hbm>> -> memref<1x10000xi32, #tpu.memory_space<hbm>>
    %dma_start3A_12 = tpu.memref_squeeze %dma_start3A_11 : memref<1x10000xi32, #tpu.memory_space<hbm>> -> memref<10000xi32, #tpu.memory_space<hbm>>
    %dma_start3A_13 = tpu.memref_slice %arg3[%dma_start3A_10, %mul3A_9] : memref<2x320000xi32, #tpu.memory_space<hbm>> -> memref<1x10000xi32, #tpu.memory_space<hbm>>
    %dma_start3A_14 = tpu.memref_squeeze %dma_start3A_13 : memref<1x10000xi32, #tpu.memory_space<hbm>> -> memref<10000xi32, #tpu.memory_space<hbm>>
    tpu.enqueue_dma source(%dma_start3A_14 : memref<10000xi32, #tpu.memory_space<hbm>>) target(%arg6 : memref<10000xi32, #tpu.memory_space<vmem>>) target_semaphore(%arg12 : memref<!tpu.dma_semaphore, #tpu.memory_space<semaphore_mem>>)
    %mul3A_15 = arith.constant 10000 : i32
    %mul3A_16 = arith.muli %add3A, %mul3A_15 : i32
    %dma_start3A_17 = arith.constant 1 : i32
    %dma_start3A_18 = tpu.memref_slice %arg3[%dma_start3A_17, %mul3A_16] : memref<2x320000xi32, #tpu.memory_space<hbm>> -> memref<1x10000xi32, #tpu.memory_space<hbm>>
    %dma_start3A_19 = tpu.memref_squeeze %dma_start3A_18 : memref<1x10000xi32, #tpu.memory_space<hbm>> -> memref<10000xi32, #tpu.memory_space<hbm>>
    %dma_start3A_20 = tpu.memref_slice %arg3[%dma_start3A_17, %mul3A_16] : memref<2x320000xi32, #tpu.memory_space<hbm>> -> memref<1x10000xi32, #tpu.memory_space<hbm>>
    %dma_start3A_21 = tpu.memref_squeeze %dma_start3A_20 : memref<1x10000xi32, #tpu.memory_space<hbm>> -> memref<10000xi32, #tpu.memory_space<hbm>>
    tpu.enqueue_dma source(%dma_start3A_21 : memref<10000xi32, #tpu.memory_space<hbm>>) target(%arg7 : memref<10000xi32, #tpu.memory_space<vmem>>) target_semaphore(%arg12 : memref<!tpu.dma_semaphore, #tpu.memory_space<semaphore_mem>>)
    %broadcast_in_dim3A = arith.constant 0.000000e+00 : f32
    %broadcast_in_dim3A_22 = vector.broadcast %broadcast_in_dim3A : f32 to vector<16xf32>
    %scan3A = arith.constant 0 : i32
    %scan3A_23 = arith.constant 0 : i32
    %scan3A_24 = arith.constant 160 : i32
    %scan3A_25 = arith.addi %scan3A_23, %scan3A_24 : i32
    %scan3A_26 = arith.constant 1 : i32
    scf.for %scan3A_376 = %scan3A_23 to %scan3A_25 step %scan3A_26  : i32 {
      %mul3A_377 = arith.constant 4 : i32
      %mul3A_378 = arith.muli %scan3A_376, %mul3A_377 : i32
      %add3A_379 = arith.constant 0 : i32
      %add3A_380 = arith.addi %mul3A_378, %add3A_379 : i32
      %swap3A = arith.index_cast %add3A_380 : i32 to index
      %swap3A_381 = arith.constant 0 : index
      %swap3A_382 = tpu.vector_load %arg5[%swap3A, %swap3A_381] {strides = array<i32>} : memref<640x16xf32, #tpu.memory_space<vmem>>, vector<16xf32>,
      tpu.vector_store %arg5[%swap3A, %swap3A_381], %broadcast_in_dim3A_22 {strides = array<i32>} : memref<640x16xf32, #tpu.memory_space<vmem>>, vector<16xf32>,
      %mul3A_383 = arith.constant 4 : i32
      %mul3A_384 = arith.muli %scan3A_376, %mul3A_383 : i32
      %add3A_385 = arith.constant 1 : i32
      %add3A_386 = arith.addi %mul3A_384, %add3A_385 : i32
      %swap3A_387 = arith.index_cast %add3A_386 : i32 to index
      %swap3A_388 = arith.constant 0 : index
      %swap3A_389 = tpu.vector_load %arg5[%swap3A_387, %swap3A_388] {strides = array<i32>} : memref<640x16xf32, #tpu.memory_space<vmem>>, vector<16xf32>,
      tpu.vector_store %arg5[%swap3A_387, %swap3A_388], %broadcast_in_dim3A_22 {strides = array<i32>} : memref<640x16xf32, #tpu.memory_space<vmem>>, vector<16xf32>,
      %mul3A_390 = arith.constant 4 : i32
      %mul3A_391 = arith.muli %scan3A_376, %mul3A_390 : i32
      %add3A_392 = arith.constant 2 : i32
      %add3A_393 = arith.addi %mul3A_391, %add3A_392 : i32
      %swap3A_394 = arith.index_cast %add3A_393 : i32 to index
      %swap3A_395 = arith.constant 0 : index
      %swap3A_396 = tpu.vector_load %arg5[%swap3A_394, %swap3A_395] {strides = array<i32>} : memref<640x16xf32, #tpu.memory_space<vmem>>, vector<16xf32>,
      tpu.vector_store %arg5[%swap3A_394, %swap3A_395], %broadcast_in_dim3A_22 {strides = array<i32>} : memref<640x16xf32, #tpu.memory_space<vmem>>, vector<16xf32>,
      %mul3A_397 = arith.constant 4 : i32
      %mul3A_398 = arith.muli %scan3A_376, %mul3A_397 : i32
      %add3A_399 = arith.constant 3 : i32
      %add3A_400 = arith.addi %mul3A_398, %add3A_399 : i32
      %swap3A_401 = arith.index_cast %add3A_400 : i32 to index
      %swap3A_402 = arith.constant 0 : index
      %swap3A_403 = tpu.vector_load %arg5[%swap3A_401, %swap3A_402] {strides = array<i32>} : memref<640x16xf32, #tpu.memory_space<vmem>>, vector<16xf32>,
      tpu.vector_store %arg5[%swap3A_401, %swap3A_402], %broadcast_in_dim3A_22 {strides = array<i32>} : memref<640x16xf32, #tpu.memory_space<vmem>>, vector<16xf32>,
    }
    %scan3A_27 = arith.constant 160 : i32
    %mul3A_28 = arith.constant 640 : i32
    %mul3A_29 = arith.muli %arg1, %mul3A_28 : i32
    "tpu.region"() ({
      %run_scoped3A = tpu.sem_alloc : memref<!tpu.dma_semaphore, #tpu.memory_space<semaphore_mem>>
      %dma_start3A_376 = arith.constant 0 : i32
      %dma_start3A_377 = tpu.memref_slice %arg13[%mul3A_29, %dma_start3A_376] : memref<10240x16xf32, #tpu.memory_space<vmem_shared>> -> memref<640x16xf32, #tpu.memory_space<vmem_shared>>
      %dma_start3A_378 = arith.constant 0 : i32
      %dma_start3A_379 = tpu.memref_slice %arg13[%mul3A_29, %dma_start3A_378] : memref<10240x16xf32, #tpu.memory_space<vmem_shared>> -> memref<640x16xf32, #tpu.memory_space<vmem_shared>>
      tpu.enqueue_dma source(%arg5 : memref<640x16xf32, #tpu.memory_space<vmem>>) target(%dma_start3A_379 : memref<640x16xf32, #tpu.memory_space<vmem_shared>>) target_semaphore(%run_scoped3A : memref<!tpu.dma_semaphore, #tpu.memory_space<semaphore_mem>>)
      %dma_wait3A_380 = arith.constant 0 : i32
      %dma_wait3A_381 = tpu.memref_slice %arg13[%mul3A_29, %dma_wait3A_380] : memref<10240x16xf32, #tpu.memory_space<vmem_shared>> -> memref<640x16xf32, #tpu.memory_space<vmem_shared>>
      %dma_wait3A_382 = arith.constant 0 : i32
      %dma_wait3A_383 = tpu.memref_slice %arg13[%mul3A_29, %dma_wait3A_382] : memref<10240x16xf32, #tpu.memory_space<vmem_shared>> -> memref<640x16xf32, #tpu.memory_space<vmem_shared>>
      tpu.wait_dma2 semaphore(%run_scoped3A : memref<!tpu.dma_semaphore, #tpu.memory_space<semaphore_mem>>) src(%arg5 : memref<640x16xf32, #tpu.memory_space<vmem>>) dst(%dma_wait3A_383 : memref<640x16xf32, #tpu.memory_space<vmem_shared>>)
      tpu.yield
    }) : () -> ()
    %mul3A_30 = arith.constant 640 : i32
    %mul3A_31 = arith.muli %arg1, %mul3A_30 : i32
    %mul3A_32 = arith.constant 640 : i32
    %mul3A_33 = arith.muli %arg1, %mul3A_32 : i32
    %dma_wait3A = arith.constant 0 : i32
    %dma_wait3A_34 = tpu.memref_slice %arg14[%mul3A_33, %dma_wait3A] : memref<10240x16xf32, #tpu.memory_space<vmem_shared>> -> memref<640x16xf32, #tpu.memory_space<vmem_shared>>
    %dma_wait3A_35 = arith.constant 0 : i32
    %dma_wait3A_36 = tpu.memref_slice %arg2[%mul3A_31, %dma_wait3A_35] : memref<10240x16xf32, #tpu.memory_space<hbm>> -> memref<640x16xf32, #tpu.memory_space<hbm>>
    tpu.wait_dma2 semaphore(%arg12 : memref<!tpu.dma_semaphore, #tpu.memory_space<semaphore_mem>>) src(%dma_wait3A_36 : memref<640x16xf32, #tpu.memory_space<hbm>>) dst(%dma_wait3A_34 : memref<640x16xf32, #tpu.memory_space<vmem_shared>>)
    %mul3A_37 = arith.constant 10000 : i32
    %mul3A_38 = arith.muli %add3A, %mul3A_37 : i32
    %dma_wait3A_39 = arith.constant 0 : i32
    %dma_wait3A_40 = tpu.memref_slice %arg3[%dma_wait3A_39, %mul3A_38] : memref<2x320000xi32, #tpu.memory_space<hbm>> -> memref<1x10000xi32, #tpu.memory_space<hbm>>
    %dma_wait3A_41 = tpu.memref_squeeze %dma_wait3A_40 : memref<1x10000xi32, #tpu.memory_space<hbm>> -> memref<10000xi32, #tpu.memory_space<hbm>>
    %dma_wait3A_42 = tpu.memref_slice %arg3[%dma_wait3A_39, %mul3A_38] : memref<2x320000xi32, #tpu.memory_space<hbm>> -> memref<1x10000xi32, #tpu.memory_space<hbm>>
    %dma_wait3A_43 = tpu.memref_squeeze %dma_wait3A_42 : memref<1x10000xi32, #tpu.memory_space<hbm>> -> memref<10000xi32, #tpu.memory_space<hbm>>
    tpu.wait_dma2 semaphore(%arg12 : memref<!tpu.dma_semaphore, #tpu.memory_space<semaphore_mem>>) src(%dma_wait3A_43 : memref<10000xi32, #tpu.memory_space<hbm>>) dst(%arg6 : memref<10000xi32, #tpu.memory_space<vmem>>)
    %mul3A_44 = arith.constant 10000 : i32
    %mul3A_45 = arith.muli %add3A, %mul3A_44 : i32
    %dma_wait3A_46 = arith.constant 1 : i32
    %dma_wait3A_47 = tpu.memref_slice %arg3[%dma_wait3A_46, %mul3A_45] : memref<2x320000xi32, #tpu.memory_space<hbm>> -> memref<1x10000xi32, #tpu.memory_space<hbm>>
    %dma_wait3A_48 = tpu.memref_squeeze %dma_wait3A_47 : memref<1x10000xi32, #tpu.memory_space<hbm>> -> memref<10000xi32, #tpu.memory_space<hbm>>
    %dma_wait3A_49 = tpu.memref_slice %arg3[%dma_wait3A_46, %mul3A_45] : memref<2x320000xi32, #tpu.memory_space<hbm>> -> memref<1x10000xi32, #tpu.memory_space<hbm>>
    %dma_wait3A_50 = tpu.memref_squeeze %dma_wait3A_49 : memref<1x10000xi32, #tpu.memory_space<hbm>> -> memref<10000xi32, #tpu.memory_space<hbm>>
    tpu.wait_dma2 semaphore(%arg12 : memref<!tpu.dma_semaphore, #tpu.memory_space<semaphore_mem>>) src(%dma_wait3A_50 : memref<10000xi32, #tpu.memory_space<hbm>>) dst(%arg7 : memref<10000xi32, #tpu.memory_space<vmem>>)
    %barrier3A = arith.constant 0 : index
    tpu.barrier barrier_id(%barrier3A)
    %dma_start3A_51 = arith.constant 0 : i32
    %dma_start3A_52 = arith.constant 0 : i32
    %dma_start3A_53 = tpu.memref_slice %arg8[%dma_start3A_51, %dma_start3A_52] : memref<3072x16xf32, #tpu.memory_space<vmem>> -> memref<1024x16xf32, #tpu.memory_space<vmem>>
    %dma_start3A_54 = arith.constant 0 : i32
    %dma_start3A_55 = tpu.memref_slice %arg6[%dma_start3A_54] : memref<10000xi32, #tpu.memory_space<vmem>> -> memref<1024xi32, #tpu.memory_space<vmem>>
    %dma_start3A_56 = arith.constant 0 : i32
    %dma_start3A_57 = arith.constant 0 : i32
    %dma_start3A_58 = tpu.memref_slice %arg14[%dma_start3A_56, %dma_start3A_57] : memref<10240x16xf32, #tpu.memory_space<vmem_shared>> -> memref<10240x16xf32, #tpu.memory_space<vmem_shared>>
    tpu.enqueue_indirect_dma source(%dma_start3A_58 : memref<10240x16xf32, #tpu.memory_space<vmem_shared>>) target(%dma_start3A_53 : memref<1024x16xf32, #tpu.memory_space<vmem>>) offsets(%dma_start3A_55 : memref<1024xi32, #tpu.memory_space<vmem>>) semaphore(%arg9 : memref<!tpu.dma_semaphore, #tpu.memory_space<semaphore_mem>>)
    %dma_start3A_59 = arith.constant 1024 : i32
    %dma_start3A_60 = arith.constant 0 : i32
    %dma_start3A_61 = tpu.memref_slice %arg8[%dma_start3A_59, %dma_start3A_60] : memref<3072x16xf32, #tpu.memory_space<vmem>> -> memref<1024x16xf32, #tpu.memory_space<vmem>>
    %dma_start3A_62 = arith.constant 1024 : i32
    %dma_start3A_63 = tpu.memref_slice %arg6[%dma_start3A_62] : memref<10000xi32, #tpu.memory_space<vmem>> -> memref<1024xi32, #tpu.memory_space<vmem>>
    %dma_start3A_64 = arith.constant 0 : i32
    %dma_start3A_65 = arith.constant 0 : i32
    %dma_start3A_66 = tpu.memref_slice %arg14[%dma_start3A_64, %dma_start3A_65] : memref<10240x16xf32, #tpu.memory_space<vmem_shared>> -> memref<10240x16xf32, #tpu.memory_space<vmem_shared>>
    tpu.enqueue_indirect_dma source(%dma_start3A_66 : memref<10240x16xf32, #tpu.memory_space<vmem_shared>>) target(%dma_start3A_61 : memref<1024x16xf32, #tpu.memory_space<vmem>>) offsets(%dma_start3A_63 : memref<1024xi32, #tpu.memory_space<vmem>>) semaphore(%arg10 : memref<!tpu.dma_semaphore, #tpu.memory_space<semaphore_mem>>)
    %dma_start3A_67 = arith.constant 2048 : i32
    %dma_start3A_68 = arith.constant 0 : i32
    %dma_start3A_69 = tpu.memref_slice %arg8[%dma_start3A_67, %dma_start3A_68] : memref<3072x16xf32, #tpu.memory_space<vmem>> -> memref<1024x16xf32, #tpu.memory_space<vmem>>
    %dma_start3A_70 = arith.constant 2048 : i32
    %dma_start3A_71 = tpu.memref_slice %arg6[%dma_start3A_70] : memref<10000xi32, #tpu.memory_space<vmem>> -> memref<1024xi32, #tpu.memory_space<vmem>>
    %dma_start3A_72 = arith.constant 0 : i32
    %dma_start3A_73 = arith.constant 0 : i32
    %dma_start3A_74 = tpu.memref_slice %arg14[%dma_start3A_72, %dma_start3A_73] : memref<10240x16xf32, #tpu.memory_space<vmem_shared>> -> memref<10240x16xf32, #tpu.memory_space<vmem_shared>>
    tpu.enqueue_indirect_dma source(%dma_start3A_74 : memref<10240x16xf32, #tpu.memory_space<vmem_shared>>) target(%dma_start3A_69 : memref<1024x16xf32, #tpu.memory_space<vmem>>) offsets(%dma_start3A_71 : memref<1024xi32, #tpu.memory_space<vmem>>) semaphore(%arg11 : memref<!tpu.dma_semaphore, #tpu.memory_space<semaphore_mem>>)
    %dma_wait3A_75 = arith.constant 0 : i32
    %dma_wait3A_76 = arith.constant 0 : i32
    %dma_wait3A_77 = tpu.memref_slice %arg8[%dma_wait3A_75, %dma_wait3A_76] : memref<3072x16xf32, #tpu.memory_space<vmem>> -> memref<1024x16xf32, #tpu.memory_space<vmem>>
    %dma_wait3A_78 = arith.constant 0 : i32
    %dma_wait3A_79 = tpu.memref_slice %arg6[%dma_wait3A_78] : memref<10000xi32, #tpu.memory_space<vmem>> -> memref<1024xi32, #tpu.memory_space<vmem>>
    %dma_wait3A_80 = arith.constant 0 : i32
    %dma_wait3A_81 = arith.constant 0 : i32
    %dma_wait3A_82 = tpu.memref_slice %arg14[%dma_wait3A_80, %dma_wait3A_81] : memref<10240x16xf32, #tpu.memory_space<vmem_shared>> -> memref<10240x16xf32, #tpu.memory_space<vmem_shared>>
    tpu.wait_indirect_dma semaphore(%arg9 : memref<!tpu.dma_semaphore, #tpu.memory_space<semaphore_mem>>) src(%dma_wait3A_82 : memref<10240x16xf32, #tpu.memory_space<vmem_shared>>) dst(%dma_wait3A_77 : memref<1024x16xf32, #tpu.memory_space<vmem>>)
    %dma_start3A_83 = arith.constant 0 : i32
    %dma_start3A_84 = arith.constant 0 : i32
    %dma_start3A_85 = tpu.memref_slice %arg8[%dma_start3A_83, %dma_start3A_84] : memref<3072x16xf32, #tpu.memory_space<vmem>> -> memref<1024x16xf32, #tpu.memory_space<vmem>>
    %dma_start3A_86 = arith.constant 0 : i32
    %dma_start3A_87 = tpu.memref_slice %arg7[%dma_start3A_86] : memref<10000xi32, #tpu.memory_space<vmem>> -> memref<1024xi32, #tpu.memory_space<vmem>>
    %dma_start3A_88 = arith.constant 0 : i32
    %dma_start3A_89 = arith.constant 0 : i32
    %dma_start3A_90 = tpu.memref_slice %arg13[%dma_start3A_88, %dma_start3A_89] : memref<10240x16xf32, #tpu.memory_space<vmem_shared>> -> memref<10240x16xf32, #tpu.memory_space<vmem_shared>>
    tpu.enqueue_indirect_dma source(%dma_start3A_85 : memref<1024x16xf32, #tpu.memory_space<vmem>>) target(%dma_start3A_90 : memref<10240x16xf32, #tpu.memory_space<vmem_shared>>) offsets(%dma_start3A_87 : memref<1024xi32, #tpu.memory_space<vmem>>) semaphore(%arg9 : memref<!tpu.dma_semaphore, #tpu.memory_space<semaphore_mem>>) {add = true}
    %dma_wait3A_91 = arith.constant 0 : i32
    %dma_wait3A_92 = arith.constant 0 : i32
    %dma_wait3A_93 = tpu.memref_slice %arg8[%dma_wait3A_91, %dma_wait3A_92] : memref<3072x16xf32, #tpu.memory_space<vmem>> -> memref<1024x16xf32, #tpu.memory_space<vmem>>
    %dma_wait3A_94 = arith.constant 0 : i32
    %dma_wait3A_95 = tpu.memref_slice %arg7[%dma_wait3A_94] : memref<10000xi32, #tpu.memory_space<vmem>> -> memref<1024xi32, #tpu.memory_space<vmem>>
    %dma_wait3A_96 = arith.constant 0 : i32
    %dma_wait3A_97 = arith.constant 0 : i32
    %dma_wait3A_98 = tpu.memref_slice %arg13[%dma_wait3A_96, %dma_wait3A_97] : memref<10240x16xf32, #tpu.memory_space<vmem_shared>> -> memref<10240x16xf32, #tpu.memory_space<vmem_shared>>
    tpu.wait_indirect_dma semaphore(%arg9 : memref<!tpu.dma_semaphore, #tpu.memory_space<semaphore_mem>>) src(%dma_wait3A_93 : memref<1024x16xf32, #tpu.memory_space<vmem>>) dst(%dma_wait3A_98 : memref<10240x16xf32, #tpu.memory_space<vmem_shared>>)
    %dma_start3A_99 = arith.constant 0 : i32
    %dma_start3A_100 = arith.constant 0 : i32
    %dma_start3A_101 = tpu.memref_slice %arg8[%dma_start3A_99, %dma_start3A_100] : memref<3072x16xf32, #tpu.memory_space<vmem>> -> memref<1024x16xf32, #tpu.memory_space<vmem>>
    %dma_start3A_102 = arith.constant 3072 : i32
    %dma_start3A_103 = tpu.memref_slice %arg6[%dma_start3A_102] : memref<10000xi32, #tpu.memory_space<vmem>> -> memref<1024xi32, #tpu.memory_space<vmem>>
    %dma_start3A_104 = arith.constant 0 : i32
    %dma_start3A_105 = arith.constant 0 : i32
    %dma_start3A_106 = tpu.memref_slice %arg14[%dma_start3A_104, %dma_start3A_105] : memref<10240x16xf32, #tpu.memory_space<vmem_shared>> -> memref<10240x16xf32, #tpu.memory_space<vmem_shared>>
    tpu.enqueue_indirect_dma source(%dma_start3A_106 : memref<10240x16xf32, #tpu.memory_space<vmem_shared>>) target(%dma_start3A_101 : memref<1024x16xf32, #tpu.memory_space<vmem>>) offsets(%dma_start3A_103 : memref<1024xi32, #tpu.memory_space<vmem>>) semaphore(%arg9 : memref<!tpu.dma_semaphore, #tpu.memory_space<semaphore_mem>>)
    %dma_wait3A_107 = arith.constant 1024 : i32
    %dma_wait3A_108 = arith.constant 0 : i32
    %dma_wait3A_109 = tpu.memref_slice %arg8[%dma_wait3A_107, %dma_wait3A_108] : memref<3072x16xf32, #tpu.memory_space<vmem>> -> memref<1024x16xf32, #tpu.memory_space<vmem>>
    %dma_wait3A_110 = arith.constant 1024 : i32
    %dma_wait3A_111 = tpu.memref_slice %arg6[%dma_wait3A_110] : memref<10000xi32, #tpu.memory_space<vmem>> -> memref<1024xi32, #tpu.memory_space<vmem>>
    %dma_wait3A_112 = arith.constant 0 : i32
    %dma_wait3A_113 = arith.constant 0 : i32
    %dma_wait3A_114 = tpu.memref_slice %arg14[%dma_wait3A_112, %dma_wait3A_113] : memref<10240x16xf32, #tpu.memory_space<vmem_shared>> -> memref<10240x16xf32, #tpu.memory_space<vmem_shared>>
    tpu.wait_indirect_dma semaphore(%arg10 : memref<!tpu.dma_semaphore, #tpu.memory_space<semaphore_mem>>) src(%dma_wait3A_114 : memref<10240x16xf32, #tpu.memory_space<vmem_shared>>) dst(%dma_wait3A_109 : memref<1024x16xf32, #tpu.memory_space<vmem>>)
    %dma_start3A_115 = arith.constant 1024 : i32
    %dma_start3A_116 = arith.constant 0 : i32
    %dma_start3A_117 = tpu.memref_slice %arg8[%dma_start3A_115, %dma_start3A_116] : memref<3072x16xf32, #tpu.memory_space<vmem>> -> memref<1024x16xf32, #tpu.memory_space<vmem>>
    %dma_start3A_118 = arith.constant 1024 : i32
    %dma_start3A_119 = tpu.memref_slice %arg7[%dma_start3A_118] : memref<10000xi32, #tpu.memory_space<vmem>> -> memref<1024xi32, #tpu.memory_space<vmem>>
    %dma_start3A_120 = arith.constant 0 : i32
    %dma_start3A_121 = arith.constant 0 : i32
    %dma_start3A_122 = tpu.memref_slice %arg13[%dma_start3A_120, %dma_start3A_121] : memref<10240x16xf32, #tpu.memory_space<vmem_shared>> -> memref<10240x16xf32, #tpu.memory_space<vmem_shared>>
    tpu.enqueue_indirect_dma source(%dma_start3A_117 : memref<1024x16xf32, #tpu.memory_space<vmem>>) target(%dma_start3A_122 : memref<10240x16xf32, #tpu.memory_space<vmem_shared>>) offsets(%dma_start3A_119 : memref<1024xi32, #tpu.memory_space<vmem>>) semaphore(%arg10 : memref<!tpu.dma_semaphore, #tpu.memory_space<semaphore_mem>>) {add = true}
    %dma_wait3A_123 = arith.constant 1024 : i32
    %dma_wait3A_124 = arith.constant 0 : i32
    %dma_wait3A_125 = tpu.memref_slice %arg8[%dma_wait3A_123, %dma_wait3A_124] : memref<3072x16xf32, #tpu.memory_space<vmem>> -> memref<1024x16xf32, #tpu.memory_space<vmem>>
    %dma_wait3A_126 = arith.constant 1024 : i32
    %dma_wait3A_127 = tpu.memref_slice %arg7[%dma_wait3A_126] : memref<10000xi32, #tpu.memory_space<vmem>> -> memref<1024xi32, #tpu.memory_space<vmem>>
    %dma_wait3A_128 = arith.constant 0 : i32
    %dma_wait3A_129 = arith.constant 0 : i32
    %dma_wait3A_130 = tpu.memref_slice %arg13[%dma_wait3A_128, %dma_wait3A_129] : memref<10240x16xf32, #tpu.memory_space<vmem_shared>> -> memref<10240x16xf32, #tpu.memory_space<vmem_shared>>
    tpu.wait_indirect_dma semaphore(%arg10 : memref<!tpu.dma_semaphore, #tpu.memory_space<semaphore_mem>>) src(%dma_wait3A_125 : memref<1024x16xf32, #tpu.memory_space<vmem>>) dst(%dma_wait3A_130 : memref<10240x16xf32, #tpu.memory_space<vmem_shared>>)
    %dma_start3A_131 = arith.constant 1024 : i32
    %dma_start3A_132 = arith.constant 0 : i32
    %dma_start3A_133 = tpu.memref_slice %arg8[%dma_start3A_131, %dma_start3A_132] : memref<3072x16xf32, #tpu.memory_space<vmem>> -> memref<1024x16xf32, #tpu.memory_space<vmem>>
    %dma_start3A_134 = arith.constant 4096 : i32
    %dma_start3A_135 = tpu.memref_slice %arg6[%dma_start3A_134] : memref<10000xi32, #tpu.memory_space<vmem>> -> memref<1024xi32, #tpu.memory_space<vmem>>
    %dma_start3A_136 = arith.constant 0 : i32
    %dma_start3A_137 = arith.constant 0 : i32
    %dma_start3A_138 = tpu.memref_slice %arg14[%dma_start3A_136, %dma_start3A_137] : memref<10240x16xf32, #tpu.memory_space<vmem_shared>> -> memref<10240x16xf32, #tpu.memory_space<vmem_shared>>
    tpu.enqueue_indirect_dma source(%dma_start3A_138 : memref<10240x16xf32, #tpu.memory_space<vmem_shared>>) target(%dma_start3A_133 : memref<1024x16xf32, #tpu.memory_space<vmem>>) offsets(%dma_start3A_135 : memref<1024xi32, #tpu.memory_space<vmem>>) semaphore(%arg10 : memref<!tpu.dma_semaphore, #tpu.memory_space<semaphore_mem>>)
    %dma_wait3A_139 = arith.constant 2048 : i32
    %dma_wait3A_140 = arith.constant 0 : i32
    %dma_wait3A_141 = tpu.memref_slice %arg8[%dma_wait3A_139, %dma_wait3A_140] : memref<3072x16xf32, #tpu.memory_space<vmem>> -> memref<1024x16xf32, #tpu.memory_space<vmem>>
    %dma_wait3A_142 = arith.constant 2048 : i32
    %dma_wait3A_143 = tpu.memref_slice %arg6[%dma_wait3A_142] : memref<10000xi32, #tpu.memory_space<vmem>> -> memref<1024xi32, #tpu.memory_space<vmem>>
    %dma_wait3A_144 = arith.constant 0 : i32
    %dma_wait3A_145 = arith.constant 0 : i32
    %dma_wait3A_146 = tpu.memref_slice %arg14[%dma_wait3A_144, %dma_wait3A_145] : memref<10240x16xf32, #tpu.memory_space<vmem_shared>> -> memref<10240x16xf32, #tpu.memory_space<vmem_shared>>
    tpu.wait_indirect_dma semaphore(%arg11 : memref<!tpu.dma_semaphore, #tpu.memory_space<semaphore_mem>>) src(%dma_wait3A_146 : memref<10240x16xf32, #tpu.memory_space<vmem_shared>>) dst(%dma_wait3A_141 : memref<1024x16xf32, #tpu.memory_space<vmem>>)
    %dma_start3A_147 = arith.constant 2048 : i32
    %dma_start3A_148 = arith.constant 0 : i32
    %dma_start3A_149 = tpu.memref_slice %arg8[%dma_start3A_147, %dma_start3A_148] : memref<3072x16xf32, #tpu.memory_space<vmem>> -> memref<1024x16xf32, #tpu.memory_space<vmem>>
    %dma_start3A_150 = arith.constant 2048 : i32
    %dma_start3A_151 = tpu.memref_slice %arg7[%dma_start3A_150] : memref<10000xi32, #tpu.memory_space<vmem>> -> memref<1024xi32, #tpu.memory_space<vmem>>
    %dma_start3A_152 = arith.constant 0 : i32
    %dma_start3A_153 = arith.constant 0 : i32
    %dma_start3A_154 = tpu.memref_slice %arg13[%dma_start3A_152, %dma_start3A_153] : memref<10240x16xf32, #tpu.memory_space<vmem_shared>> -> memref<10240x16xf32, #tpu.memory_space<vmem_shared>>
    tpu.enqueue_indirect_dma source(%dma_start3A_149 : memref<1024x16xf32, #tpu.memory_space<vmem>>) target(%dma_start3A_154 : memref<10240x16xf32, #tpu.memory_space<vmem_shared>>) offsets(%dma_start3A_151 : memref<1024xi32, #tpu.memory_space<vmem>>) semaphore(%arg11 : memref<!tpu.dma_semaphore, #tpu.memory_space<semaphore_mem>>) {add = true}
    %dma_wait3A_155 = arith.constant 2048 : i32
    %dma_wait3A_156 = arith.constant 0 : i32
    %dma_wait3A_157 = tpu.memref_slice %arg8[%dma_wait3A_155, %dma_wait3A_156] : memref<3072x16xf32, #tpu.memory_space<vmem>> -> memref<1024x16xf32, #tpu.memory_space<vmem>>
    %dma_wait3A_158 = arith.constant 2048 : i32
    %dma_wait3A_159 = tpu.memref_slice %arg7[%dma_wait3A_158] : memref<10000xi32, #tpu.memory_space<vmem>> -> memref<1024xi32, #tpu.memory_space<vmem>>
    %dma_wait3A_160 = arith.constant 0 : i32
    %dma_wait3A_161 = arith.constant 0 : i32
    %dma_wait3A_162 = tpu.memref_slice %arg13[%dma_wait3A_160, %dma_wait3A_161] : memref<10240x16xf32, #tpu.memory_space<vmem_shared>> -> memref<10240x16xf32, #tpu.memory_space<vmem_shared>>
    tpu.wait_indirect_dma semaphore(%arg11 : memref<!tpu.dma_semaphore, #tpu.memory_space<semaphore_mem>>) src(%dma_wait3A_157 : memref<1024x16xf32, #tpu.memory_space<vmem>>) dst(%dma_wait3A_162 : memref<10240x16xf32, #tpu.memory_space<vmem_shared>>)
    %dma_start3A_163 = arith.constant 2048 : i32
    %dma_start3A_164 = arith.constant 0 : i32
    %dma_start3A_165 = tpu.memref_slice %arg8[%dma_start3A_163, %dma_start3A_164] : memref<3072x16xf32, #tpu.memory_space<vmem>> -> memref<1024x16xf32, #tpu.memory_space<vmem>>
    %dma_start3A_166 = arith.constant 5120 : i32
    %dma_start3A_167 = tpu.memref_slice %arg6[%dma_start3A_166] : memref<10000xi32, #tpu.memory_space<vmem>> -> memref<1024xi32, #tpu.memory_space<vmem>>
    %dma_start3A_168 = arith.constant 0 : i32
    %dma_start3A_169 = arith.constant 0 : i32
    %dma_start3A_170 = tpu.memref_slice %arg14[%dma_start3A_168, %dma_start3A_169] : memref<10240x16xf32, #tpu.memory_space<vmem_shared>> -> memref<10240x16xf32, #tpu.memory_space<vmem_shared>>
    tpu.enqueue_indirect_dma source(%dma_start3A_170 : memref<10240x16xf32, #tpu.memory_space<vmem_shared>>) target(%dma_start3A_165 : memref<1024x16xf32, #tpu.memory_space<vmem>>) offsets(%dma_start3A_167 : memref<1024xi32, #tpu.memory_space<vmem>>) semaphore(%arg11 : memref<!tpu.dma_semaphore, #tpu.memory_space<semaphore_mem>>)
    %dma_wait3A_171 = arith.constant 0 : i32
    %dma_wait3A_172 = arith.constant 0 : i32
    %dma_wait3A_173 = tpu.memref_slice %arg8[%dma_wait3A_171, %dma_wait3A_172] : memref<3072x16xf32, #tpu.memory_space<vmem>> -> memref<1024x16xf32, #tpu.memory_space<vmem>>
    %dma_wait3A_174 = arith.constant 3072 : i32
    %dma_wait3A_175 = tpu.memref_slice %arg6[%dma_wait3A_174] : memref<10000xi32, #tpu.memory_space<vmem>> -> memref<1024xi32, #tpu.memory_space<vmem>>
    %dma_wait3A_176 = arith.constant 0 : i32
    %dma_wait3A_177 = arith.constant 0 : i32
    %dma_wait3A_178 = tpu.memref_slice %arg14[%dma_wait3A_176, %dma_wait3A_177] : memref<10240x16xf32, #tpu.memory_space<vmem_shared>> -> memref<10240x16xf32, #tpu.memory_space<vmem_shared>>
    tpu.wait_indirect_dma semaphore(%arg9 : memref<!tpu.dma_semaphore, #tpu.memory_space<semaphore_mem>>) src(%dma_wait3A_178 : memref<10240x16xf32, #tpu.memory_space<vmem_shared>>) dst(%dma_wait3A_173 : memref<1024x16xf32, #tpu.memory_space<vmem>>)
    %dma_start3A_179 = arith.constant 0 : i32
    %dma_start3A_180 = arith.constant 0 : i32
    %dma_start3A_181 = tpu.memref_slice %arg8[%dma_start3A_179, %dma_start3A_180] : memref<3072x16xf32, #tpu.memory_space<vmem>> -> memref<1024x16xf32, #tpu.memory_space<vmem>>
    %dma_start3A_182 = arith.constant 3072 : i32
    %dma_start3A_183 = tpu.memref_slice %arg7[%dma_start3A_182] : memref<10000xi32, #tpu.memory_space<vmem>> -> memref<1024xi32, #tpu.memory_space<vmem>>
    %dma_start3A_184 = arith.constant 0 : i32
    %dma_start3A_185 = arith.constant 0 : i32
    %dma_start3A_186 = tpu.memref_slice %arg13[%dma_start3A_184, %dma_start3A_185] : memref<10240x16xf32, #tpu.memory_space<vmem_shared>> -> memref<10240x16xf32, #tpu.memory_space<vmem_shared>>
    tpu.enqueue_indirect_dma source(%dma_start3A_181 : memref<1024x16xf32, #tpu.memory_space<vmem>>) target(%dma_start3A_186 : memref<10240x16xf32, #tpu.memory_space<vmem_shared>>) offsets(%dma_start3A_183 : memref<1024xi32, #tpu.memory_space<vmem>>) semaphore(%arg9 : memref<!tpu.dma_semaphore, #tpu.memory_space<semaphore_mem>>) {add = true}
    %dma_wait3A_187 = arith.constant 0 : i32
    %dma_wait3A_188 = arith.constant 0 : i32
    %dma_wait3A_189 = tpu.memref_slice %arg8[%dma_wait3A_187, %dma_wait3A_188] : memref<3072x16xf32, #tpu.memory_space<vmem>> -> memref<1024x16xf32, #tpu.memory_space<vmem>>
    %dma_wait3A_190 = arith.constant 3072 : i32
    %dma_wait3A_191 = tpu.memref_slice %arg7[%dma_wait3A_190] : memref<10000xi32, #tpu.memory_space<vmem>> -> memref<1024xi32, #tpu.memory_space<vmem>>
    %dma_wait3A_192 = arith.constant 0 : i32
    %dma_wait3A_193 = arith.constant 0 : i32
    %dma_wait3A_194 = tpu.memref_slice %arg13[%dma_wait3A_192, %dma_wait3A_193] : memref<10240x16xf32, #tpu.memory_space<vmem_shared>> -> memref<10240x16xf32, #tpu.memory_space<vmem_shared>>
    tpu.wait_indirect_dma semaphore(%arg9 : memref<!tpu.dma_semaphore, #tpu.memory_space<semaphore_mem>>) src(%dma_wait3A_189 : memref<1024x16xf32, #tpu.memory_space<vmem>>) dst(%dma_wait3A_194 : memref<10240x16xf32, #tpu.memory_space<vmem_shared>>)
    %dma_start3A_195 = arith.constant 0 : i32
    %dma_start3A_196 = arith.constant 0 : i32
    %dma_start3A_197 = tpu.memref_slice %arg8[%dma_start3A_195, %dma_start3A_196] : memref<3072x16xf32, #tpu.memory_space<vmem>> -> memref<1024x16xf32, #tpu.memory_space<vmem>>
    %dma_start3A_198 = arith.constant 6144 : i32
    %dma_start3A_199 = tpu.memref_slice %arg6[%dma_start3A_198] : memref<10000xi32, #tpu.memory_space<vmem>> -> memref<1024xi32, #tpu.memory_space<vmem>>
    %dma_start3A_200 = arith.constant 0 : i32
    %dma_start3A_201 = arith.constant 0 : i32
    %dma_start3A_202 = tpu.memref_slice %arg14[%dma_start3A_200, %dma_start3A_201] : memref<10240x16xf32, #tpu.memory_space<vmem_shared>> -> memref<10240x16xf32, #tpu.memory_space<vmem_shared>>
    tpu.enqueue_indirect_dma source(%dma_start3A_202 : memref<10240x16xf32, #tpu.memory_space<vmem_shared>>) target(%dma_start3A_197 : memref<1024x16xf32, #tpu.memory_space<vmem>>) offsets(%dma_start3A_199 : memref<1024xi32, #tpu.memory_space<vmem>>) semaphore(%arg9 : memref<!tpu.dma_semaphore, #tpu.memory_space<semaphore_mem>>)
    %dma_wait3A_203 = arith.constant 1024 : i32
    %dma_wait3A_204 = arith.constant 0 : i32
    %dma_wait3A_205 = tpu.memref_slice %arg8[%dma_wait3A_203, %dma_wait3A_204] : memref<3072x16xf32, #tpu.memory_space<vmem>> -> memref<1024x16xf32, #tpu.memory_space<vmem>>
    %dma_wait3A_206 = arith.constant 4096 : i32
    %dma_wait3A_207 = tpu.memref_slice %arg6[%dma_wait3A_206] : memref<10000xi32, #tpu.memory_space<vmem>> -> memref<1024xi32, #tpu.memory_space<vmem>>
    %dma_wait3A_208 = arith.constant 0 : i32
    %dma_wait3A_209 = arith.constant 0 : i32
    %dma_wait3A_210 = tpu.memref_slice %arg14[%dma_wait3A_208, %dma_wait3A_209] : memref<10240x16xf32, #tpu.memory_space<vmem_shared>> -> memref<10240x16xf32, #tpu.memory_space<vmem_shared>>
    tpu.wait_indirect_dma semaphore(%arg10 : memref<!tpu.dma_semaphore, #tpu.memory_space<semaphore_mem>>) src(%dma_wait3A_210 : memref<10240x16xf32, #tpu.memory_space<vmem_shared>>) dst(%dma_wait3A_205 : memref<1024x16xf32, #tpu.memory_space<vmem>>)
    %dma_start3A_211 = arith.constant 1024 : i32
    %dma_start3A_212 = arith.constant 0 : i32
    %dma_start3A_213 = tpu.memref_slice %arg8[%dma_start3A_211, %dma_start3A_212] : memref<3072x16xf32, #tpu.memory_space<vmem>> -> memref<1024x16xf32, #tpu.memory_space<vmem>>
    %dma_start3A_214 = arith.constant 4096 : i32
    %dma_start3A_215 = tpu.memref_slice %arg7[%dma_start3A_214] : memref<10000xi32, #tpu.memory_space<vmem>> -> memref<1024xi32, #tpu.memory_space<vmem>>
    %dma_start3A_216 = arith.constant 0 : i32
    %dma_start3A_217 = arith.constant 0 : i32
    %dma_start3A_218 = tpu.memref_slice %arg13[%dma_start3A_216, %dma_start3A_217] : memref<10240x16xf32, #tpu.memory_space<vmem_shared>> -> memref<10240x16xf32, #tpu.memory_space<vmem_shared>>
    tpu.enqueue_indirect_dma source(%dma_start3A_213 : memref<1024x16xf32, #tpu.memory_space<vmem>>) target(%dma_start3A_218 : memref<10240x16xf32, #tpu.memory_space<vmem_shared>>) offsets(%dma_start3A_215 : memref<1024xi32, #tpu.memory_space<vmem>>) semaphore(%arg10 : memref<!tpu.dma_semaphore, #tpu.memory_space<semaphore_mem>>) {add = true}
    %dma_wait3A_219 = arith.constant 1024 : i32
    %dma_wait3A_220 = arith.constant 0 : i32
    %dma_wait3A_221 = tpu.memref_slice %arg8[%dma_wait3A_219, %dma_wait3A_220] : memref<3072x16xf32, #tpu.memory_space<vmem>> -> memref<1024x16xf32, #tpu.memory_space<vmem>>
    %dma_wait3A_222 = arith.constant 4096 : i32
    %dma_wait3A_223 = tpu.memref_slice %arg7[%dma_wait3A_222] : memref<10000xi32, #tpu.memory_space<vmem>> -> memref<1024xi32, #tpu.memory_space<vmem>>
    %dma_wait3A_224 = arith.constant 0 : i32
    %dma_wait3A_225 = arith.constant 0 : i32
    %dma_wait3A_226 = tpu.memref_slice %arg13[%dma_wait3A_224, %dma_wait3A_225] : memref<10240x16xf32, #tpu.memory_space<vmem_shared>> -> memref<10240x16xf32, #tpu.memory_space<vmem_shared>>
    tpu.wait_indirect_dma semaphore(%arg10 : memref<!tpu.dma_semaphore, #tpu.memory_space<semaphore_mem>>) src(%dma_wait3A_221 : memref<1024x16xf32, #tpu.memory_space<vmem>>) dst(%dma_wait3A_226 : memref<10240x16xf32, #tpu.memory_space<vmem_shared>>)
    %dma_start3A_227 = arith.constant 1024 : i32
    %dma_start3A_228 = arith.constant 0 : i32
    %dma_start3A_229 = tpu.memref_slice %arg8[%dma_start3A_227, %dma_start3A_228] : memref<3072x16xf32, #tpu.memory_space<vmem>> -> memref<1024x16xf32, #tpu.memory_space<vmem>>
    %dma_start3A_230 = arith.constant 7168 : i32
    %dma_start3A_231 = tpu.memref_slice %arg6[%dma_start3A_230] : memref<10000xi32, #tpu.memory_space<vmem>> -> memref<1024xi32, #tpu.memory_space<vmem>>
    %dma_start3A_232 = arith.constant 0 : i32
    %dma_start3A_233 = arith.constant 0 : i32
    %dma_start3A_234 = tpu.memref_slice %arg14[%dma_start3A_232, %dma_start3A_233] : memref<10240x16xf32, #tpu.memory_space<vmem_shared>> -> memref<10240x16xf32, #tpu.memory_space<vmem_shared>>
    tpu.enqueue_indirect_dma source(%dma_start3A_234 : memref<10240x16xf32, #tpu.memory_space<vmem_shared>>) target(%dma_start3A_229 : memref<1024x16xf32, #tpu.memory_space<vmem>>) offsets(%dma_start3A_231 : memref<1024xi32, #tpu.memory_space<vmem>>) semaphore(%arg10 : memref<!tpu.dma_semaphore, #tpu.memory_space<semaphore_mem>>)
    %dma_wait3A_235 = arith.constant 2048 : i32
    %dma_wait3A_236 = arith.constant 0 : i32
    %dma_wait3A_237 = tpu.memref_slice %arg8[%dma_wait3A_235, %dma_wait3A_236] : memref<3072x16xf32, #tpu.memory_space<vmem>> -> memref<1024x16xf32, #tpu.memory_space<vmem>>
    %dma_wait3A_238 = arith.constant 5120 : i32
    %dma_wait3A_239 = tpu.memref_slice %arg6[%dma_wait3A_238] : memref<10000xi32, #tpu.memory_space<vmem>> -> memref<1024xi32, #tpu.memory_space<vmem>>
    %dma_wait3A_240 = arith.constant 0 : i32
    %dma_wait3A_241 = arith.constant 0 : i32
    %dma_wait3A_242 = tpu.memref_slice %arg14[%dma_wait3A_240, %dma_wait3A_241] : memref<10240x16xf32, #tpu.memory_space<vmem_shared>> -> memref<10240x16xf32, #tpu.memory_space<vmem_shared>>
    tpu.wait_indirect_dma semaphore(%arg11 : memref<!tpu.dma_semaphore, #tpu.memory_space<semaphore_mem>>) src(%dma_wait3A_242 : memref<10240x16xf32, #tpu.memory_space<vmem_shared>>) dst(%dma_wait3A_237 : memref<1024x16xf32, #tpu.memory_space<vmem>>)
    %dma_start3A_243 = arith.constant 2048 : i32
    %dma_start3A_244 = arith.constant 0 : i32
    %dma_start3A_245 = tpu.memref_slice %arg8[%dma_start3A_243, %dma_start3A_244] : memref<3072x16xf32, #tpu.memory_space<vmem>> -> memref<1024x16xf32, #tpu.memory_space<vmem>>
    %dma_start3A_246 = arith.constant 5120 : i32
    %dma_start3A_247 = tpu.memref_slice %arg7[%dma_start3A_246] : memref<10000xi32, #tpu.memory_space<vmem>> -> memref<1024xi32, #tpu.memory_space<vmem>>
    %dma_start3A_248 = arith.constant 0 : i32
    %dma_start3A_249 = arith.constant 0 : i32
    %dma_start3A_250 = tpu.memref_slice %arg13[%dma_start3A_248, %dma_start3A_249] : memref<10240x16xf32, #tpu.memory_space<vmem_shared>> -> memref<10240x16xf32, #tpu.memory_space<vmem_shared>>
    tpu.enqueue_indirect_dma source(%dma_start3A_245 : memref<1024x16xf32, #tpu.memory_space<vmem>>) target(%dma_start3A_250 : memref<10240x16xf32, #tpu.memory_space<vmem_shared>>) offsets(%dma_start3A_247 : memref<1024xi32, #tpu.memory_space<vmem>>) semaphore(%arg11 : memref<!tpu.dma_semaphore, #tpu.memory_space<semaphore_mem>>) {add = true}
    %dma_wait3A_251 = arith.constant 2048 : i32
    %dma_wait3A_252 = arith.constant 0 : i32
    %dma_wait3A_253 = tpu.memref_slice %arg8[%dma_wait3A_251, %dma_wait3A_252] : memref<3072x16xf32, #tpu.memory_space<vmem>> -> memref<1024x16xf32, #tpu.memory_space<vmem>>
    %dma_wait3A_254 = arith.constant 5120 : i32
    %dma_wait3A_255 = tpu.memref_slice %arg7[%dma_wait3A_254] : memref<10000xi32, #tpu.memory_space<vmem>> -> memref<1024xi32, #tpu.memory_space<vmem>>
    %dma_wait3A_256 = arith.constant 0 : i32
    %dma_wait3A_257 = arith.constant 0 : i32
    %dma_wait3A_258 = tpu.memref_slice %arg13[%dma_wait3A_256, %dma_wait3A_257] : memref<10240x16xf32, #tpu.memory_space<vmem_shared>> -> memref<10240x16xf32, #tpu.memory_space<vmem_shared>>
    tpu.wait_indirect_dma semaphore(%arg11 : memref<!tpu.dma_semaphore, #tpu.memory_space<semaphore_mem>>) src(%dma_wait3A_253 : memref<1024x16xf32, #tpu.memory_space<vmem>>) dst(%dma_wait3A_258 : memref<10240x16xf32, #tpu.memory_space<vmem_shared>>)
    %dma_start3A_259 = arith.constant 2048 : i32
    %dma_start3A_260 = arith.constant 0 : i32
    %dma_start3A_261 = tpu.memref_slice %arg8[%dma_start3A_259, %dma_start3A_260] : memref<3072x16xf32, #tpu.memory_space<vmem>> -> memref<1024x16xf32, #tpu.memory_space<vmem>>
    %dma_start3A_262 = arith.constant 8192 : i32
    %dma_start3A_263 = tpu.memref_slice %arg6[%dma_start3A_262] : memref<10000xi32, #tpu.memory_space<vmem>> -> memref<1024xi32, #tpu.memory_space<vmem>>
    %dma_start3A_264 = arith.constant 0 : i32
    %dma_start3A_265 = arith.constant 0 : i32
    %dma_start3A_266 = tpu.memref_slice %arg14[%dma_start3A_264, %dma_start3A_265] : memref<10240x16xf32, #tpu.memory_space<vmem_shared>> -> memref<10240x16xf32, #tpu.memory_space<vmem_shared>>
    tpu.enqueue_indirect_dma source(%dma_start3A_266 : memref<10240x16xf32, #tpu.memory_space<vmem_shared>>) target(%dma_start3A_261 : memref<1024x16xf32, #tpu.memory_space<vmem>>) offsets(%dma_start3A_263 : memref<1024xi32, #tpu.memory_space<vmem>>) semaphore(%arg11 : memref<!tpu.dma_semaphore, #tpu.memory_space<semaphore_mem>>)
    %dma_wait3A_267 = arith.constant 0 : i32
    %dma_wait3A_268 = arith.constant 0 : i32
    %dma_wait3A_269 = tpu.memref_slice %arg8[%dma_wait3A_267, %dma_wait3A_268] : memref<3072x16xf32, #tpu.memory_space<vmem>> -> memref<1024x16xf32, #tpu.memory_space<vmem>>
    %dma_wait3A_270 = arith.constant 6144 : i32
    %dma_wait3A_271 = tpu.memref_slice %arg6[%dma_wait3A_270] : memref<10000xi32, #tpu.memory_space<vmem>> -> memref<1024xi32, #tpu.memory_space<vmem>>
    %dma_wait3A_272 = arith.constant 0 : i32
    %dma_wait3A_273 = arith.constant 0 : i32
    %dma_wait3A_274 = tpu.memref_slice %arg14[%dma_wait3A_272, %dma_wait3A_273] : memref<10240x16xf32, #tpu.memory_space<vmem_shared>> -> memref<10240x16xf32, #tpu.memory_space<vmem_shared>>
    tpu.wait_indirect_dma semaphore(%arg9 : memref<!tpu.dma_semaphore, #tpu.memory_space<semaphore_mem>>) src(%dma_wait3A_274 : memref<10240x16xf32, #tpu.memory_space<vmem_shared>>) dst(%dma_wait3A_269 : memref<1024x16xf32, #tpu.memory_space<vmem>>)
    %dma_start3A_275 = arith.constant 0 : i32
    %dma_start3A_276 = arith.constant 0 : i32
    %dma_start3A_277 = tpu.memref_slice %arg8[%dma_start3A_275, %dma_start3A_276] : memref<3072x16xf32, #tpu.memory_space<vmem>> -> memref<1024x16xf32, #tpu.memory_space<vmem>>
    %dma_start3A_278 = arith.constant 6144 : i32
    %dma_start3A_279 = tpu.memref_slice %arg7[%dma_start3A_278] : memref<10000xi32, #tpu.memory_space<vmem>> -> memref<1024xi32, #tpu.memory_space<vmem>>
    %dma_start3A_280 = arith.constant 0 : i32
    %dma_start3A_281 = arith.constant 0 : i32
    %dma_start3A_282 = tpu.memref_slice %arg13[%dma_start3A_280, %dma_start3A_281] : memref<10240x16xf32, #tpu.memory_space<vmem_shared>> -> memref<10240x16xf32, #tpu.memory_space<vmem_shared>>
    tpu.enqueue_indirect_dma source(%dma_start3A_277 : memref<1024x16xf32, #tpu.memory_space<vmem>>) target(%dma_start3A_282 : memref<10240x16xf32, #tpu.memory_space<vmem_shared>>) offsets(%dma_start3A_279 : memref<1024xi32, #tpu.memory_space<vmem>>) semaphore(%arg9 : memref<!tpu.dma_semaphore, #tpu.memory_space<semaphore_mem>>) {add = true}
    %dma_wait3A_283 = arith.constant 0 : i32
    %dma_wait3A_284 = arith.constant 0 : i32
    %dma_wait3A_285 = tpu.memref_slice %arg8[%dma_wait3A_283, %dma_wait3A_284] : memref<3072x16xf32, #tpu.memory_space<vmem>> -> memref<1024x16xf32, #tpu.memory_space<vmem>>
    %dma_wait3A_286 = arith.constant 6144 : i32
    %dma_wait3A_287 = tpu.memref_slice %arg7[%dma_wait3A_286] : memref<10000xi32, #tpu.memory_space<vmem>> -> memref<1024xi32, #tpu.memory_space<vmem>>
    %dma_wait3A_288 = arith.constant 0 : i32
    %dma_wait3A_289 = arith.constant 0 : i32
    %dma_wait3A_290 = tpu.memref_slice %arg13[%dma_wait3A_288, %dma_wait3A_289] : memref<10240x16xf32, #tpu.memory_space<vmem_shared>> -> memref<10240x16xf32, #tpu.memory_space<vmem_shared>>
    tpu.wait_indirect_dma semaphore(%arg9 : memref<!tpu.dma_semaphore, #tpu.memory_space<semaphore_mem>>) src(%dma_wait3A_285 : memref<1024x16xf32, #tpu.memory_space<vmem>>) dst(%dma_wait3A_290 : memref<10240x16xf32, #tpu.memory_space<vmem_shared>>)
    %dma_start3A_291 = arith.constant 0 : i32
    %dma_start3A_292 = arith.constant 0 : i32
    %dma_start3A_293 = tpu.memref_slice %arg8[%dma_start3A_291, %dma_start3A_292] : memref<3072x16xf32, #tpu.memory_space<vmem>> -> memref<784x16xf32, #tpu.memory_space<vmem>>
    %dma_start3A_294 = arith.constant 9216 : i32
    %dma_start3A_295 = tpu.memref_slice %arg6[%dma_start3A_294] : memref<10000xi32, #tpu.memory_space<vmem>> -> memref<784xi32, #tpu.memory_space<vmem>>
    %dma_start3A_296 = arith.constant 0 : i32
    %dma_start3A_297 = arith.constant 0 : i32
    %dma_start3A_298 = tpu.memref_slice %arg14[%dma_start3A_296, %dma_start3A_297] : memref<10240x16xf32, #tpu.memory_space<vmem_shared>> -> memref<10240x16xf32, #tpu.memory_space<vmem_shared>>
    tpu.enqueue_indirect_dma source(%dma_start3A_298 : memref<10240x16xf32, #tpu.memory_space<vmem_shared>>) target(%dma_start3A_293 : memref<784x16xf32, #tpu.memory_space<vmem>>) offsets(%dma_start3A_295 : memref<784xi32, #tpu.memory_space<vmem>>) semaphore(%arg9 : memref<!tpu.dma_semaphore, #tpu.memory_space<semaphore_mem>>)
    %dma_wait3A_299 = arith.constant 1024 : i32
    %dma_wait3A_300 = arith.constant 0 : i32
    %dma_wait3A_301 = tpu.memref_slice %arg8[%dma_wait3A_299, %dma_wait3A_300] : memref<3072x16xf32, #tpu.memory_space<vmem>> -> memref<1024x16xf32, #tpu.memory_space<vmem>>
    %dma_wait3A_302 = arith.constant 7168 : i32
    %dma_wait3A_303 = tpu.memref_slice %arg6[%dma_wait3A_302] : memref<10000xi32, #tpu.memory_space<vmem>> -> memref<1024xi32, #tpu.memory_space<vmem>>
    %dma_wait3A_304 = arith.constant 0 : i32
    %dma_wait3A_305 = arith.constant 0 : i32
    %dma_wait3A_306 = tpu.memref_slice %arg14[%dma_wait3A_304, %dma_wait3A_305] : memref<10240x16xf32, #tpu.memory_space<vmem_shared>> -> memref<10240x16xf32, #tpu.memory_space<vmem_shared>>
    tpu.wait_indirect_dma semaphore(%arg10 : memref<!tpu.dma_semaphore, #tpu.memory_space<semaphore_mem>>) src(%dma_wait3A_306 : memref<10240x16xf32, #tpu.memory_space<vmem_shared>>) dst(%dma_wait3A_301 : memref<1024x16xf32, #tpu.memory_space<vmem>>)
    %dma_start3A_307 = arith.constant 1024 : i32
    %dma_start3A_308 = arith.constant 0 : i32
    %dma_start3A_309 = tpu.memref_slice %arg8[%dma_start3A_307, %dma_start3A_308] : memref<3072x16xf32, #tpu.memory_space<vmem>> -> memref<1024x16xf32, #tpu.memory_space<vmem>>
    %dma_start3A_310 = arith.constant 7168 : i32
    %dma_start3A_311 = tpu.memref_slice %arg7[%dma_start3A_310] : memref<10000xi32, #tpu.memory_space<vmem>> -> memref<1024xi32, #tpu.memory_space<vmem>>
    %dma_start3A_312 = arith.constant 0 : i32
    %dma_start3A_313 = arith.constant 0 : i32
    %dma_start3A_314 = tpu.memref_slice %arg13[%dma_start3A_312, %dma_start3A_313] : memref<10240x16xf32, #tpu.memory_space<vmem_shared>> -> memref<10240x16xf32, #tpu.memory_space<vmem_shared>>
    tpu.enqueue_indirect_dma source(%dma_start3A_309 : memref<1024x16xf32, #tpu.memory_space<vmem>>) target(%dma_start3A_314 : memref<10240x16xf32, #tpu.memory_space<vmem_shared>>) offsets(%dma_start3A_311 : memref<1024xi32, #tpu.memory_space<vmem>>) semaphore(%arg10 : memref<!tpu.dma_semaphore, #tpu.memory_space<semaphore_mem>>) {add = true}
    %dma_wait3A_315 = arith.constant 2048 : i32
    %dma_wait3A_316 = arith.constant 0 : i32
    %dma_wait3A_317 = tpu.memref_slice %arg8[%dma_wait3A_315, %dma_wait3A_316] : memref<3072x16xf32, #tpu.memory_space<vmem>> -> memref<1024x16xf32, #tpu.memory_space<vmem>>
    %dma_wait3A_318 = arith.constant 8192 : i32
    %dma_wait3A_319 = tpu.memref_slice %arg6[%dma_wait3A_318] : memref<10000xi32, #tpu.memory_space<vmem>> -> memref<1024xi32, #tpu.memory_space<vmem>>
    %dma_wait3A_320 = arith.constant 0 : i32
    %dma_wait3A_321 = arith.constant 0 : i32
    %dma_wait3A_322 = tpu.memref_slice %arg14[%dma_wait3A_320, %dma_wait3A_321] : memref<10240x16xf32, #tpu.memory_space<vmem_shared>> -> memref<10240x16xf32, #tpu.memory_space<vmem_shared>>
    tpu.wait_indirect_dma semaphore(%arg11 : memref<!tpu.dma_semaphore, #tpu.memory_space<semaphore_mem>>) src(%dma_wait3A_322 : memref<10240x16xf32, #tpu.memory_space<vmem_shared>>) dst(%dma_wait3A_317 : memref<1024x16xf32, #tpu.memory_space<vmem>>)
    %dma_start3A_323 = arith.constant 2048 : i32
    %dma_start3A_324 = arith.constant 0 : i32
    %dma_start3A_325 = tpu.memref_slice %arg8[%dma_start3A_323, %dma_start3A_324] : memref<3072x16xf32, #tpu.memory_space<vmem>> -> memref<1024x16xf32, #tpu.memory_space<vmem>>
    %dma_start3A_326 = arith.constant 8192 : i32
    %dma_start3A_327 = tpu.memref_slice %arg7[%dma_start3A_326] : memref<10000xi32, #tpu.memory_space<vmem>> -> memref<1024xi32, #tpu.memory_space<vmem>>
    %dma_start3A_328 = arith.constant 0 : i32
    %dma_start3A_329 = arith.constant 0 : i32
    %dma_start3A_330 = tpu.memref_slice %arg13[%dma_start3A_328, %dma_start3A_329] : memref<10240x16xf32, #tpu.memory_space<vmem_shared>> -> memref<10240x16xf32, #tpu.memory_space<vmem_shared>>
    tpu.enqueue_indirect_dma source(%dma_start3A_325 : memref<1024x16xf32, #tpu.memory_space<vmem>>) target(%dma_start3A_330 : memref<10240x16xf32, #tpu.memory_space<vmem_shared>>) offsets(%dma_start3A_327 : memref<1024xi32, #tpu.memory_space<vmem>>) semaphore(%arg11 : memref<!tpu.dma_semaphore, #tpu.memory_space<semaphore_mem>>) {add = true}
    %dma_wait3A_331 = arith.constant 0 : i32
    %dma_wait3A_332 = arith.constant 0 : i32
    %dma_wait3A_333 = tpu.memref_slice %arg8[%dma_wait3A_331, %dma_wait3A_332] : memref<3072x16xf32, #tpu.memory_space<vmem>> -> memref<784x16xf32, #tpu.memory_space<vmem>>
    %dma_wait3A_334 = arith.constant 9216 : i32
    %dma_wait3A_335 = tpu.memref_slice %arg6[%dma_wait3A_334] : memref<10000xi32, #tpu.memory_space<vmem>> -> memref<784xi32, #tpu.memory_space<vmem>>
    %dma_wait3A_336 = arith.constant 0 : i32
    %dma_wait3A_337 = arith.constant 0 : i32
    %dma_wait3A_338 = tpu.memref_slice %arg14[%dma_wait3A_336, %dma_wait3A_337] : memref<10240x16xf32, #tpu.memory_space<vmem_shared>> -> memref<10240x16xf32, #tpu.memory_space<vmem_shared>>
    tpu.wait_indirect_dma semaphore(%arg9 : memref<!tpu.dma_semaphore, #tpu.memory_space<semaphore_mem>>) src(%dma_wait3A_338 : memref<10240x16xf32, #tpu.memory_space<vmem_shared>>) dst(%dma_wait3A_333 : memref<784x16xf32, #tpu.memory_space<vmem>>)
    %dma_start3A_339 = arith.constant 0 : i32
    %dma_start3A_340 = arith.constant 0 : i32
    %dma_start3A_341 = tpu.memref_slice %arg8[%dma_start3A_339, %dma_start3A_340] : memref<3072x16xf32, #tpu.memory_space<vmem>> -> memref<784x16xf32, #tpu.memory_space<vmem>>
    %dma_start3A_342 = arith.constant 9216 : i32
    %dma_start3A_343 = tpu.memref_slice %arg7[%dma_start3A_342] : memref<10000xi32, #tpu.memory_space<vmem>> -> memref<784xi32, #tpu.memory_space<vmem>>
    %dma_start3A_344 = arith.constant 0 : i32
    %dma_start3A_345 = arith.constant 0 : i32
    %dma_start3A_346 = tpu.memref_slice %arg13[%dma_start3A_344, %dma_start3A_345] : memref<10240x16xf32, #tpu.memory_space<vmem_shared>> -> memref<10240x16xf32, #tpu.memory_space<vmem_shared>>
    tpu.enqueue_indirect_dma source(%dma_start3A_341 : memref<784x16xf32, #tpu.memory_space<vmem>>) target(%dma_start3A_346 : memref<10240x16xf32, #tpu.memory_space<vmem_shared>>) offsets(%dma_start3A_343 : memref<784xi32, #tpu.memory_space<vmem>>) semaphore(%arg9 : memref<!tpu.dma_semaphore, #tpu.memory_space<semaphore_mem>>) {add = true}
    %dma_wait3A_347 = arith.constant 1024 : i32
    %dma_wait3A_348 = arith.constant 0 : i32
    %dma_wait3A_349 = tpu.memref_slice %arg8[%dma_wait3A_347, %dma_wait3A_348] : memref<3072x16xf32, #tpu.memory_space<vmem>> -> memref<1024x16xf32, #tpu.memory_space<vmem>>
    %dma_wait3A_350 = arith.constant 7168 : i32
    %dma_wait3A_351 = tpu.memref_slice %arg7[%dma_wait3A_350] : memref<10000xi32, #tpu.memory_space<vmem>> -> memref<1024xi32, #tpu.memory_space<vmem>>
    %dma_wait3A_352 = arith.constant 0 : i32
    %dma_wait3A_353 = arith.constant 0 : i32
    %dma_wait3A_354 = tpu.memref_slice %arg13[%dma_wait3A_352, %dma_wait3A_353] : memref<10240x16xf32, #tpu.memory_space<vmem_shared>> -> memref<10240x16xf32, #tpu.memory_space<vmem_shared>>
    tpu.wait_indirect_dma semaphore(%arg10 : memref<!tpu.dma_semaphore, #tpu.memory_space<semaphore_mem>>) src(%dma_wait3A_349 : memref<1024x16xf32, #tpu.memory_space<vmem>>) dst(%dma_wait3A_354 : memref<10240x16xf32, #tpu.memory_space<vmem_shared>>)
    %dma_wait3A_355 = arith.constant 2048 : i32
    %dma_wait3A_356 = arith.constant 0 : i32
    %dma_wait3A_357 = tpu.memref_slice %arg8[%dma_wait3A_355, %dma_wait3A_356] : memref<3072x16xf32, #tpu.memory_space<vmem>> -> memref<1024x16xf32, #tpu.memory_space<vmem>>
    %dma_wait3A_358 = arith.constant 8192 : i32
    %dma_wait3A_359 = tpu.memref_slice %arg7[%dma_wait3A_358] : memref<10000xi32, #tpu.memory_space<vmem>> -> memref<1024xi32, #tpu.memory_space<vmem>>
    %dma_wait3A_360 = arith.constant 0 : i32
    %dma_wait3A_361 = arith.constant 0 : i32
    %dma_wait3A_362 = tpu.memref_slice %arg13[%dma_wait3A_360, %dma_wait3A_361] : memref<10240x16xf32, #tpu.memory_space<vmem_shared>> -> memref<10240x16xf32, #tpu.memory_space<vmem_shared>>
    tpu.wait_indirect_dma semaphore(%arg11 : memref<!tpu.dma_semaphore, #tpu.memory_space<semaphore_mem>>) src(%dma_wait3A_357 : memref<1024x16xf32, #tpu.memory_space<vmem>>) dst(%dma_wait3A_362 : memref<10240x16xf32, #tpu.memory_space<vmem_shared>>)
    %dma_wait3A_363 = arith.constant 0 : i32
    %dma_wait3A_364 = arith.constant 0 : i32
    %dma_wait3A_365 = tpu.memref_slice %arg8[%dma_wait3A_363, %dma_wait3A_364] : memref<3072x16xf32, #tpu.memory_space<vmem>> -> memref<784x16xf32, #tpu.memory_space<vmem>>
    %dma_wait3A_366 = arith.constant 9216 : i32
    %dma_wait3A_367 = tpu.memref_slice %arg7[%dma_wait3A_366] : memref<10000xi32, #tpu.memory_space<vmem>> -> memref<784xi32, #tpu.memory_space<vmem>>
    %dma_wait3A_368 = arith.constant 0 : i32
    %dma_wait3A_369 = arith.constant 0 : i32
    %dma_wait3A_370 = tpu.memref_slice %arg13[%dma_wait3A_368, %dma_wait3A_369] : memref<10240x16xf32, #tpu.memory_space<vmem_shared>> -> memref<10240x16xf32, #tpu.memory_space<vmem_shared>>
    tpu.wait_indirect_dma semaphore(%arg9 : memref<!tpu.dma_semaphore, #tpu.memory_space<semaphore_mem>>) src(%dma_wait3A_365 : memref<784x16xf32, #tpu.memory_space<vmem>>) dst(%dma_wait3A_370 : memref<10240x16xf32, #tpu.memory_space<vmem_shared>>)
    %barrier3A_371 = arith.constant 0 : index
    tpu.barrier barrier_id(%barrier3A_371)
    %mul3A_372 = arith.constant 640 : i32
    %mul3A_373 = arith.muli %arg1, %mul3A_372 : i32
    %mul3A_374 = arith.constant 640 : i32
    %mul3A_375 = arith.muli %arg1, %mul3A_374 : i32
    "tpu.region"() ({
      %run_scoped3A = tpu.sem_alloc : memref<!tpu.dma_semaphore, #tpu.memory_space<semaphore_mem>>
      %dma_start3A_376 = arith.constant 0 : i32
      %dma_start3A_377 = tpu.memref_slice %arg4[%arg0, %mul3A_375, %dma_start3A_376] : memref<2x10240x16xf32, #tpu.memory_space<hbm>> -> memref<1x640x16xf32, #tpu.memory_space<hbm>>
      %dma_start3A_378 = tpu.memref_squeeze %dma_start3A_377 : memref<1x640x16xf32, #tpu.memory_space<hbm>> -> memref<640x16xf32, #tpu.memory_space<hbm>>
      %dma_start3A_379 = arith.constant 0 : i32
      %dma_start3A_380 = tpu.memref_slice %arg13[%mul3A_373, %dma_start3A_379] : memref<10240x16xf32, #tpu.memory_space<vmem_shared>> -> memref<640x16xf32, #tpu.memory_space<vmem_shared>>
      tpu.enqueue_dma source(%dma_start3A_380 : memref<640x16xf32, #tpu.memory_space<vmem_shared>>) target(%dma_start3A_378 : memref<640x16xf32, #tpu.memory_space<hbm>>) target_semaphore(%run_scoped3A : memref<!tpu.dma_semaphore, #tpu.memory_space<semaphore_mem>>)
      %dma_wait3A_381 = arith.constant 0 : i32
      %dma_wait3A_382 = tpu.memref_slice %arg4[%arg0, %mul3A_375, %dma_wait3A_381] : memref<2x10240x16xf32, #tpu.memory_space<hbm>> -> memref<1x640x16xf32, #tpu.memory_space<hbm>>
      %dma_wait3A_383 = tpu.memref_squeeze %dma_wait3A_382 : memref<1x640x16xf32, #tpu.memory_space<hbm>> -> memref<640x16xf32, #tpu.memory_space<hbm>>
      %dma_wait3A_384 = arith.constant 0 : i32
      %dma_wait3A_385 = tpu.memref_slice %arg13[%mul3A_373, %dma_wait3A_384] : memref<10240x16xf32, #tpu.memory_space<vmem_shared>> -> memref<640x16xf32, #tpu.memory_space<vmem_shared>>
      tpu.wait_dma2 semaphore(%run_scoped3A : memref<!tpu.dma_semaphore, #tpu.memory_space<semaphore_mem>>) src(%dma_wait3A_385 : memref<640x16xf32, #tpu.memory_space<vmem_shared>>) dst(%dma_wait3A_383 : memref<640x16xf32, #tpu.memory_space<hbm>>)
      tpu.yield
    }) : () -> ()
    return
  }
}

module attributes {stable_mosaic.version = 14 : i64} {
  func.func @_t1a_body(%arg0: memref<10000x128xf32, #tpu.memory_space<vmem>>, %arg1: memref<128x16xf32, #tpu.memory_space<vmem>>, %arg2: memref<10000x16xf32, #tpu.memory_space<vmem>>) attributes {dimension_semantics = [], scalar_prefetch = 0 : i64, scratch_operands = 0 : i64, tpu.core_type = #tpu.core_type<tc>} {
    %get3A = arith.constant 0 : index
    %get3A_0 = arith.constant 0 : index
    %get3A_1 = vector.load %arg0[%get3A, %get3A_0] : memref<10000x128xf32, #tpu.memory_space<vmem>>, vector<10000x128xf32>
    %get3A_2 = arith.constant 0 : index
    %get3A_3 = arith.constant 0 : index
    %get3A_4 = vector.load %arg1[%get3A_2, %get3A_3] : memref<128x16xf32, #tpu.memory_space<vmem>>, vector<128x16xf32>
    %dot_general3A = arith.constant dense<0.000000e+00> : vector<10000x16xf32>
    %dot_general3A_5 = tpu.matmul %get3A_1, %get3A_4, %dot_general3A {dimension_numbers = #tpu.dot_dimension_numbers<[1], [0], [0], [1], [0, 0, 1, 1], [], []>, transpose_lhs_hint = false} : vector<10000x128xf32>, vector<128x16xf32>, vector<10000x16xf32> -> vector<10000x16xf32>
    %swap3A = arith.constant 0 : index
    %swap3A_6 = arith.constant 0 : index
    %swap3A_7 = vector.load %arg2[%swap3A, %swap3A_6] : memref<10000x16xf32, #tpu.memory_space<vmem>>, vector<10000x16xf32>
    tpu.vector_store %arg2[%swap3A, %swap3A_6], %dot_general3A_5 {strides = array<i32>} : memref<10000x16xf32, #tpu.memory_space<vmem>>, vector<10000x16xf32>,
    return
  }
}

module attributes {stable_mosaic.version = 14 : i64} {
  func.func @_t1b_body(%arg0: memref<2x640x16xf32, #tpu.memory_space<vmem>>, %arg1: memref<10000x16xf32, #tpu.memory_space<vmem>>, %arg2: memref<10240x16xf32, #tpu.memory_space<vmem>>, %arg3: memref<10240x16xf32, #tpu.memory_space<vmem>>) attributes {dimension_semantics = [], scalar_prefetch = 0 : i64, scratch_operands = 0 : i64, tpu.core_type = #tpu.core_type<tc>} {
    %get3A = arith.constant 0 : index
    %get3A_0 = arith.constant 0 : index
    %get3A_1 = arith.constant 0 : index
    %get3A_2 = vector.load %arg0[%get3A, %get3A_0, %get3A_1] : memref<2x640x16xf32, #tpu.memory_space<vmem>>, vector<1x640x16xf32>
    %get3A_3 = vector.shape_cast %get3A_2 : vector<1x640x16xf32> to vector<640x16xf32>
    %get3A_4 = arith.constant 1 : index
    %get3A_5 = arith.constant 0 : index
    %get3A_6 = arith.constant 0 : index
    %get3A_7 = vector.load %arg0[%get3A_4, %get3A_5, %get3A_6] : memref<2x640x16xf32, #tpu.memory_space<vmem>>, vector<1x640x16xf32>
    %get3A_8 = vector.shape_cast %get3A_7 : vector<1x640x16xf32> to vector<640x16xf32>
    %add3A = arith.addf %get3A_3, %get3A_8 : vector<640x16xf32>
    %add3A_9 = arith.constant 1.000000e+00 : f32
    %add3A_10 = vector.broadcast %add3A_9 : f32 to vector<640x16xf32>
    %add3A_11 = arith.addf %add3A, %add3A_10 : vector<640x16xf32>
    %rsqrt3A = math.rsqrt %add3A_11 : vector<640x16xf32>
    %slice3A = vector.extract_strided_slice %rsqrt3A {offsets = [0, 0], sizes = [640, 1], strides = [1, 1]} : vector<640x16xf32> to vector<640x1xf32>
    %broadcast_in_dim3A = vector.shape_cast %slice3A : vector<640x1xf32> to vector<640x1xf32>
    %broadcast_in_dim3A_12 = vector.broadcast %broadcast_in_dim3A : vector<640x1xf32> to vector<640x16xf32>
    %slice3A_13 = vector.extract_strided_slice %rsqrt3A {offsets = [0, 1], sizes = [640, 1], strides = [1, 1]} : vector<640x16xf32> to vector<640x1xf32>
    %broadcast_in_dim3A_14 = vector.shape_cast %slice3A_13 : vector<640x1xf32> to vector<640x1xf32>
    %broadcast_in_dim3A_15 = vector.broadcast %broadcast_in_dim3A_14 : vector<640x1xf32> to vector<640x16xf32>
    %slice3A_16 = vector.extract_strided_slice %rsqrt3A {offsets = [0, 2], sizes = [640, 1], strides = [1, 1]} : vector<640x16xf32> to vector<640x1xf32>
    %broadcast_in_dim3A_17 = vector.shape_cast %slice3A_16 : vector<640x1xf32> to vector<640x1xf32>
    %broadcast_in_dim3A_18 = vector.broadcast %broadcast_in_dim3A_17 : vector<640x1xf32> to vector<640x16xf32>
    %slice3A_19 = vector.extract_strided_slice %rsqrt3A {offsets = [0, 3], sizes = [640, 1], strides = [1, 1]} : vector<640x16xf32> to vector<640x1xf32>
    %broadcast_in_dim3A_20 = vector.shape_cast %slice3A_19 : vector<640x1xf32> to vector<640x1xf32>
    %broadcast_in_dim3A_21 = vector.broadcast %broadcast_in_dim3A_20 : vector<640x1xf32> to vector<640x16xf32>
    %slice3A_22 = vector.extract_strided_slice %rsqrt3A {offsets = [0, 4], sizes = [640, 1], strides = [1, 1]} : vector<640x16xf32> to vector<640x1xf32>
    %broadcast_in_dim3A_23 = vector.shape_cast %slice3A_22 : vector<640x1xf32> to vector<640x1xf32>
    %broadcast_in_dim3A_24 = vector.broadcast %broadcast_in_dim3A_23 : vector<640x1xf32> to vector<640x16xf32>
    %slice3A_25 = vector.extract_strided_slice %rsqrt3A {offsets = [0, 5], sizes = [640, 1], strides = [1, 1]} : vector<640x16xf32> to vector<640x1xf32>
    %broadcast_in_dim3A_26 = vector.shape_cast %slice3A_25 : vector<640x1xf32> to vector<640x1xf32>
    %broadcast_in_dim3A_27 = vector.broadcast %broadcast_in_dim3A_26 : vector<640x1xf32> to vector<640x16xf32>
    %slice3A_28 = vector.extract_strided_slice %rsqrt3A {offsets = [0, 6], sizes = [640, 1], strides = [1, 1]} : vector<640x16xf32> to vector<640x1xf32>
    %broadcast_in_dim3A_29 = vector.shape_cast %slice3A_28 : vector<640x1xf32> to vector<640x1xf32>
    %broadcast_in_dim3A_30 = vector.broadcast %broadcast_in_dim3A_29 : vector<640x1xf32> to vector<640x16xf32>
    %slice3A_31 = vector.extract_strided_slice %rsqrt3A {offsets = [0, 7], sizes = [640, 1], strides = [1, 1]} : vector<640x16xf32> to vector<640x1xf32>
    %broadcast_in_dim3A_32 = vector.shape_cast %slice3A_31 : vector<640x1xf32> to vector<640x1xf32>
    %broadcast_in_dim3A_33 = vector.broadcast %broadcast_in_dim3A_32 : vector<640x1xf32> to vector<640x16xf32>
    %slice3A_34 = vector.extract_strided_slice %rsqrt3A {offsets = [0, 8], sizes = [640, 1], strides = [1, 1]} : vector<640x16xf32> to vector<640x1xf32>
    %broadcast_in_dim3A_35 = vector.shape_cast %slice3A_34 : vector<640x1xf32> to vector<640x1xf32>
    %broadcast_in_dim3A_36 = vector.broadcast %broadcast_in_dim3A_35 : vector<640x1xf32> to vector<640x16xf32>
    %slice3A_37 = vector.extract_strided_slice %rsqrt3A {offsets = [0, 9], sizes = [640, 1], strides = [1, 1]} : vector<640x16xf32> to vector<640x1xf32>
    %broadcast_in_dim3A_38 = vector.shape_cast %slice3A_37 : vector<640x1xf32> to vector<640x1xf32>
    %broadcast_in_dim3A_39 = vector.broadcast %broadcast_in_dim3A_38 : vector<640x1xf32> to vector<640x16xf32>
    %slice3A_40 = vector.extract_strided_slice %rsqrt3A {offsets = [0, 10], sizes = [640, 1], strides = [1, 1]} : vector<640x16xf32> to vector<640x1xf32>
    %broadcast_in_dim3A_41 = vector.shape_cast %slice3A_40 : vector<640x1xf32> to vector<640x1xf32>
    %broadcast_in_dim3A_42 = vector.broadcast %broadcast_in_dim3A_41 : vector<640x1xf32> to vector<640x16xf32>
    %slice3A_43 = vector.extract_strided_slice %rsqrt3A {offsets = [0, 11], sizes = [640, 1], strides = [1, 1]} : vector<640x16xf32> to vector<640x1xf32>
    %broadcast_in_dim3A_44 = vector.shape_cast %slice3A_43 : vector<640x1xf32> to vector<640x1xf32>
    %broadcast_in_dim3A_45 = vector.broadcast %broadcast_in_dim3A_44 : vector<640x1xf32> to vector<640x16xf32>
    %slice3A_46 = vector.extract_strided_slice %rsqrt3A {offsets = [0, 12], sizes = [640, 1], strides = [1, 1]} : vector<640x16xf32> to vector<640x1xf32>
    %broadcast_in_dim3A_47 = vector.shape_cast %slice3A_46 : vector<640x1xf32> to vector<640x1xf32>
    %broadcast_in_dim3A_48 = vector.broadcast %broadcast_in_dim3A_47 : vector<640x1xf32> to vector<640x16xf32>
    %slice3A_49 = vector.extract_strided_slice %rsqrt3A {offsets = [0, 13], sizes = [640, 1], strides = [1, 1]} : vector<640x16xf32> to vector<640x1xf32>
    %broadcast_in_dim3A_50 = vector.shape_cast %slice3A_49 : vector<640x1xf32> to vector<640x1xf32>
    %broadcast_in_dim3A_51 = vector.broadcast %broadcast_in_dim3A_50 : vector<640x1xf32> to vector<640x16xf32>
    %slice3A_52 = vector.extract_strided_slice %rsqrt3A {offsets = [0, 14], sizes = [640, 1], strides = [1, 1]} : vector<640x16xf32> to vector<640x1xf32>
    %broadcast_in_dim3A_53 = vector.shape_cast %slice3A_52 : vector<640x1xf32> to vector<640x1xf32>
    %broadcast_in_dim3A_54 = vector.broadcast %broadcast_in_dim3A_53 : vector<640x1xf32> to vector<640x16xf32>
    %slice3A_55 = vector.extract_strided_slice %rsqrt3A {offsets = [0, 15], sizes = [640, 1], strides = [1, 1]} : vector<640x16xf32> to vector<640x1xf32>
    %broadcast_in_dim3A_56 = vector.shape_cast %slice3A_55 : vector<640x1xf32> to vector<640x1xf32>
    %broadcast_in_dim3A_57 = vector.broadcast %broadcast_in_dim3A_56 : vector<640x1xf32> to vector<640x16xf32>
    %concatenate3A = tpu.concatenate %broadcast_in_dim3A_12, %broadcast_in_dim3A_15, %broadcast_in_dim3A_18, %broadcast_in_dim3A_21, %broadcast_in_dim3A_24, %broadcast_in_dim3A_27, %broadcast_in_dim3A_30, %broadcast_in_dim3A_33, %broadcast_in_dim3A_36, %broadcast_in_dim3A_39, %broadcast_in_dim3A_42, %broadcast_in_dim3A_45, %broadcast_in_dim3A_48, %broadcast_in_dim3A_51, %broadcast_in_dim3A_54, %broadcast_in_dim3A_57 in 0 : vector<640x16xf32>, vector<640x16xf32>, vector<640x16xf32>, vector<640x16xf32>, vector<640x16xf32>, vector<640x16xf32>, vector<640x16xf32>, vector<640x16xf32>, vector<640x16xf32>, vector<640x16xf32>, vector<640x16xf32>, vector<640x16xf32>, vector<640x16xf32>, vector<640x16xf32>, vector<640x16xf32>, vector<640x16xf32> -> vector<10240x16xf32>
    %get3A_58 = arith.constant 0 : index
    %get3A_59 = arith.constant 0 : index
    %get3A_60 = vector.load %arg1[%get3A_58, %get3A_59] : memref<10000x16xf32, #tpu.memory_space<vmem>>, vector<10000x16xf32>
    %slice3A_61 = vector.extract_strided_slice %concatenate3A {offsets = [0, 0], sizes = [10000, 16], strides = [1, 1]} : vector<10240x16xf32> to vector<10000x16xf32>
    %mul3A = arith.mulf %get3A_60, %slice3A_61 : vector<10000x16xf32>
    %swap3A = arith.constant 0 : index
    %swap3A_62 = arith.constant 0 : index
    %swap3A_63 = vector.load %arg2[%swap3A, %swap3A_62] : memref<10240x16xf32, #tpu.memory_space<vmem>>, vector<10000x16xf32>
    tpu.vector_store %arg2[%swap3A, %swap3A_62], %mul3A {strides = array<i32>} : memref<10240x16xf32, #tpu.memory_space<vmem>>, vector<10000x16xf32>,
    %broadcast_in_dim3A_64 = arith.constant 0.000000e+00 : f32
    %broadcast_in_dim3A_65 = vector.broadcast %broadcast_in_dim3A_64 : f32 to vector<240x16xf32>
    %swap3A_66 = arith.constant 10000 : index
    %swap3A_67 = arith.constant 0 : index
    %swap3A_68 = vector.load %arg2[%swap3A_66, %swap3A_67] : memref<10240x16xf32, #tpu.memory_space<vmem>>, vector<240x16xf32>
    tpu.vector_store %arg2[%swap3A_66, %swap3A_67], %broadcast_in_dim3A_65 {strides = array<i32>} : memref<10240x16xf32, #tpu.memory_space<vmem>>, vector<240x16xf32>,
    %swap3A_69 = arith.constant 0 : index
    %swap3A_70 = arith.constant 0 : index
    %swap3A_71 = vector.load %arg3[%swap3A_69, %swap3A_70] : memref<10240x16xf32, #tpu.memory_space<vmem>>, vector<10240x16xf32>
    tpu.vector_store %arg3[%swap3A_69, %swap3A_70], %concatenate3A {strides = array<i32>} : memref<10240x16xf32, #tpu.memory_space<vmem>>, vector<10240x16xf32>,
    return
  }
}

module attributes {stable_mosaic.version = 14 : i64} {
  func.func @_t3_body(%arg0: memref<2x10240x16xf32, #tpu.memory_space<vmem>>, %arg1: memref<2x10240x16xf32, #tpu.memory_space<vmem>>, %arg2: memref<10240x16xf32, #tpu.memory_space<vmem>>, %arg3: memref<10240x16xf32, #tpu.memory_space<vmem>>, %arg4: memref<1x16xf32, #tpu.memory_space<vmem>>, %arg5: memref<16x10xf32, #tpu.memory_space<vmem>>, %arg6: memref<1x10xf32, #tpu.memory_space<vmem>>, %arg7: memref<10000x10xf32, #tpu.memory_space<vmem>>) attributes {dimension_semantics = [], scalar_prefetch = 0 : i64, scratch_operands = 0 : i64, tpu.core_type = #tpu.core_type<tc>} {
    %get3A = arith.constant 0 : index
    %get3A_0 = arith.constant 0 : index
    %get3A_1 = vector.load %arg3[%get3A, %get3A_0] : memref<10240x16xf32, #tpu.memory_space<vmem>>, vector<10000x16xf32>
    %get3A_2 = arith.constant 0 : index
    %get3A_3 = arith.constant 0 : index
    %get3A_4 = arith.constant 0 : index
    %get3A_5 = vector.load %arg1[%get3A_2, %get3A_3, %get3A_4] : memref<2x10240x16xf32, #tpu.memory_space<vmem>>, vector<1x10240x16xf32>
    %get3A_6 = vector.shape_cast %get3A_5 : vector<1x10240x16xf32> to vector<10240x16xf32>
    %slice3A = vector.extract_strided_slice %get3A_6 {offsets = [0, 0], sizes = [10000, 16], strides = [1, 1]} : vector<10240x16xf32> to vector<10000x16xf32>
    %get3A_7 = arith.constant 1 : index
    %get3A_8 = arith.constant 0 : index
    %get3A_9 = arith.constant 0 : index
    %get3A_10 = vector.load %arg1[%get3A_7, %get3A_8, %get3A_9] : memref<2x10240x16xf32, #tpu.memory_space<vmem>>, vector<1x10240x16xf32>
    %get3A_11 = vector.shape_cast %get3A_10 : vector<1x10240x16xf32> to vector<10240x16xf32>
    %slice3A_12 = vector.extract_strided_slice %get3A_11 {offsets = [0, 0], sizes = [10000, 16], strides = [1, 1]} : vector<10240x16xf32> to vector<10000x16xf32>
    %add3A = arith.addf %slice3A, %slice3A_12 : vector<10000x16xf32>
    %get3A_13 = arith.constant 0 : index
    %get3A_14 = arith.constant 0 : index
    %get3A_15 = vector.load %arg2[%get3A_13, %get3A_14] : memref<10240x16xf32, #tpu.memory_space<vmem>>, vector<10000x16xf32>
    %add3A_16 = arith.addf %add3A, %get3A_15 : vector<10000x16xf32>
    %mul3A = arith.mulf %add3A_16, %get3A_1 : vector<10000x16xf32>
    %get3A_17 = arith.constant 0 : index
    %get3A_18 = arith.constant 0 : index
    %get3A_19 = vector.load %arg4[%get3A_17, %get3A_18] : memref<1x16xf32, #tpu.memory_space<vmem>>, vector<1x16xf32>
    %add3A_20 = vector.broadcast %get3A_19 : vector<1x16xf32> to vector<10000x16xf32>
    %add3A_21 = arith.addf %mul3A, %add3A_20 : vector<10000x16xf32>
    %max3A = arith.constant 0.000000e+00 : f32
    %max3A_22 = vector.broadcast %max3A : f32 to vector<10000x16xf32>
    %max3A_23 = arith.maximumf %add3A_21, %max3A_22 : vector<10000x16xf32>
    %mul3A_24 = arith.mulf %max3A_23, %get3A_1 : vector<10000x16xf32>
    %get3A_25 = arith.constant 0 : index
    %get3A_26 = arith.constant 0 : index
    %get3A_27 = arith.constant 0 : index
    %get3A_28 = vector.load %arg0[%get3A_25, %get3A_26, %get3A_27] : memref<2x10240x16xf32, #tpu.memory_space<vmem>>, vector<1x10240x16xf32>
    %get3A_29 = vector.shape_cast %get3A_28 : vector<1x10240x16xf32> to vector<10240x16xf32>
    %slice3A_30 = vector.extract_strided_slice %get3A_29 {offsets = [0, 0], sizes = [10000, 16], strides = [1, 1]} : vector<10240x16xf32> to vector<10000x16xf32>
    %get3A_31 = arith.constant 1 : index
    %get3A_32 = arith.constant 0 : index
    %get3A_33 = arith.constant 0 : index
    %get3A_34 = vector.load %arg0[%get3A_31, %get3A_32, %get3A_33] : memref<2x10240x16xf32, #tpu.memory_space<vmem>>, vector<1x10240x16xf32>
    %get3A_35 = vector.shape_cast %get3A_34 : vector<1x10240x16xf32> to vector<10240x16xf32>
    %slice3A_36 = vector.extract_strided_slice %get3A_35 {offsets = [0, 0], sizes = [10000, 16], strides = [1, 1]} : vector<10240x16xf32> to vector<10000x16xf32>
    %add3A_37 = arith.addf %slice3A_30, %slice3A_36 : vector<10000x16xf32>
    %add3A_38 = arith.addf %add3A_37, %mul3A_24 : vector<10000x16xf32>
    %mul3A_39 = arith.mulf %add3A_38, %get3A_1 : vector<10000x16xf32>
    %get3A_40 = arith.constant 0 : index
    %get3A_41 = arith.constant 0 : index
    %get3A_42 = vector.load %arg5[%get3A_40, %get3A_41] : memref<16x10xf32, #tpu.memory_space<vmem>>, vector<16x10xf32>
    %dot_general3A = arith.constant dense<0.000000e+00> : vector<10000x10xf32>
    %dot_general3A_43 = tpu.matmul %mul3A_39, %get3A_42, %dot_general3A {dimension_numbers = #tpu.dot_dimension_numbers<[1], [0], [0], [1], [0, 0, 1, 1], [], []>, transpose_lhs_hint = false} : vector<10000x16xf32>, vector<16x10xf32>, vector<10000x10xf32> -> vector<10000x10xf32>
    %get3A_44 = arith.constant 0 : index
    %get3A_45 = arith.constant 0 : index
    %get3A_46 = vector.load %arg6[%get3A_44, %get3A_45] : memref<1x10xf32, #tpu.memory_space<vmem>>, vector<1x10xf32>
    %add3A_47 = vector.broadcast %get3A_46 : vector<1x10xf32> to vector<10000x10xf32>
    %add3A_48 = arith.addf %dot_general3A_43, %add3A_47 : vector<10000x10xf32>
    %swap3A = arith.constant 0 : index
    %swap3A_49 = arith.constant 0 : index
    %swap3A_50 = vector.load %arg7[%swap3A, %swap3A_49] : memref<10000x10xf32, #tpu.memory_space<vmem>>, vector<10000x10xf32>
    tpu.vector_store %arg7[%swap3A, %swap3A_49], %add3A_48 {strides = array<i32>} : memref<10000x10xf32, #tpu.memory_space<vmem>>, vector<10000x10xf32>,
    return
  }
}

</mosaic_0001>

<sc_bundles>
// kernel: kernel.11.cloned.1.call-start
scs
__scs_entry_jumppad:
0x0: {  	(pc) =	sbr.rel $0x88, $3  }
0x1: {  	(tag) =	ssettag $0x0;
	lr =	simm.s32 $0x1  }
0x2: {  	[smem:$0x3F9B] =	sst lr;
	_ =	strace $0xD0000000  }
0x3: {  	_ = 	snop  }
0x4: {  	_ = 	snop  }
0x5: {  	_ = 	snop  }
0x6: {  	_ = 	snop  }
0x7: {  	_ = 	snop  }
__scs_overlays_trampoline_lowered:
0x8: {  	[smem:$0x3FAA] =	sst s0  }
0x9: {  	[smem:$0x3FAB] =	sst s1  }
0xa: {  	[smem:$0x3FAC] =	sst s2  }
0xb: {  	[smem:$0x3FAD] =	sst s3  }
0xc: {  	[smem:$0x3FAE] =	sst s4  }
0xd: {  	[smem:$0x3FAF] =	sst s5  }
0xe: {  	[smem:$0x3FB0] =	sst s6  }
0xf: {  	[smem:$0x3FB1] =	sst s7  }
0x10: {  	[smem:$0x3FB2] =	sst s8  }
0x11: {  	[smem:$0x3FB3] =	sst s9;
	s0 =	simm.s32 @!p0 $0x0  }
0x12: {  	s1 =	sld [smem:$0x3F99];
	s0 =	simm.s32 @p0 $0x1  }
0x13: {  	[smem:$0x3FB4] =	sst s0;
	s0 =	simm.s32 @!p1 $0x0  }
0x14: {  	s2 =	sld [smem:$0x3F98];
	s0 =	simm.s32 @p1 $0x1  }
0x15: {  	[smem:$0x3FB5] =	sst s0;
	s0 =	simm.s32 @!p2 $0x0  }
0x16: {  	s3 =	sld [smem:$0x3FDB];
	s0 =	simm.s32 @p2 $0x1  }
0x17: {  	s4 =	simm.s32 $0x1BF5;
	[smem:$0x3FB7] =	sst s0  }
0x18: {  	s0 =	sld [smem:$0x3F9A];
	_ =	swait.ge [sflag:s4], $0x0  }
0x19: {  	s7 =	sld [smem:$0x3F9B]  }
0x1a: {  	s8 =	sadd.s32 $0xFFFFE003, lr  }
0x1b: {  	s9 =	sadd.s32 $0xFFFFFEF7, lr;
	s5 =	simm.s32 $0xFFFFFFFF;
	p2 =	slt.u32 s8, $0xFFFFF086  }
0x1c: {  	p1 =	slt.u32 s9, $0xF7A;
	s5 =	simm.s32 @!p2 $0x0  }
0x1d: {  	s5 =	simm.s32 @p1 $0x1;
	p0 =	seq.s32 s7, s2  }
0x1e: {  	s7 =	smul.u32 @!p0 $0xF7A, s2;
	p2 =	seq.s32 @!p0 s5, $0x0  }
0x1f: {  	s9 =	smul.u32 $0xF7A, s1;
	s8 =	simm.s32 @!p0 $0x1BF5;
	p2 =	por !p2, p0  }
0x20: {  	[sflag:s8] =	ssyncset.s32 @!p0 $0xFFFFF086;
	s6 =	sadd.s32 @!p0 s3, s7;
	s7 =	simm.s32 @!p0 $0x108  }
0x21: {  	s3 =	sadd.s32 s3, s9;
	s6 =	sadd.s32 @!p0 $0x88, s6;
	s7 =	simm.s32 @p2 $0x1082  }
0x22: {  	[simem:s7], [sflag:s8] =	dma.local @!p0 [hbm:s6], $0xF7A  }
0x23: {  	s9 =	sor.u32 $0xD0000000, s2;
	s6 =	simm.s32 $0x108;
	_ =	swait.ge @!p0 [sflag:s8], $0x0  }
0x24: {  	s3 =	sadd.s32 $0x88, s3;
	s6 =	simm.s32 @!p1 $0x1082;
	[sflag:s4] =	ssyncset.s32 $0xFFFFF086  }
0x25: {  	[simem:s6], [sflag:s4] =	dma.local [hbm:s3], $0xF7A  }
0x26: {  	[smem:$0x3F9B] =	sst s1;
	(tag) =	ssettag s2;
	_ =	strace s9  }
0x27: {  	s1 =	sld [smem:$0x3FAB]  }
0x28: {  	s2 =	sld [smem:$0x3FAC]  }
0x29: {  	s4 =	sld [smem:$0x3FAE]  }
0x2a: {  	p0 =	seq.s32 s5, $0x0;
	s5 =	sld [smem:$0x3FAF]  }
0x2b: {  	s6 =	sld [smem:$0x3FB0]  }
0x2c: {  	s7 =	sld [smem:$0x3FB1]  }
0x2d: {  	s3 =	simm.s32 $0x108;
	s8 =	sld [smem:$0x3FB2]  }
0x2e: {  	s3 =	simm.s32 @!p0 $0x1082;
	s9 =	sld [smem:$0x3FB3]  }
0x2f: {  	lr =	sadd.s32 s0, s3;
	s0 =	sld [smem:$0x3FAA]  }
0x30: {  	s3 =	sld [smem:$0x3FAD]  }
0x31: {  	[smem:$0x3FB6] =	sst s10  }
0x32: {  	s10 =	sld [smem:$0x3FB4];
	_ =	sdelay $0x3  }
0x33: {  	p0 =	seq.s32 s10, $0x1;
	s10 =	sld [smem:$0x3FB6];
	_ =	sdelay $0x3  }
0x34: {  	[smem:$0x3FB6] =	sst s10  }
0x35: {  	s10 =	sld [smem:$0x3FB5];
	_ =	sdelay $0x3  }
0x36: {  	p1 =	seq.s32 s10, $0x1;
	s10 =	sld [smem:$0x3FB6];
	_ =	sdelay $0x3  }
0x37: {  	[smem:$0x3FB6] =	sst s10  }
0x38: {  	s10 =	sld [smem:$0x3FB7]  }
0x39: {  	_ = 	snop;
	(pc) =	sbr.ind lr, $3  }
0x3a: {  	_ = 	snop  }
0x3b: {  	_ = 	snop  }
0x3c: {  	p2 =	seq.s32 s10, $0x1;
	s10 =	sld [smem:$0x3FB6]  }
0x3d: {  	_ =	shalt  }
0x3e: {  	_ =	shalt  }
0x3f: {  	_ =	shalt  }
0x40: {  	_ =	shalt  }
0x41: {  	_ =	shalt  }
0x42: {  	_ =	shalt  }
0x43: {  	_ =	shalt  }
0x44: {  	_ =	shalt  }
0x45: {  	_ =	shalt  }
0x46: {  	_ =	shalt  }
0x47: {  	_ =	shalt  }
0x48: {  	_ =	shalt  }
0x49: {  	_ =	shalt  }
0x4a: {  	_ =	shalt  }
0x4b: {  	_ =	shalt  }
0x4c: {  	_ =	shalt  }
0x4d: {  	_ =	shalt  }
0x4e: {  	_ =	shalt  }
0x4f: {  	_ =	shalt  }
0x50: {  	_ =	shalt  }
0x51: {  	_ =	shalt  }
0x52: {  	_ =	shalt  }
0x53: {  	_ =	shalt  }
0x54: {  	_ =	shalt  }
0x55: {  	_ =	shalt  }
0x56: {  	_ =	shalt  }
0x57: {  	_ =	shalt  }
0x58: {  	_ =	shalt  }
0x59: {  	_ =	shalt  }
0x5a: {  	_ =	shalt  }
0x5b: {  	_ =	shalt  }
0x5c: {  	_ =	shalt  }
0x5d: {  	_ =	shalt  }
0x5e: {  	_ =	shalt  }
0x5f: {  	_ =	shalt  }
0x60: {  	_ =	shalt  }
0x61: {  	_ =	shalt  }
0x62: {  	_ =	shalt  }
0x63: {  	_ =	shalt  }
0x64: {  	_ =	shalt  }
0x65: {  	_ =	shalt  }
0x66: {  	_ =	shalt  }
0x67: {  	_ =	shalt  }
0x68: {  	_ =	shalt  }
0x69: {  	_ =	shalt  }
0x6a: {  	_ =	shalt  }
0x6b: {  	_ =	shalt  }
0x6c: {  	_ =	shalt  }
0x6d: {  	_ =	shalt  }
0x6e: {  	_ =	shalt  }
0x6f: {  	_ =	shalt  }
0x70: {  	_ =	shalt  }
0x71: {  	_ =	shalt  }
0x72: {  	_ =	shalt  }
0x73: {  	_ =	shalt  }
0x74: {  	_ =	shalt  }
0x75: {  	_ =	shalt  }
0x76: {  	_ =	shalt  }
0x77: {  	_ =	shalt  }
0x78: {  	_ =	shalt  }
0x79: {  	_ =	shalt  }
0x7a: {  	_ =	shalt  }
0x7b: {  	_ =	shalt  }
0x7c: {  	_ =	shalt  }
0x7d: {  	_ =	shalt  }
0x7e: {  	_ =	shalt  }
0x7f: {  	_ =	shalt  }
0x80: {  	_ =	shalt  }
0x81: {  	_ =	shalt  }
0x82: {  	_ =	shalt  }
0x83: {  	_ =	shalt  }
0x84: {  	_ =	shalt  }
0x85: {  	_ =	shalt  }
0x86: {  	_ =	shalt  }
0x87: {  	_ =	shalt  }
.Lfunc_end0:
.L_simem_size_0:
called_computation.1_lowered:
.L_overlay_start_0:
0x88: {  	s2 =	sld [smem:$0x3FD9]  }
0x89: {  	s3 =	sld [smem:$0x3FFE];
	_ =	sdelay $0x1  }
0x8a: {  	s1 =	srdreg.scid  }
0x8b: {  	s0 =	sand.u32 $0x1, s1  }
0x8c: {  	s16 =	sshll.u32 s0, $0xA;
	s2 =	sadd.s32 s3, s2  }
0x8d: {  	s2 =	sadd.s32 s2, s16  }
0x8e: {  	[smem:$0x3FC2] =	sst s2  }
0x8f: {  	_ = 	snop  }
0x90: {  	(tm) =	ssettm $0x1  }
0x91: {  	s17 =	sld [smem:$0x3FFB];
	_ =	sdelay $0x3  }
0x92: {  	_ =	strace s17  }
0x93: {  	s2 =	sld [smem:$0x3FFC];
	_ =	sdelay $0x3  }
0x94: {  	_ =	strace s2  }
0x95: {  	s2 =	sld [smem:$0x3FFD];
	_ =	sdelay $0x3  }
0x96: {  	_ =	strace s2  }
0x97: {  	_ =	strace $0x8FFFFFFF  }
0x98: {  	s18 =	sld [smem:$0x3FDB];
	_ =	sdelay $0x1  }
0x99: {  	s19 =	simm.s32 $_scs_section_size  }
0x9a: {  	s4 =	simm.s32 $_size__tile_overlayer_lowered;
	s5 =	simm.s32 $_tile_overlayer_lowered  }
0x9b: {  	s22 =	simm.s32 $0x1BFF;
	s21 =	sshll.u32 s5, $0x1;
	s2 =	sadd.s32 s19, s18  }
0x9c: {  	s6 =	simm.s32 $0x0;
	s20 =	sshll.u32 s4, $0x1;
	s4 =	sadd.s32 s21, s2  }
0x9d: {  	[timem:s6], [sflag:s22] =	dma.local [hbm:s4], s20  }
0x9e: {  	_ =	swait.ge [sflag:s22], s20  }
0x9f: {  	s3 =	ssub.s32 $0x0, s20;
	[sflag:s22] =	ssyncset.done $0x0  }
0xa0: {  	[sflag:s22] =	ssyncadd.s32 s3;
	_ =	sdelay $0x1  }
0xa1: {  	s23 =	simm.s32 $0x1B8B  }
0xa2: {  	_ =	swait.ge [sflag:s23], $0x1  }
0xa3: {  	[sflag:s23] =	ssyncset.done $0x0  }
0xa4: {  	s25 =	simm.s32 $0x1B8E;
	s24 =	sld [smem:$0x3FFE];
	[sflag:s23] =	ssyncadd.s32 $0xFFFFFFFF  }
0xa5: {  	s26 =	simm.s32 $execute0_lowered;
	[smem:$0x3FD2] =	sst s25  }
0xa6: {  	s4 =	sshll.u32 s26, $0x1;
	_ =	strace $0x80000049;
	[dreg:$0x1] =	wrdreg $0xFFFFFFFF  }
0xa7: {  	s28 =	simm.s32 $_size_execute0_lowered;
	s2 =	sadd.s32 s2, s4;
	[dreg:$0x0] =	wrdreg $0x0  }
0xa8: {  	s4 =	sshll.u32 s28, $0x1;
	[dreg:$0x2] =	wrdreg s2  }
0xa9: {  	[dreg:$0x3] =	wrdreg s4  }
0xaa: {  	[dreg:$0x4] =	wrdreg $0xC0  }
0xab: {  	_ =	task [dreg:s6], $0x5FFFF  }
0xac: {  	[dreg:$0x1] =	wrdreg $0xFFFFFFFF  }
0xad: {  	[dreg:$0x0] =	wrdreg $0x60  }
0xae: {  	[dreg:$0x2] =	wrdreg s24  }
0xaf: {  	[dreg:$0x3] =	wrdreg $0x15E200  }
0xb0: {  	[dreg:$0x4] =	wrdreg $0x136200  }
0xb1: {  	[dreg:$0x5] =	wrdreg $0x9  }
0xb2: {  	_ =	task.clear_ibuf [dreg:s6], $0x6FFFF;
	_ =	strace $0x90000049  }
0xb3: {  	s29 =	simm.s32 $0x9;
	_ =	strace $0x8000004B  }
0xb4: {  	_ =	swait.ge [sflag:s29], $0x1  }
0xb5: {  	[sflag:s29] =	ssyncadd.s32 $0xFFFFFFFF  }
0xb6: {  	_ =	strace $0x9000004B  }
0xb7: {  	_ =	sfence  }
0xb8: {  	s30 =	sld [smem:$0x0];
	_ =	sdelay $0x2  }
0xb9: {  	s31 =	sshll.u32 s1, $0xD;
	s1 =	sshrl.u32 s1, $0x2  }
0xba: {  	s3 =	sand.u32 $0x4000, s31;
	s1 =	sadd.s32 s1, s30  }
0xbb: {  	s0 =	sor.u32 s3, s0;
	s1 =	sshll.u32 s1, $0x11  }
0xbc: {  	s0 =	sor.u32 s1, s0  }
0xbd: {  	s0 =	sadd.s32 $0x8F2B, s0  }
0xbe: {  	[sflag:s0] =	ssyncadd.remote.s32 $0x1  }
0xbf: {  	_ =	sfence.sel $0xFFFF  }
0xc0: {  	[dreg:$0x0] =	wrdreg $0xFFFFFFFF;
	(pc) =	sbr.abs _section_cstart, $3  }
0xc1: {  	[dreg:$0x1] =	wrdreg $0xFFFFFFFF  }
0xc2: {  	_ =	task.clear_ibuf [dreg:s6], $0x2FFFF;
	_ =	strace $0x9FFFFFFF  }
0xc3: {  	(tm) =	ssettm $0x7FFFFFFF  }
tec
execute0_lowered:
.L_overlay_start_1:
0x0: {  	(tag) =	ssettag $0x1  }
0x1: {  	s0 =	rddreg [dreg:$0x0]  }
0x2: {  	s2 =	rddreg [dreg:$0x1]  }
0x3: {  	s3 =	rddreg [dreg:$0x2]  }
0x4: {  	s8 =	stileid.u32;
	s1 =	srdreg.scid  }
0x5: {  	s4 =	simm.s32 $0x0;
	s14 =	simm.s32 $0x2800;
	s15 =	simm.s32 $0x4F10  }
0x6: {  	s16 =	simm.s32 $0x5;
	s17 =	simm.s32 $0x4;
	s18 =	simm.s32 $0x400  }
0x7: {  	s19 =	simm.s32 $0x7620;
	s21 =	simm.s32 $0xB620;
	s23 =	simm.s32 $0xF620  }
0x8: {  	s24 =	simm.s32 $0x1;
	s26 =	simm.s32 $0x2;
	s30 =	simm.s32 $0x3  }
0x9: {  	s20 =	simm.s32 $0x6B10;
	s22 =	simm.s32 $0x6F10;
	s25 =	simm.s32 $0x7310  }
0xa: {  	s28 =	simm.s32 $0x0;
	s1 =	sand.u32 $0x1, s1;
	s5 =	sshll.u32 s8, $0x1  }
0xb: {  	s10 =	smul.u32 $0x2800, s8;
	[smem:$0x7FF] =	sst s4;
	s5 =	sor.u32 s1, s5  }
0xc: {  	s6 =	smul.u32 $0x28000, s1;
	_ =	strace $0x8000004A;
	s1 =	ssub.s32 $0x2, s1  }
0xd: {  	s7 =	sshrl.u32 s10, $0x3;
	s5 =	smul.u32 $0x2710, s5;
	s31 =	sshrl.u32 s1, $0x1  }
0xe: {  	s13 =	sadd.s32 s10, s2;
	s7 =	sadd.s32 s7, s0;
	s6 =	sadd.s32 s10, s6  }
0xf: {  	s1 =	ssub.s32 s1, s31;
	s10 =	sadd.s32 s10, s3;
	s13 =	sshrl.u32 s13, $0x3  }
0x10: {  	s5 =	sshrl.u32 s5, $0x3;
	s6 =	sshrl.u32 s6, $0x3;
	s12 =	smax.u32 s1, $0x1  }
0x11: {  	s9 =	sadd.s32 s5, s0;
	s0 =	sadd.s32 s6, s0;
	s5 =	sshll.u32 s8, $0x6  }
0x12: {  	s6 =	sadd.s32 $0x15A00, s7;
	s7 =	sor.u32 $0x1C04, s5;
	s8 =	sadd.s32 $0x2000, s9  }
0x13: {  	v0 =	vimm.f32 $0.0e+00;
	s9 =	sadd.s32 $0xBC40, s9;
	s11 =	sadd.s32 $0x1AA00, s0;
	s0 =	simm.s32 $0x310  }
.LBB2_1:
0x14: {  	[spmem:s13], [sflag:s7] =	dma.local [hbm:s6], $0x500  }
0x15: {  	[tilespmem:s14], [sflag:$0x4] =	stream.linear.gather [hbm4b:s8+s4], $0x2710, $0x38;
	[tilespmem:$0x18620] =	vst v63  }
0x16: {  	s31 =	simm.s32 $0x100;
	s29 =	simm.s32 $0x0  }
0x17: {  	[tilespmem:s15], [sflag:$0x4] =	stream.linear.gather [hbm4b:s9+s4], $0x2710, $0x38;
	[tilespmem:$0x18620] =	vst v63  }
.LBB2_2:
0x18: {  	p0 =	sne.s32 s31, $0x9F00;
	[tilespmem:s29+$0x30] =	vst v0;
	s1 =	smov.u32 s31;
	s31 =	sadd.s32 $0x100, s31  }
.Ltmp0:
0x19: {  	[tilespmem:s29+$0x20] =	vst v0;
	(pc) =	sbr.rel @p0 .LBB2_2-.Ltmp0, $3  }
0x1a: {  	[tilespmem:s29+$0x0] =	vst v0  }
0x1b: {  	[tilespmem:s29+$0x10] =	vst v0;
	_ =	sdelay $0x1  }
0x1c: {  	s29 =	sshra.s32 s1, $0x2  }
0x1d: {  	[tilespmem:s29+$0x30] =	vst v0  }
0x1e: {  	[tilespmem:s29+$0x20] =	vst v0  }
0x1f: {  	[tilespmem:s29+$0x0] =	vst v0  }
0x20: {  	[tilespmem:s29+$0x10] =	vst v0  }
0x21: {  	[spmem:s10] =	stream.linear.scatter [tilespmem:s4], [sflag:$0x5], $0x2800, $0x38;
	[tilespmem:$0x18620] =	vst v63  }
0x22: {  	_ =	swait.ge [sflag:s16], $0x2800  }
0x23: {  	[sflag:s16] =	ssyncset.done $0x0  }
0x24: {  	[sflag:s16] =	ssyncadd.s32 $0xFFFFD800  }
0x25: {  	_ =	swait.ge [sflag:s17], $0x500  }
0x26: {  	[sflag:s17] =	ssyncset.done $0x0  }
0x27: {  	[sflag:s17] =	ssyncadd.s32 $0xFFFFFB00  }
0x28: {  	_ =	swait.ge [sflag:s17], $0x2710  }
0x29: {  	[sflag:s17] =	ssyncset.done $0x0  }
0x2a: {  	[sflag:s17] =	ssyncadd.s32 $0xFFFFD8F0  }
0x2b: {  	_ =	swait.ge [sflag:s17], $0x2710  }
0x2c: {  	[sflag:s17] =	ssyncset.done $0x0  }
0x2d: {  	[sflag:s17] =	ssyncadd.s32 $0xFFFFD8F0  }
0x2e: {  	[bflag:$0x0] =	sbarrier.arrive $0xFFFF  }
0x2f: {  	[tilespmem:s19], [sflag:$0x1] =	stream.indirect.gather [spmem:s2], $0x10, s14, s18, $0xb8;
	[tilespmem:$0x18620] =	vst v63  }
0x30: {  	s1 =	simm.s32 $0x2C00  }
0x31: {  	[tilespmem:s21], [sflag:$0x2] =	stream.indirect.gather [spmem:s2], $0x10, s1, s18, $0xb8;
	[tilespmem:$0x18620] =	vst v63  }
0x32: {  	s31 =	simm.s32 $0x3000  }
0x33: {  	[tilespmem:s23], [sflag:$0x3] =	stream.indirect.gather [spmem:s2], $0x10, s31, s18, $0xb8;
	[tilespmem:$0x18620] =	vst v63  }
0x34: {  	_ =	swait.ge [sflag:s24], $0x4000  }
0x35: {  	[sflag:s24] =	ssyncset.done $0x0  }
0x36: {  	[sflag:s24] =	ssyncadd.s32 $0xFFFFC000  }
0x37: {  	[spmem:s3] =	stream.indirect.scatter.add.f32 [tilespmem:s19], [sflag:$0x1], $0x10, s15, s18, $0xb8;
	[tilespmem:$0x18620] =	vst v63  }
0x38: {  	_ =	swait.ge [sflag:s24], $0x4000  }
0x39: {  	[sflag:s24] =	ssyncset.done $0x0  }
0x3a: {  	s29 =	simm.s32 $0x3400;
	[sflag:s24] =	ssyncadd.s32 $0xFFFFC000  }
0x3b: {  	[tilespmem:s19], [sflag:$0x1] =	stream.indirect.gather [spmem:s2], $0x10, s29, s18, $0xb8;
	[tilespmem:$0x18620] =	vst v63  }
0x3c: {  	_ =	swait.ge [sflag:s26], $0x4000  }
0x3d: {  	[sflag:s26] =	ssyncset.done $0x0  }
0x3e: {  	s31 =	simm.s32 $0x5310;
	[sflag:s26] =	ssyncadd.s32 $0xFFFFC000  }
0x3f: {  	[spmem:s3] =	stream.indirect.scatter.add.f32 [tilespmem:s21], [sflag:$0x2], $0x10, s31, s18, $0xb8;
	[tilespmem:$0x18620] =	vst v63  }
0x40: {  	_ =	swait.ge [sflag:s26], $0x4000  }
0x41: {  	[sflag:s26] =	ssyncset.done $0x0  }
0x42: {  	s29 =	simm.s32 $0x3800;
	[sflag:s26] =	ssyncadd.s32 $0xFFFFC000  }
0x43: {  	[tilespmem:s21], [sflag:$0x2] =	stream.indirect.gather [spmem:s2], $0x10, s29, s18, $0xb8;
	[tilespmem:$0x18620] =	vst v63  }
0x44: {  	_ =	swait.ge [sflag:s30], $0x4000  }
0x45: {  	[sflag:s30] =	ssyncset.done $0x0  }
0x46: {  	s31 =	simm.s32 $0x5710;
	[sflag:s30] =	ssyncadd.s32 $0xFFFFC000  }
0x47: {  	[spmem:s3] =	stream.indirect.scatter.add.f32 [tilespmem:s23], [sflag:$0x3], $0x10, s31, s18, $0xb8;
	[tilespmem:$0x18620] =	vst v63  }
0x48: {  	_ =	swait.ge [sflag:s30], $0x4000  }
0x49: {  	[sflag:s30] =	ssyncset.done $0x0  }
0x4a: {  	s29 =	simm.s32 $0x3C00;
	[sflag:s30] =	ssyncadd.s32 $0xFFFFC000  }
0x4b: {  	[tilespmem:s23], [sflag:$0x3] =	stream.indirect.gather [spmem:s2], $0x10, s29, s18, $0xb8;
	[tilespmem:$0x18620] =	vst v63  }
0x4c: {  	_ =	swait.ge [sflag:s24], $0x4000  }
0x4d: {  	[sflag:s24] =	ssyncset.done $0x0  }
0x4e: {  	s31 =	simm.s32 $0x5B10;
	[sflag:s24] =	ssyncadd.s32 $0xFFFFC000  }
0x4f: {  	[spmem:s3] =	stream.indirect.scatter.add.f32 [tilespmem:s19], [sflag:$0x1], $0x10, s31, s18, $0xb8;
	[tilespmem:$0x18620] =	vst v63  }
0x50: {  	_ =	swait.ge [sflag:s24], $0x4000  }
0x51: {  	[sflag:s24] =	ssyncset.done $0x0  }
0x52: {  	s29 =	simm.s32 $0x4000;
	[sflag:s24] =	ssyncadd.s32 $0xFFFFC000  }
0x53: {  	[tilespmem:s19], [sflag:$0x1] =	stream.indirect.gather [spmem:s2], $0x10, s29, s18, $0xb8;
	[tilespmem:$0x18620] =	vst v63  }
0x54: {  	_ =	swait.ge [sflag:s26], $0x4000  }
0x55: {  	[sflag:s26] =	ssyncset.done $0x0  }
0x56: {  	s31 =	simm.s32 $0x5F10;
	[sflag:s26] =	ssyncadd.s32 $0xFFFFC000  }
0x57: {  	[spmem:s3] =	stream.indirect.scatter.add.f32 [tilespmem:s21], [sflag:$0x2], $0x10, s31, s18, $0xb8;
	[tilespmem:$0x18620] =	vst v63  }
0x58: {  	_ =	swait.ge [sflag:s26], $0x4000  }
0x59: {  	[sflag:s26] =	ssyncset.done $0x0  }
0x5a: {  	s29 =	simm.s32 $0x4400;
	[sflag:s26] =	ssyncadd.s32 $0xFFFFC000  }
0x5b: {  	[tilespmem:s21], [sflag:$0x2] =	stream.indirect.gather [spmem:s2], $0x10, s29, s18, $0xb8;
	[tilespmem:$0x18620] =	vst v63  }
0x5c: {  	_ =	swait.ge [sflag:s30], $0x4000  }
0x5d: {  	[sflag:s30] =	ssyncset.done $0x0  }
0x5e: {  	s31 =	simm.s32 $0x6310;
	[sflag:s30] =	ssyncadd.s32 $0xFFFFC000  }
0x5f: {  	[spmem:s3] =	stream.indirect.scatter.add.f32 [tilespmem:s23], [sflag:$0x3], $0x10, s31, s18, $0xb8;
	[tilespmem:$0x18620] =	vst v63  }
0x60: {  	_ =	swait.ge [sflag:s30], $0x4000  }
0x61: {  	[sflag:s30] =	ssyncset.done $0x0  }
0x62: {  	s29 =	simm.s32 $0x4800;
	[sflag:s30] =	ssyncadd.s32 $0xFFFFC000  }
0x63: {  	[tilespmem:s23], [sflag:$0x3] =	stream.indirect.gather [spmem:s2], $0x10, s29, s18, $0xb8;
	[tilespmem:$0x18620] =	vst v63  }
0x64: {  	_ =	swait.ge [sflag:s24], $0x4000  }
0x65: {  	[sflag:s24] =	ssyncset.done $0x0  }
0x66: {  	s31 =	simm.s32 $0x6710;
	[sflag:s24] =	ssyncadd.s32 $0xFFFFC000  }
0x67: {  	[spmem:s3] =	stream.indirect.scatter.add.f32 [tilespmem:s19], [sflag:$0x1], $0x10, s31, s18, $0xb8;
	[tilespmem:$0x18620] =	vst v63  }
0x68: {  	_ =	swait.ge [sflag:s24], $0x4000  }
0x69: {  	[sflag:s24] =	ssyncset.done $0x0  }
0x6a: {  	s29 =	simm.s32 $0x4C00;
	[sflag:s24] =	ssyncadd.s32 $0xFFFFC000  }
0x6b: {  	[tilespmem:s19], [sflag:$0x1] =	stream.indirect.gather [spmem:s2], $0x10, s29, s0, $0xb8;
	[tilespmem:$0x18620] =	vst v63  }
0x6c: {  	_ =	swait.ge [sflag:s26], $0x4000  }
0x6d: {  	[sflag:s26] =	ssyncset.done $0x0  }
0x6e: {  	[sflag:s26] =	ssyncadd.s32 $0xFFFFC000  }
0x6f: {  	[spmem:s3] =	stream.indirect.scatter.add.f32 [tilespmem:s21], [sflag:$0x2], $0x10, s20, s18, $0xb8;
	[tilespmem:$0x18620] =	vst v63  }
0x70: {  	_ =	swait.ge [sflag:s30], $0x4000  }
0x71: {  	[sflag:s30] =	ssyncset.done $0x0  }
0x72: {  	[sflag:s30] =	ssyncadd.s32 $0xFFFFC000  }
0x73: {  	[spmem:s3] =	stream.indirect.scatter.add.f32 [tilespmem:s23], [sflag:$0x3], $0x10, s22, s18, $0xb8;
	[tilespmem:$0x18620] =	vst v63  }
0x74: {  	_ =	swait.ge [sflag:s24], $0x3100  }
0x75: {  	[sflag:s24] =	ssyncset.done $0x0  }
0x76: {  	[sflag:s24] =	ssyncadd.s32 $0xFFFFCF00  }
0x77: {  	[spmem:s3] =	stream.indirect.scatter.add.f32 [tilespmem:s19], [sflag:$0x1], $0x10, s25, s0, $0xb8;
	[tilespmem:$0x18620] =	vst v63  }
0x78: {  	_ =	swait.ge [sflag:s26], $0x4000  }
0x79: {  	[sflag:s26] =	ssyncset.done $0x0  }
0x7a: {  	[sflag:s26] =	ssyncadd.s32 $0xFFFFC000  }
0x7b: {  	_ =	swait.ge [sflag:s30], $0x4000  }
0x7c: {  	[sflag:s30] =	ssyncset.done $0x0  }
0x7d: {  	[sflag:s30] =	ssyncadd.s32 $0xFFFFC000  }
0x7e: {  	_ =	swait.ge [sflag:s24], $0x3100  }
0x7f: {  	s28 =	sadd.s32 $0x1, s28;
	[sflag:s24] =	ssyncset.done $0x0  }
0x80: {  	p0 =	sne.s32 s28, s12;
	s1 =	sor.u32 $0x1C05, s5;
	[sflag:s24] =	ssyncadd.s32 $0xFFFFCF00  }
.Ltmp1:
0x81: {  	s31 =	sshrl.u32 s10, $0x3;
	[bflag:$0x0] =	sbarrier.arrive $0xFFFF;
	(pc) =	sbr.rel @p0 .LBB2_1-.Ltmp1, $4  }
0x82: {  	[hbm:s11], [sflag:s1] =	dma.local [spmem:s31], $0x500  }
0x83: {  	_ =	swait.ge [sflag:s16], $0x500  }
0x84: {  	[sflag:s16] =	ssyncset.done $0x0  }
0x85: {  	[sflag:s16] =	ssyncadd.s32 $0xFFFFFB00  }
0x86: {  	_ =	sfence.sel $0x180000  }
0x87: {  	[bflag:$0x0] =	sbarrier.arrive $0xFFFF  }
0x88: {  	_ =	strace $0x9000004A  }
0x89: {  	s0 =	stileid.u32;
	[bflag:$0x2] =	sbarrier.arrive $0xFFFF  }
0x8a: {  	p0 =	sne.s32 s0, $0x0;
	s0 =	rddreg [dreg:$0x3]  }
0x8b: {  	s0 =	sadd.s32 @!p0 $0x100000, s0  }
0x8c: {  	[sflag:s0] =	ssyncadd.tile.s32 @!p0 $0x1;
	_ =	shalt  }
.Lfunc_end2:
_tile_overlayer_lowered:
.L_overlay_start_2:
0x8d: {  	(tag) =	ssettag $0x2  }
0x8e: {  	s0 =	rddreg [dreg:$0x0];
	s2 =	stileid.u32  }
0x8f: {  	s1 =	rddreg [dreg:$0x1];
	p0 =	sne.s32 s2, $0x0  }
0x90: {  	s3 =	rddreg [dreg:$0x2];
	[bflag:$0x3] =	sbarrier.arrive $0xFFFF;
	s2 =	simm.s32 @!p0 $0x1C05  }
0x91: {  	[timem:s3], [sflag:s2] =	dma.local @!p0 [hbm:s0], s1  }
0x92: {  	s0 =	simm.s32 @!p0 $0x5  }
0x93: {  	_ =	swait.ge @!p0 [sflag:s0], s1  }
0x94: {  	s1 =	ssub.s32 @!p0 $0x0, s1;
	[sflag:s0] =	ssyncset.done @!p0 $0x0  }
0x95: {  	[sflag:s0] =	ssyncadd.s32 @!p0 s1  }
0x96: {  	[bflag:$0x3] =	sbarrier.arrive $0xFFFF  }
0x97: {  	_ =	shalt  }

// kernel: kernel.14.cloned.1.call-start
scs
__scs_entry_jumppad:
0x0: {  	(pc) =	sbr.rel $0x88, $3  }
0x1: {  	(tag) =	ssettag $0x0;
	lr =	simm.s32 $0x1  }
0x2: {  	[smem:$0x3F9B] =	sst lr;
	_ =	strace $0xD0000000  }
0x3: {  	_ = 	snop  }
0x4: {  	_ = 	snop  }
0x5: {  	_ = 	snop  }
0x6: {  	_ = 	snop  }
0x7: {  	_ = 	snop  }
__scs_overlays_trampoline_lowered:
0x8: {  	[smem:$0x3FAA] =	sst s0  }
0x9: {  	[smem:$0x3FAB] =	sst s1  }
0xa: {  	[smem:$0x3FAC] =	sst s2  }
0xb: {  	[smem:$0x3FAD] =	sst s3  }
0xc: {  	[smem:$0x3FAE] =	sst s4  }
0xd: {  	[smem:$0x3FAF] =	sst s5  }
0xe: {  	[smem:$0x3FB0] =	sst s6  }
0xf: {  	[smem:$0x3FB1] =	sst s7  }
0x10: {  	[smem:$0x3FB2] =	sst s8  }
0x11: {  	[smem:$0x3FB3] =	sst s9;
	s0 =	simm.s32 @!p0 $0x0  }
0x12: {  	s1 =	sld [smem:$0x3F99];
	s0 =	simm.s32 @p0 $0x1  }
0x13: {  	[smem:$0x3FB4] =	sst s0;
	s0 =	simm.s32 @!p1 $0x0  }
0x14: {  	s2 =	sld [smem:$0x3F98];
	s0 =	simm.s32 @p1 $0x1  }
0x15: {  	[smem:$0x3FB5] =	sst s0;
	s0 =	simm.s32 @!p2 $0x0  }
0x16: {  	s3 =	sld [smem:$0x3FDB];
	s0 =	simm.s32 @p2 $0x1  }
0x17: {  	s4 =	simm.s32 $0x1BF5;
	[smem:$0x3FB7] =	sst s0  }
0x18: {  	s0 =	sld [smem:$0x3F9A];
	_ =	swait.ge [sflag:s4], $0x0  }
0x19: {  	s7 =	sld [smem:$0x3F9B]  }
0x1a: {  	s8 =	sadd.s32 $0xFFFFE003, lr  }
0x1b: {  	s9 =	sadd.s32 $0xFFFFFEF7, lr;
	s5 =	simm.s32 $0xFFFFFFFF;
	p2 =	slt.u32 s8, $0xFFFFF086  }
0x1c: {  	p1 =	slt.u32 s9, $0xF7A;
	s5 =	simm.s32 @!p2 $0x0  }
0x1d: {  	s5 =	simm.s32 @p1 $0x1;
	p0 =	seq.s32 s7, s2  }
0x1e: {  	s7 =	smul.u32 @!p0 $0xF7A, s2;
	p2 =	seq.s32 @!p0 s5, $0x0  }
0x1f: {  	s9 =	smul.u32 $0xF7A, s1;
	s8 =	simm.s32 @!p0 $0x1BF5;
	p2 =	por !p2, p0  }
0x20: {  	[sflag:s8] =	ssyncset.s32 @!p0 $0xFFFFF086;
	s6 =	sadd.s32 @!p0 s3, s7;
	s7 =	simm.s32 @!p0 $0x108  }
0x21: {  	s3 =	sadd.s32 s3, s9;
	s6 =	sadd.s32 @!p0 $0x88, s6;
	s7 =	simm.s32 @p2 $0x1082  }
0x22: {  	[simem:s7], [sflag:s8] =	dma.local @!p0 [hbm:s6], $0xF7A  }
0x23: {  	s9 =	sor.u32 $0xD0000000, s2;
	s6 =	simm.s32 $0x108;
	_ =	swait.ge @!p0 [sflag:s8], $0x0  }
0x24: {  	s3 =	sadd.s32 $0x88, s3;
	s6 =	simm.s32 @!p1 $0x1082;
	[sflag:s4] =	ssyncset.s32 $0xFFFFF086  }
0x25: {  	[simem:s6], [sflag:s4] =	dma.local [hbm:s3], $0xF7A  }
0x26: {  	[smem:$0x3F9B] =	sst s1;
	(tag) =	ssettag s2;
	_ =	strace s9  }
0x27: {  	s1 =	sld [smem:$0x3FAB]  }
0x28: {  	s2 =	sld [smem:$0x3FAC]  }
0x29: {  	s4 =	sld [smem:$0x3FAE]  }
0x2a: {  	p0 =	seq.s32 s5, $0x0;
	s5 =	sld [smem:$0x3FAF]  }
0x2b: {  	s6 =	sld [smem:$0x3FB0]  }
0x2c: {  	s7 =	sld [smem:$0x3FB1]  }
0x2d: {  	s3 =	simm.s32 $0x108;
	s8 =	sld [smem:$0x3FB2]  }
0x2e: {  	s3 =	simm.s32 @!p0 $0x1082;
	s9 =	sld [smem:$0x3FB3]  }
0x2f: {  	lr =	sadd.s32 s0, s3;
	s0 =	sld [smem:$0x3FAA]  }
0x30: {  	s3 =	sld [smem:$0x3FAD]  }
0x31: {  	[smem:$0x3FB6] =	sst s10  }
0x32: {  	s10 =	sld [smem:$0x3FB4];
	_ =	sdelay $0x3  }
0x33: {  	p0 =	seq.s32 s10, $0x1;
	s10 =	sld [smem:$0x3FB6];
	_ =	sdelay $0x3  }
0x34: {  	[smem:$0x3FB6] =	sst s10  }
0x35: {  	s10 =	sld [smem:$0x3FB5];
	_ =	sdelay $0x3  }
0x36: {  	p1 =	seq.s32 s10, $0x1;
	s10 =	sld [smem:$0x3FB6];
	_ =	sdelay $0x3  }
0x37: {  	[smem:$0x3FB6] =	sst s10  }
0x38: {  	s10 =	sld [smem:$0x3FB7]  }
0x39: {  	_ = 	snop;
	(pc) =	sbr.ind lr, $3  }
0x3a: {  	_ = 	snop  }
0x3b: {  	_ = 	snop  }
0x3c: {  	p2 =	seq.s32 s10, $0x1;
	s10 =	sld [smem:$0x3FB6]  }
0x3d: {  	_ =	shalt  }
0x3e: {  	_ =	shalt  }
0x3f: {  	_ =	shalt  }
0x40: {  	_ =	shalt  }
0x41: {  	_ =	shalt  }
0x42: {  	_ =	shalt  }
0x43: {  	_ =	shalt  }
0x44: {  	_ =	shalt  }
0x45: {  	_ =	shalt  }
0x46: {  	_ =	shalt  }
0x47: {  	_ =	shalt  }
0x48: {  	_ =	shalt  }
0x49: {  	_ =	shalt  }
0x4a: {  	_ =	shalt  }
0x4b: {  	_ =	shalt  }
0x4c: {  	_ =	shalt  }
0x4d: {  	_ =	shalt  }
0x4e: {  	_ =	shalt  }
0x4f: {  	_ =	shalt  }
0x50: {  	_ =	shalt  }
0x51: {  	_ =	shalt  }
0x52: {  	_ =	shalt  }
0x53: {  	_ =	shalt  }
0x54: {  	_ =	shalt  }
0x55: {  	_ =	shalt  }
0x56: {  	_ =	shalt  }
0x57: {  	_ =	shalt  }
0x58: {  	_ =	shalt  }
0x59: {  	_ =	shalt  }
0x5a: {  	_ =	shalt  }
0x5b: {  	_ =	shalt  }
0x5c: {  	_ =	shalt  }
0x5d: {  	_ =	shalt  }
0x5e: {  	_ =	shalt  }
0x5f: {  	_ =	shalt  }
0x60: {  	_ =	shalt  }
0x61: {  	_ =	shalt  }
0x62: {  	_ =	shalt  }
0x63: {  	_ =	shalt  }
0x64: {  	_ =	shalt  }
0x65: {  	_ =	shalt  }
0x66: {  	_ =	shalt  }
0x67: {  	_ =	shalt  }
0x68: {  	_ =	shalt  }
0x69: {  	_ =	shalt  }
0x6a: {  	_ =	shalt  }
0x6b: {  	_ =	shalt  }
0x6c: {  	_ =	shalt  }
0x6d: {  	_ =	shalt  }
0x6e: {  	_ =	shalt  }
0x6f: {  	_ =	shalt  }
0x70: {  	_ =	shalt  }
0x71: {  	_ =	shalt  }
0x72: {  	_ =	shalt  }
0x73: {  	_ =	shalt  }
0x74: {  	_ =	shalt  }
0x75: {  	_ =	shalt  }
0x76: {  	_ =	shalt  }
0x77: {  	_ =	shalt  }
0x78: {  	_ =	shalt  }
0x79: {  	_ =	shalt  }
0x7a: {  	_ =	shalt  }
0x7b: {  	_ =	shalt  }
0x7c: {  	_ =	shalt  }
0x7d: {  	_ =	shalt  }
0x7e: {  	_ =	shalt  }
0x7f: {  	_ =	shalt  }
0x80: {  	_ =	shalt  }
0x81: {  	_ =	shalt  }
0x82: {  	_ =	shalt  }
0x83: {  	_ =	shalt  }
0x84: {  	_ =	shalt  }
0x85: {  	_ =	shalt  }
0x86: {  	_ =	shalt  }
0x87: {  	_ =	shalt  }
.Lfunc_end0:
.L_simem_size_0:
called_computation.2_lowered:
.L_overlay_start_0:
0x88: {  	s2 =	sld [smem:$0x3FD9]  }
0x89: {  	s3 =	sld [smem:$0x3FFE];
	_ =	sdelay $0x1  }
0x8a: {  	s1 =	srdreg.scid  }
0x8b: {  	s0 =	sand.u32 $0x1, s1  }
0x8c: {  	s17 =	sshll.u32 s0, $0xA;
	s2 =	sadd.s32 s3, s2  }
0x8d: {  	s2 =	sadd.s32 s2, s17  }
0x8e: {  	[smem:$0x3FC2] =	sst s2  }
0x8f: {  	_ = 	snop  }
0x90: {  	s2 =	sld [smem:$0x3FC6];
	(tm) =	ssettm $0x1  }
0x91: {  	s18 =	sld [smem:$0x3FFB];
	_ =	sdelay $0x3  }
0x92: {  	_ =	strace s18  }
0x93: {  	s3 =	sld [smem:$0x3FFC];
	_ =	sdelay $0x3  }
0x94: {  	_ =	strace s3  }
0x95: {  	s3 =	sld [smem:$0x3FFD];
	_ =	sdelay $0x3  }
0x96: {  	_ =	strace s3  }
0x97: {  	_ =	strace $0x8FFFFFFF  }
0x98: {  	s19 =	sld [smem:$0x3FDB];
	_ =	sdelay $0x1  }
0x99: {  	s4 =	simm.s32 $_scs_section_size  }
0x9a: {  	s5 =	simm.s32 $_size__tile_overlayer_lowered;
	s6 =	simm.s32 $_tile_overlayer_lowered  }
0x9b: {  	s22 =	simm.s32 $0x1BFF;
	s21 =	sshll.u32 s6, $0x1;
	s3 =	sadd.s32 s4, s19  }
0x9c: {  	s7 =	simm.s32 $0x0;
	s20 =	sshll.u32 s5, $0x1;
	s5 =	sadd.s32 s21, s3  }
0x9d: {  	[timem:s7], [sflag:s22] =	dma.local [hbm:s5], s20  }
0x9e: {  	_ =	swait.ge [sflag:s22], s20  }
0x9f: {  	s4 =	ssub.s32 $0x0, s20;
	[sflag:s22] =	ssyncset.done $0x0  }
0xa0: {  	[sflag:s22] =	ssyncadd.s32 s4;
	_ =	sdelay $0x1  }
0xa1: {  	s23 =	simm.s32 $0x1B8B  }
0xa2: {  	_ =	swait.ge [sflag:s23], $0x1  }
0xa3: {  	[sflag:s23] =	ssyncset.done $0x0  }
0xa4: {  	s25 =	simm.s32 $0x1B8E;
	s24 =	sld [smem:$0x3FFE];
	[sflag:s23] =	ssyncadd.s32 $0xFFFFFFFF  }
0xa5: {  	s26 =	simm.s32 $execute0_lowered;
	[smem:$0x3FD2] =	sst s25  }
0xa6: {  	s5 =	sshll.u32 s26, $0x1;
	_ =	strace $0x8000004C;
	[dreg:$0x1] =	wrdreg $0xFFFFFFFF  }
0xa7: {  	s28 =	simm.s32 $_size_execute0_lowered;
	s3 =	sadd.s32 s3, s5;
	[dreg:$0x0] =	wrdreg $0x0  }
0xa8: {  	s5 =	sshll.u32 s28, $0x1;
	[dreg:$0x2] =	wrdreg s3  }
0xa9: {  	[dreg:$0x3] =	wrdreg s5  }
0xaa: {  	[dreg:$0x4] =	wrdreg $0xC0  }
0xab: {  	_ =	task [dreg:s7], $0x5FFFF  }
0xac: {  	[dreg:$0x1] =	wrdreg $0xFFFFFFFF  }
0xad: {  	[dreg:$0x0] =	wrdreg $0x60  }
0xae: {  	[dreg:$0x2] =	wrdreg s24  }
0xaf: {  	[dreg:$0x3] =	wrdreg s2  }
0xb0: {  	[dreg:$0x4] =	wrdreg $0x1D6300  }
0xb1: {  	[dreg:$0x5] =	wrdreg $0x1AE300  }
0xb2: {  	[dreg:$0x6] =	wrdreg $0x9  }
0xb3: {  	_ =	task.clear_ibuf [dreg:s7], $0x7FFFF;
	_ =	strace $0x9000004C  }
0xb4: {  	s29 =	simm.s32 $0x9;
	_ =	strace $0x8000004E  }
0xb5: {  	_ =	swait.ge [sflag:s29], $0x1  }
0xb6: {  	[sflag:s29] =	ssyncadd.s32 $0xFFFFFFFF  }
0xb7: {  	_ =	strace $0x9000004E  }
0xb8: {  	_ =	sfence  }
0xb9: {  	s30 =	sld [smem:$0x0];
	_ =	sdelay $0x2  }
0xba: {  	s31 =	sshll.u32 s1, $0xD;
	s1 =	sshrl.u32 s1, $0x2  }
0xbb: {  	s3 =	sand.u32 $0x4000, s31;
	s1 =	sadd.s32 s1, s30  }
0xbc: {  	s0 =	sor.u32 s3, s0;
	s1 =	sshll.u32 s1, $0x11  }
0xbd: {  	s0 =	sor.u32 s1, s0  }
0xbe: {  	s0 =	sadd.s32 $0x8F2B, s0  }
0xbf: {  	[sflag:s0] =	ssyncadd.remote.s32 $0x1  }
0xc0: {  	_ =	sfence.sel $0xFFFF  }
0xc1: {  	[dreg:$0x0] =	wrdreg $0xFFFFFFFF;
	(pc) =	sbr.abs _section_cstart, $3  }
0xc2: {  	[dreg:$0x1] =	wrdreg $0xFFFFFFFF  }
0xc3: {  	_ =	task.clear_ibuf [dreg:s7], $0x2FFFF;
	_ =	strace $0x9FFFFFFF  }
0xc4: {  	(tm) =	ssettm $0x7FFFFFFF  }
0xc5: {  	_ =	shalt  }
tec
execute0_lowered:
.L_overlay_start_1:
0x0: {  	(tag) =	ssettag $0x1  }
0x1: {  	s0 =	rddreg [dreg:$0x0]  }
0x2: {  	s3 =	rddreg [dreg:$0x2]  }
0x3: {  	s4 =	rddreg [dreg:$0x3];
	s5 =	simm.s32 $0x0  }
0x4: {  	s6 =	stileid.u32;
	s1 =	srdreg.scid;
	s16 =	simm.s32 $0x2800  }
0x5: {  	s19 =	simm.s32 $0xA010;
	s20 =	simm.s32 $0xC720;
	s22 =	simm.s32 $0x5  }
0x6: {  	s23 =	simm.s32 $0x4;
	s24 =	simm.s32 $0x400;
	s25 =	simm.s32 $0xEE30  }
0x7: {  	s28 =	simm.s32 $0x12E30;
	s30 =	simm.s32 $0x16E30;
	s31 =	simm.s32 $0x1  }
0x8: {  	s18 =	simm.s32 $0x3;
	s29 =	simm.s32 $0x0;
	s2 =	smul.u32 $0x2800, s6  }
0x9: {  	s1 =	sand.u32 $0x1, s1;
	s6 =	sshll.u32 s6, $0x1;
	[smem:$0x7FF] =	sst s5  }
0xa: {  	s6 =	sor.u32 s1, s6;
	s7 =	smul.u32 $0x28000, s1;
	_ =	strace $0x8000004D  }
0xb: {  	s1 =	ssub.s32 $0x2, s1;
	s8 =	sshrl.u32 s2, $0x3;
	s6 =	smul.u32 $0x2710, s6  }
0xc: {  	s26 =	sshrl.u32 s1, $0x1;
	s12 =	sadd.s32 s2, s3;
	s13 =	sadd.s32 s2, s4  }
0xd: {  	s9 =	sadd.s32 s8, s0;
	s7 =	sadd.s32 s2, s7;
	s1 =	ssub.s32 s1, s26  }
0xe: {  	s26 =	simm.s32 $0xEB20;
	s6 =	sshrl.u32 s6, $0x3;
	s7 =	sshrl.u32 s7, $0x3  }
0xf: {  	s8 =	sadd.s32 $0x15A00, s9;
	s15 =	smax.u32 s1, $0x1;
	s1 =	simm.s32 $0x2  }
0x10: {  	s11 =	sadd.s32 s6, s0;
	s0 =	sadd.s32 s7, s0;
	s6 =	sadd.s32 $0x1AA00, s9  }
0x11: {  	s7 =	sadd.s32 $0x1FA00, s9;
	s9 =	sadd.s32 $0x24A00, s9;
	s10 =	sadd.s32 $0x2000, s11  }
0x12: {  	v0 =	vimm.f32 $0.0e+00;
	s11 =	sadd.s32 $0xBC40, s11;
	s14 =	sadd.s32 $0x29A00, s0;
	s0 =	simm.s32 $0x310  }
.LBB2_1:
0x13: {  	[tilespmem:s5], [sflag:$0x4] =	stream.linear.gather [hbm4b:s6+s5], $0x2800, $0x38;
	[tilespmem:$0x1FE30] =	vst v63  }
0x14: {  	_ = 	snop  }
0x15: {  	[tilespmem:s16], [sflag:$0x4] =	stream.linear.gather [hbm4b:s7+s5], $0x2800, $0x38;
	[tilespmem:$0x1FE30] =	vst v63  }
0x16: {  	s2 =	simm.s32 $0x5000  }
0x17: {  	[tilespmem:s2], [sflag:$0x4] =	stream.linear.gather [hbm4b:s8+s5], $0x2800, $0x38;
	[tilespmem:$0x1FE30] =	vst v63  }
0x18: {  	s17 =	simm.s32 $0x7800  }
0x19: {  	[tilespmem:s17], [sflag:$0x4] =	stream.linear.gather [hbm4b:s9+s5], $0x2800, $0x38;
	[tilespmem:$0x1FE30] =	vst v63  }
0x1a: {  	_ = 	snop  }
0x1b: {  	[tilespmem:s19], [sflag:$0x4] =	stream.linear.gather [hbm4b:s10+s5], $0x2710, $0x38;
	[tilespmem:$0x1FE30] =	vst v63  }
0x1c: {  	_ = 	snop  }
0x1d: {  	[tilespmem:s20], [sflag:$0x4] =	stream.linear.gather [hbm4b:s11+s5], $0x2710, $0x38;
	[tilespmem:$0x1FE30] =	vst v63  }
0x1e: {  	s21 =	rddreg [dreg:$0x1];
	s17 =	simm.s32 $0xA000  }
0x1f: {  	[tilespmem:s17], [sflag:$0x5] =	stream.linear.gather [hbm4b:s21+s5], $0x10, $0x38;
	[tilespmem:$0x1FE30] =	vst v63  }
0x20: {  	_ =	swait.ge [sflag:s22], $0x10  }
0x21: {  	[sflag:s22] =	ssyncset.done $0x0  }
0x22: {  	[sflag:s22] =	ssyncadd.s32 $0xFFFFFFF0  }
0x23: {  	_ =	swait.ge [sflag:s23], $0x2800  }
0x24: {  	[sflag:s23] =	ssyncset.done $0x0  }
0x25: {  	[sflag:s23] =	ssyncadd.s32 $0xFFFFD800  }
0x26: {  	_ =	swait.ge [sflag:s23], $0x2800  }
0x27: {  	[sflag:s23] =	ssyncset.done $0x0  }
0x28: {  	[sflag:s23] =	ssyncadd.s32 $0xFFFFD800  }
0x29: {  	_ =	swait.ge [sflag:s23], $0x2800  }
0x2a: {  	[sflag:s23] =	ssyncset.done $0x0  }
0x2b: {  	[sflag:s23] =	ssyncadd.s32 $0xFFFFD800  }
0x2c: {  	_ =	swait.ge [sflag:s23], $0x2800  }
0x2d: {  	[sflag:s23] =	ssyncset.done $0x0  }
0x2e: {  	[sflag:s23] =	ssyncadd.s32 $0xFFFFD800  }
0x2f: {  	s2 =	simm.s32 $0x0;
	v1 =	vld [tilespmem:$0xA000]  }
0x30: {  	v3 =	vld [tilespmem:s2+$0x7800]  }
0x31: {  	v2 =	vld [tilespmem:s2+$0x7810]  }
0x32: {  	v5 =	vld [tilespmem:s2+$0x5000]  }
0x33: {  	v4 =	vld [tilespmem:s2+$0x5010]  }
0x34: {  	v6 =	vld [tilespmem:s2+$0x2800]  }
0x35: {  	v7 =	vld [tilespmem:s2+$0x2810]  }
0x36: {  	v8 =	vld [tilespmem:s2+$0x2820]  }
0x37: {  	v9 =	vld [tilespmem:s2+$0x2830]  }
0x38: {  	[tilespmem:s2+$0x2800] =	vst v0;
	v11 =	vld [tilespmem:s2+$0x0]  }
0x39: {  	[tilespmem:s2+$0x2810] =	vst v0;
	v12 =	vld [tilespmem:s2+$0x10]  }
0x3a: {  	s17 =	simm.s32 $0x100;
	[tilespmem:s2+$0x2820] =	vst v0;
	v10 =	vld [tilespmem:s2+$0x20]  }
.LBB2_2:
0x3b: {  	p0 =	sne.s32 s17, $0x9F00;
	v13 =	vld [tilespmem:s2+$0x30];
	[tilespmem:s2+$0x2830] =	vst v0  }
0x3c: {  	v14 =	vld [tilespmem:s2+$0x5020]  }
0x3d: {  	v6 =	vadd.f32 v6, v11;
	v11 =	vld [tilespmem:s2+$0x5030]  }
0x3e: {  	v7 =	vadd.f32 v7, v12;
	v12 =	vld [tilespmem:s2+$0x7820]  }
0x3f: {  	v5 =	vadd.f32 v5, v6;
	v6 =	vadd.f32 v8, v10;
	v10 =	vld [tilespmem:s2+$0x7830]  }
0x40: {  	s21 =	sshra.s32 s17, $0x2;
	v4 =	vadd.f32 v4, v7;
	v7 =	vadd.f32 v9, v13  }
0x41: {  	v8 =	vld [tilespmem:s21+$0x7800];
	v9 =	vmul.f32 v3, v5;
	v6 =	vadd.f32 v14, v6  }
0x42: {  	v13 =	vld [tilespmem:s21+$0x7810];
	v14 =	vmul.f32 v2, v4;
	v7 =	vadd.f32 v11, v7  }
0x43: {  	v5 =	vld [tilespmem:s21+$0x5000];
	v9 =	vadd.f32 v9, v1;
	v11 =	vmul.f32 v12, v6  }
0x44: {  	v4 =	vld [tilespmem:s21+$0x5010];
	v14 =	vadd.f32 v14, v1;
	v15 =	vmul.f32 v10, v7  }
0x45: {  	v6 =	vld [tilespmem:s21+$0x2800];
	[tilespmem:s21+$0x2800] =	vst v0;
	v9 =	vmax.f32 v9, $0.0e+00;
	v11 =	vadd.f32 v11, v1  }
0x46: {  	v7 =	vld [tilespmem:s21+$0x2810];
	[tilespmem:s21+$0x2810] =	vst v0;
	v16 =	vmul.f32 v9, v3;
	v9 =	vmax.f32 v14, $0.0e+00;
	v14 =	vadd.f32 v15, v1;
	v3 =	vmovc v8  }
.Ltmp0:
0x47: {  	v8 =	vld [tilespmem:s21+$0x2820];
	[tilespmem:s21+$0x2820] =	vst v0;
	v15 =	vmul.f32 v9, v2;
	v11 =	vmax.f32 v11, $0.0e+00;
	v2 =	vmov v13;
	(pc) =	sbr.rel @p0 .LBB2_2-.Ltmp0, $4  }
0x48: {  	v9 =	vld [tilespmem:s21+$0x2830];
	[tilespmem:s2+$0x0] =	vst v16;
	v13 =	vmul.f32 v11, v12;
	v12 =	vmax.f32 v14, $0.0e+00  }
0x49: {  	v11 =	vld [tilespmem:s21+$0x0];
	[tilespmem:s2+$0x10] =	vst v15;
	v14 =	vmul.f32 v12, v10  }
0x4a: {  	v12 =	vld [tilespmem:s21+$0x10];
	[tilespmem:s2+$0x20] =	vst v13  }
0x4b: {  	s17 =	sadd.s32 $0x100, s17;
	v10 =	vld [tilespmem:s21+$0x20];
	[tilespmem:s2+$0x30] =	vst v14;
	s2 =	smov.u32 s21  }
0x4c: {  	v13 =	vld [tilespmem:s2+$0x30]  }
0x4d: {  	v14 =	vld [tilespmem:s2+$0x5020]  }
0x4e: {  	v58 =	vld [tilespmem:s2+$0x5030];
	v6 =	vadd.f32 v6, v11  }
0x4f: {  	v59 =	vld [tilespmem:s2+$0x7820];
	v7 =	vadd.f32 v7, v12  }
0x50: {  	v61 =	vld [tilespmem:s2+$0x7830];
	v5 =	vadd.f32 v5, v6;
	v60 =	vadd.f32 v8, v10  }
0x51: {  	v4 =	vadd.f32 v4, v7;
	v62 =	vadd.f32 v9, v13  }
0x52: {  	v5 =	vmul.f32 v3, v5;
	v6 =	vadd.f32 v14, v60  }
0x53: {  	v4 =	vmul.f32 v2, v4;
	v7 =	vadd.f32 v58, v62  }
0x54: {  	v5 =	vadd.f32 v5, v1;
	v6 =	vmul.f32 v59, v6  }
0x55: {  	v4 =	vadd.f32 v4, v1;
	v7 =	vmul.f32 v61, v7  }
0x56: {  	v5 =	vmax.f32 v5, $0.0e+00;
	v6 =	vadd.f32 v6, v1  }
0x57: {  	v3 =	vmul.f32 v5, v3;
	v4 =	vmax.f32 v4, $0.0e+00;
	v1 =	vadd.f32 v7, v1  }
0x58: {  	[tilespmem:s2+$0x2830] =	vst v0;
	v2 =	vmul.f32 v4, v2;
	v63 =	vmax.f32 v6, $0.0e+00  }
0x59: {  	[tilespmem:s2+$0x0] =	vst v3;
	v3 =	vmul.f32 v63, v59;
	v1 =	vmax.f32 v1, $0.0e+00  }
0x5a: {  	[tilespmem:s2+$0x10] =	vst v2;
	v1 =	vmul.f32 v1, v61  }
0x5b: {  	[tilespmem:s2+$0x20] =	vst v3  }
0x5c: {  	[tilespmem:s2+$0x30] =	vst v1  }
0x5d: {  	[spmem:s12] =	stream.linear.scatter [tilespmem:s5], [sflag:$0x5], $0x2800, $0x38;
	[tilespmem:$0x1FE30] =	vst v63  }
0x5e: {  	_ =	swait.ge [sflag:s22], $0x2800  }
0x5f: {  	[sflag:s22] =	ssyncset.done $0x0  }
0x60: {  	[sflag:s22] =	ssyncadd.s32 $0xFFFFD800  }
0x61: {  	[spmem:s13] =	stream.linear.scatter [tilespmem:s16], [sflag:$0x5], $0x2800, $0x38;
	[tilespmem:$0x1FE30] =	vst v63  }
0x62: {  	_ =	swait.ge [sflag:s22], $0x2800  }
0x63: {  	[sflag:s22] =	ssyncset.done $0x0  }
0x64: {  	[sflag:s22] =	ssyncadd.s32 $0xFFFFD800  }
0x65: {  	_ =	swait.ge [sflag:s23], $0x2710  }
0x66: {  	[sflag:s23] =	ssyncset.done $0x0  }
0x67: {  	[sflag:s23] =	ssyncadd.s32 $0xFFFFD8F0  }
0x68: {  	_ =	swait.ge [sflag:s23], $0x2710  }
0x69: {  	[sflag:s23] =	ssyncset.done $0x0  }
0x6a: {  	[sflag:s23] =	ssyncadd.s32 $0xFFFFD8F0  }
0x6b: {  	[bflag:$0x0] =	sbarrier.arrive $0xFFFF  }
0x6c: {  	[tilespmem:s25], [sflag:$0x1] =	stream.indirect.gather [spmem:s3], $0x10, s19, s24, $0xb8;
	[tilespmem:$0x1FE30] =	vst v63  }
0x6d: {  	s17 =	simm.s32 $0xA410  }
0x6e: {  	[tilespmem:s28], [sflag:$0x2] =	stream.indirect.gather [spmem:s3], $0x10, s17, s24, $0xb8;
	[tilespmem:$0x1FE30] =	vst v63  }
0x6f: {  	s21 =	simm.s32 $0xA810  }
0x70: {  	[tilespmem:s30], [sflag:$0x3] =	stream.indirect.gather [spmem:s3], $0x10, s21, s24, $0xb8;
	[tilespmem:$0x1FE30] =	vst v63  }
0x71: {  	_ =	swait.ge [sflag:s31], $0x4000  }
0x72: {  	[sflag:s31] =	ssyncset.done $0x0  }
0x73: {  	[sflag:s31] =	ssyncadd.s32 $0xFFFFC000  }
0x74: {  	[spmem:s4] =	stream.indirect.scatter.add.f32 [tilespmem:s25], [sflag:$0x1], $0x10, s20, s24, $0xb8;
	[tilespmem:$0x1FE30] =	vst v63  }
0x75: {  	_ =	swait.ge [sflag:s31], $0x4000  }
0x76: {  	[sflag:s31] =	ssyncset.done $0x0  }
0x77: {  	s17 =	simm.s32 $0xAC10;
	[sflag:s31] =	ssyncadd.s32 $0xFFFFC000  }
0x78: {  	[tilespmem:s25], [sflag:$0x1] =	stream.indirect.gather [spmem:s3], $0x10, s17, s24, $0xb8;
	[tilespmem:$0x1FE30] =	vst v63  }
0x79: {  	_ =	swait.ge [sflag:s1], $0x4000  }
0x7a: {  	[sflag:s1] =	ssyncset.done $0x0  }
0x7b: {  	s21 =	simm.s32 $0xCB20;
	[sflag:s1] =	ssyncadd.s32 $0xFFFFC000  }
0x7c: {  	[spmem:s4] =	stream.indirect.scatter.add.f32 [tilespmem:s28], [sflag:$0x2], $0x10, s21, s24, $0xb8;
	[tilespmem:$0x1FE30] =	vst v63  }
0x7d: {  	_ =	swait.ge [sflag:s1], $0x4000  }
0x7e: {  	[sflag:s1] =	ssyncset.done $0x0  }
0x7f: {  	s17 =	simm.s32 $0xB010;
	[sflag:s1] =	ssyncadd.s32 $0xFFFFC000  }
0x80: {  	[tilespmem:s28], [sflag:$0x2] =	stream.indirect.gather [spmem:s3], $0x10, s17, s24, $0xb8;
	[tilespmem:$0x1FE30] =	vst v63  }
0x81: {  	_ =	swait.ge [sflag:s18], $0x4000  }
0x82: {  	[sflag:s18] =	ssyncset.done $0x0  }
0x83: {  	s21 =	simm.s32 $0xCF20;
	[sflag:s18] =	ssyncadd.s32 $0xFFFFC000  }
0x84: {  	[spmem:s4] =	stream.indirect.scatter.add.f32 [tilespmem:s30], [sflag:$0x3], $0x10, s21, s24, $0xb8;
	[tilespmem:$0x1FE30] =	vst v63  }
0x85: {  	_ =	swait.ge [sflag:s18], $0x4000  }
0x86: {  	[sflag:s18] =	ssyncset.done $0x0  }
0x87: {  	s17 =	simm.s32 $0xB410;
	[sflag:s18] =	ssyncadd.s32 $0xFFFFC000  }
0x88: {  	[tilespmem:s30], [sflag:$0x3] =	stream.indirect.gather [spmem:s3], $0x10, s17, s24, $0xb8;
	[tilespmem:$0x1FE30] =	vst v63  }
0x89: {  	_ =	swait.ge [sflag:s31], $0x4000  }
0x8a: {  	[sflag:s31] =	ssyncset.done $0x0  }
0x8b: {  	s21 =	simm.s32 $0xD320;
	[sflag:s31] =	ssyncadd.s32 $0xFFFFC000  }
0x8c: {  	[spmem:s4] =	stream.indirect.scatter.add.f32 [tilespmem:s25], [sflag:$0x1], $0x10, s21, s24, $0xb8;
	[tilespmem:$0x1FE30] =	vst v63  }
0x8d: {  	_ =	swait.ge [sflag:s31], $0x4000  }
0x8e: {  	[sflag:s31] =	ssyncset.done $0x0  }
0x8f: {  	s17 =	simm.s32 $0xB810;
	[sflag:s31] =	ssyncadd.s32 $0xFFFFC000  }
0x90: {  	[tilespmem:s25], [sflag:$0x1] =	stream.indirect.gather [spmem:s3], $0x10, s17, s24, $0xb8;
	[tilespmem:$0x1FE30] =	vst v63  }
0x91: {  	_ =	swait.ge [sflag:s1], $0x4000  }
0x92: {  	[sflag:s1] =	ssyncset.done $0x0  }
0x93: {  	s21 =	simm.s32 $0xD720;
	[sflag:s1] =	ssyncadd.s32 $0xFFFFC000  }
0x94: {  	[spmem:s4] =	stream.indirect.scatter.add.f32 [tilespmem:s28], [sflag:$0x2], $0x10, s21, s24, $0xb8;
	[tilespmem:$0x1FE30] =	vst v63  }
0x95: {  	_ =	swait.ge [sflag:s1], $0x4000  }
0x96: {  	[sflag:s1] =	ssyncset.done $0x0  }
0x97: {  	s17 =	simm.s32 $0xBC10;
	[sflag:s1] =	ssyncadd.s32 $0xFFFFC000  }
0x98: {  	[tilespmem:s28], [sflag:$0x2] =	stream.indirect.gather [spmem:s3], $0x10, s17, s24, $0xb8;
	[tilespmem:$0x1FE30] =	vst v63  }
0x99: {  	_ =	swait.ge [sflag:s18], $0x4000  }
0x9a: {  	[sflag:s18] =	ssyncset.done $0x0  }
0x9b: {  	s21 =	simm.s32 $0xDB20;
	[sflag:s18] =	ssyncadd.s32 $0xFFFFC000  }
0x9c: {  	[spmem:s4] =	stream.indirect.scatter.add.f32 [tilespmem:s30], [sflag:$0x3], $0x10, s21, s24, $0xb8;
	[tilespmem:$0x1FE30] =	vst v63  }
0x9d: {  	_ =	swait.ge [sflag:s18], $0x4000  }
0x9e: {  	[sflag:s18] =	ssyncset.done $0x0  }
0x9f: {  	s17 =	simm.s32 $0xC010;
	[sflag:s18] =	ssyncadd.s32 $0xFFFFC000  }
0xa0: {  	[tilespmem:s30], [sflag:$0x3] =	stream.indirect.gather [spmem:s3], $0x10, s17, s24, $0xb8;
	[tilespmem:$0x1FE30] =	vst v63  }
0xa1: {  	_ =	swait.ge [sflag:s31], $0x4000  }
0xa2: {  	[sflag:s31] =	ssyncset.done $0x0  }
0xa3: {  	s21 =	simm.s32 $0xDF20;
	[sflag:s31] =	ssyncadd.s32 $0xFFFFC000  }
0xa4: {  	[spmem:s4] =	stream.indirect.scatter.add.f32 [tilespmem:s25], [sflag:$0x1], $0x10, s21, s24, $0xb8;
	[tilespmem:$0x1FE30] =	vst v63  }
0xa5: {  	_ =	swait.ge [sflag:s31], $0x4000  }
0xa6: {  	[sflag:s31] =	ssyncset.done $0x0  }
0xa7: {  	s17 =	simm.s32 $0xC410;
	[sflag:s31] =	ssyncadd.s32 $0xFFFFC000  }
0xa8: {  	[tilespmem:s25], [sflag:$0x1] =	stream.indirect.gather [spmem:s3], $0x10, s17, s0, $0xb8;
	[tilespmem:$0x1FE30] =	vst v63  }
0xa9: {  	_ =	swait.ge [sflag:s1], $0x4000  }
0xaa: {  	[sflag:s1] =	ssyncset.done $0x0  }
0xab: {  	s21 =	simm.s32 $0xE320;
	[sflag:s1] =	ssyncadd.s32 $0xFFFFC000  }
0xac: {  	[spmem:s4] =	stream.indirect.scatter.add.f32 [tilespmem:s28], [sflag:$0x2], $0x10, s21, s24, $0xb8;
	[tilespmem:$0x1FE30] =	vst v63  }
0xad: {  	_ =	swait.ge [sflag:s18], $0x4000  }
0xae: {  	[sflag:s18] =	ssyncset.done $0x0  }
0xaf: {  	s17 =	simm.s32 $0xE720;
	[sflag:s18] =	ssyncadd.s32 $0xFFFFC000  }
0xb0: {  	[spmem:s4] =	stream.indirect.scatter.add.f32 [tilespmem:s30], [sflag:$0x3], $0x10, s17, s24, $0xb8;
	[tilespmem:$0x1FE30] =	vst v63  }
0xb1: {  	_ =	swait.ge [sflag:s31], $0x3100  }
0xb2: {  	[sflag:s31] =	ssyncset.done $0x0  }
0xb3: {  	[sflag:s31] =	ssyncadd.s32 $0xFFFFCF00  }
0xb4: {  	[spmem:s4] =	stream.indirect.scatter.add.f32 [tilespmem:s25], [sflag:$0x1], $0x10, s26, s0, $0xb8;
	[tilespmem:$0x1FE30] =	vst v63  }
0xb5: {  	_ =	swait.ge [sflag:s1], $0x4000  }
0xb6: {  	[sflag:s1] =	ssyncset.done $0x0  }
0xb7: {  	[sflag:s1] =	ssyncadd.s32 $0xFFFFC000  }
0xb8: {  	_ =	swait.ge [sflag:s18], $0x4000  }
0xb9: {  	[sflag:s18] =	ssyncset.done $0x0  }
0xba: {  	[sflag:s18] =	ssyncadd.s32 $0xFFFFC000  }
0xbb: {  	s21 =	stileid.u32;
	_ =	swait.ge [sflag:s31], $0x3100  }
0xbc: {  	s29 =	sadd.s32 $0x1, s29;
	s2 =	sshll.u32 s21, $0x6;
	[sflag:s31] =	ssyncset.done $0x0  }
0xbd: {  	p0 =	sne.s32 s29, s15;
	s2 =	sor.u32 $0x1C05, s2;
	[sflag:s31] =	ssyncadd.s32 $0xFFFFCF00  }
.Ltmp1:
0xbe: {  	s17 =	sshrl.u32 s13, $0x3;
	[bflag:$0x0] =	sbarrier.arrive $0xFFFF;
	(pc) =	sbr.rel @p0 .LBB2_1-.Ltmp1, $4  }
0xbf: {  	[hbm:s14], [sflag:s2] =	dma.local [spmem:s17], $0x500  }
0xc0: {  	_ =	swait.ge [sflag:s22], $0x500  }
0xc1: {  	[sflag:s22] =	ssyncset.done $0x0  }
0xc2: {  	[sflag:s22] =	ssyncadd.s32 $0xFFFFFB00  }
0xc3: {  	_ =	sfence.sel $0x180000  }
0xc4: {  	[bflag:$0x0] =	sbarrier.arrive $0xFFFF  }
0xc5: {  	_ =	strace $0x9000004D  }
0xc6: {  	s0 =	stileid.u32;
	[bflag:$0x2] =	sbarrier.arrive $0xFFFF  }
0xc7: {  	p0 =	sne.s32 s0, $0x0;
	s0 =	rddreg [dreg:$0x4]  }
0xc8: {  	s0 =	sadd.s32 @!p0 $0x100000, s0  }
0xc9: {  	[sflag:s0] =	ssyncadd.tile.s32 @!p0 $0x1;
	_ =	shalt  }
.Lfunc_end2:
_tile_overlayer_lowered:
.L_overlay_start_2:
0xca: {  	(tag) =	ssettag $0x2  }
0xcb: {  	s0 =	rddreg [dreg:$0x0];
	s2 =	stileid.u32  }
0xcc: {  	s1 =	rddreg [dreg:$0x1];
	p0 =	sne.s32 s2, $0x0  }
0xcd: {  	s3 =	rddreg [dreg:$0x2];
	[bflag:$0x3] =	sbarrier.arrive $0xFFFF;
	s2 =	simm.s32 @!p0 $0x1C05  }
0xce: {  	[timem:s3], [sflag:s2] =	dma.local @!p0 [hbm:s0], s1  }
0xcf: {  	s0 =	simm.s32 @!p0 $0x5  }
0xd0: {  	_ =	swait.ge @!p0 [sflag:s0], s1  }
0xd1: {  	s1 =	ssub.s32 @!p0 $0x0, s1;
	[sflag:s0] =	ssyncset.done @!p0 $0x0  }
0xd2: {  	[sflag:s0] =	ssyncadd.s32 @!p0 s1  }
0xd3: {  	[bflag:$0x3] =	sbarrier.arrive $0xFFFF  }
0xd4: {  	_ =	shalt  }

// kernel: kernel.8.cloned.1.call-start
scs
__scs_entry_jumppad:
0x0: {  	(pc) =	sbr.rel $0x88, $3  }
0x1: {  	(tag) =	ssettag $0x0;
	lr =	simm.s32 $0x1  }
0x2: {  	[smem:$0x3F9B] =	sst lr;
	_ =	strace $0xD0000000  }
0x3: {  	_ = 	snop  }
0x4: {  	_ = 	snop  }
0x5: {  	_ = 	snop  }
0x6: {  	_ = 	snop  }
0x7: {  	_ = 	snop  }
__scs_overlays_trampoline_lowered:
0x8: {  	[smem:$0x3FAA] =	sst s0  }
0x9: {  	[smem:$0x3FAB] =	sst s1  }
0xa: {  	[smem:$0x3FAC] =	sst s2  }
0xb: {  	[smem:$0x3FAD] =	sst s3  }
0xc: {  	[smem:$0x3FAE] =	sst s4  }
0xd: {  	[smem:$0x3FAF] =	sst s5  }
0xe: {  	[smem:$0x3FB0] =	sst s6  }
0xf: {  	[smem:$0x3FB1] =	sst s7  }
0x10: {  	[smem:$0x3FB2] =	sst s8  }
0x11: {  	[smem:$0x3FB3] =	sst s9;
	s0 =	simm.s32 @!p0 $0x0  }
0x12: {  	s1 =	sld [smem:$0x3F99];
	s0 =	simm.s32 @p0 $0x1  }
0x13: {  	[smem:$0x3FB4] =	sst s0;
	s0 =	simm.s32 @!p1 $0x0  }
0x14: {  	s2 =	sld [smem:$0x3F98];
	s0 =	simm.s32 @p1 $0x1  }
0x15: {  	[smem:$0x3FB5] =	sst s0;
	s0 =	simm.s32 @!p2 $0x0  }
0x16: {  	s3 =	sld [smem:$0x3FDB];
	s0 =	simm.s32 @p2 $0x1  }
0x17: {  	s4 =	simm.s32 $0x1BF5;
	[smem:$0x3FB7] =	sst s0  }
0x18: {  	s0 =	sld [smem:$0x3F9A];
	_ =	swait.ge [sflag:s4], $0x0  }
0x19: {  	s7 =	sld [smem:$0x3F9B]  }
0x1a: {  	s8 =	sadd.s32 $0xFFFFE003, lr  }
0x1b: {  	s9 =	sadd.s32 $0xFFFFFEF7, lr;
	s5 =	simm.s32 $0xFFFFFFFF;
	p2 =	slt.u32 s8, $0xFFFFF086  }
0x1c: {  	p1 =	slt.u32 s9, $0xF7A;
	s5 =	simm.s32 @!p2 $0x0  }
0x1d: {  	s5 =	simm.s32 @p1 $0x1;
	p0 =	seq.s32 s7, s2  }
0x1e: {  	s7 =	smul.u32 @!p0 $0xF7A, s2;
	p2 =	seq.s32 @!p0 s5, $0x0  }
0x1f: {  	s9 =	smul.u32 $0xF7A, s1;
	s8 =	simm.s32 @!p0 $0x1BF5;
	p2 =	por !p2, p0  }
0x20: {  	[sflag:s8] =	ssyncset.s32 @!p0 $0xFFFFF086;
	s6 =	sadd.s32 @!p0 s3, s7;
	s7 =	simm.s32 @!p0 $0x108  }
0x21: {  	s3 =	sadd.s32 s3, s9;
	s6 =	sadd.s32 @!p0 $0x88, s6;
	s7 =	simm.s32 @p2 $0x1082  }
0x22: {  	[simem:s7], [sflag:s8] =	dma.local @!p0 [hbm:s6], $0xF7A  }
0x23: {  	s9 =	sor.u32 $0xD0000000, s2;
	s6 =	simm.s32 $0x108;
	_ =	swait.ge @!p0 [sflag:s8], $0x0  }
0x24: {  	s3 =	sadd.s32 $0x88, s3;
	s6 =	simm.s32 @!p1 $0x1082;
	[sflag:s4] =	ssyncset.s32 $0xFFFFF086  }
0x25: {  	[simem:s6], [sflag:s4] =	dma.local [hbm:s3], $0xF7A  }
0x26: {  	[smem:$0x3F9B] =	sst s1;
	(tag) =	ssettag s2;
	_ =	strace s9  }
0x27: {  	s1 =	sld [smem:$0x3FAB]  }
0x28: {  	s2 =	sld [smem:$0x3FAC]  }
0x29: {  	s4 =	sld [smem:$0x3FAE]  }
0x2a: {  	p0 =	seq.s32 s5, $0x0;
	s5 =	sld [smem:$0x3FAF]  }
0x2b: {  	s6 =	sld [smem:$0x3FB0]  }
0x2c: {  	s7 =	sld [smem:$0x3FB1]  }
0x2d: {  	s3 =	simm.s32 $0x108;
	s8 =	sld [smem:$0x3FB2]  }
0x2e: {  	s3 =	simm.s32 @!p0 $0x1082;
	s9 =	sld [smem:$0x3FB3]  }
0x2f: {  	lr =	sadd.s32 s0, s3;
	s0 =	sld [smem:$0x3FAA]  }
0x30: {  	s3 =	sld [smem:$0x3FAD]  }
0x31: {  	[smem:$0x3FB6] =	sst s10  }
0x32: {  	s10 =	sld [smem:$0x3FB4];
	_ =	sdelay $0x3  }
0x33: {  	p0 =	seq.s32 s10, $0x1;
	s10 =	sld [smem:$0x3FB6];
	_ =	sdelay $0x3  }
0x34: {  	[smem:$0x3FB6] =	sst s10  }
0x35: {  	s10 =	sld [smem:$0x3FB5];
	_ =	sdelay $0x3  }
0x36: {  	p1 =	seq.s32 s10, $0x1;
	s10 =	sld [smem:$0x3FB6];
	_ =	sdelay $0x3  }
0x37: {  	[smem:$0x3FB6] =	sst s10  }
0x38: {  	s10 =	sld [smem:$0x3FB7]  }
0x39: {  	_ = 	snop;
	(pc) =	sbr.ind lr, $3  }
0x3a: {  	_ = 	snop  }
0x3b: {  	_ = 	snop  }
0x3c: {  	p2 =	seq.s32 s10, $0x1;
	s10 =	sld [smem:$0x3FB6]  }
0x3d: {  	_ =	shalt  }
0x3e: {  	_ =	shalt  }
0x3f: {  	_ =	shalt  }
0x40: {  	_ =	shalt  }
0x41: {  	_ =	shalt  }
0x42: {  	_ =	shalt  }
0x43: {  	_ =	shalt  }
0x44: {  	_ =	shalt  }
0x45: {  	_ =	shalt  }
0x46: {  	_ =	shalt  }
0x47: {  	_ =	shalt  }
0x48: {  	_ =	shalt  }
0x49: {  	_ =	shalt  }
0x4a: {  	_ =	shalt  }
0x4b: {  	_ =	shalt  }
0x4c: {  	_ =	shalt  }
0x4d: {  	_ =	shalt  }
0x4e: {  	_ =	shalt  }
0x4f: {  	_ =	shalt  }
0x50: {  	_ =	shalt  }
0x51: {  	_ =	shalt  }
0x52: {  	_ =	shalt  }
0x53: {  	_ =	shalt  }
0x54: {  	_ =	shalt  }
0x55: {  	_ =	shalt  }
0x56: {  	_ =	shalt  }
0x57: {  	_ =	shalt  }
0x58: {  	_ =	shalt  }
0x59: {  	_ =	shalt  }
0x5a: {  	_ =	shalt  }
0x5b: {  	_ =	shalt  }
0x5c: {  	_ =	shalt  }
0x5d: {  	_ =	shalt  }
0x5e: {  	_ =	shalt  }
0x5f: {  	_ =	shalt  }
0x60: {  	_ =	shalt  }
0x61: {  	_ =	shalt  }
0x62: {  	_ =	shalt  }
0x63: {  	_ =	shalt  }
0x64: {  	_ =	shalt  }
0x65: {  	_ =	shalt  }
0x66: {  	_ =	shalt  }
0x67: {  	_ =	shalt  }
0x68: {  	_ =	shalt  }
0x69: {  	_ =	shalt  }
0x6a: {  	_ =	shalt  }
0x6b: {  	_ =	shalt  }
0x6c: {  	_ =	shalt  }
0x6d: {  	_ =	shalt  }
0x6e: {  	_ =	shalt  }
0x6f: {  	_ =	shalt  }
0x70: {  	_ =	shalt  }
0x71: {  	_ =	shalt  }
0x72: {  	_ =	shalt  }
0x73: {  	_ =	shalt  }
0x74: {  	_ =	shalt  }
0x75: {  	_ =	shalt  }
0x76: {  	_ =	shalt  }
0x77: {  	_ =	shalt  }
0x78: {  	_ =	shalt  }
0x79: {  	_ =	shalt  }
0x7a: {  	_ =	shalt  }
0x7b: {  	_ =	shalt  }
0x7c: {  	_ =	shalt  }
0x7d: {  	_ =	shalt  }
0x7e: {  	_ =	shalt  }
0x7f: {  	_ =	shalt  }
0x80: {  	_ =	shalt  }
0x81: {  	_ =	shalt  }
0x82: {  	_ =	shalt  }
0x83: {  	_ =	shalt  }
0x84: {  	_ =	shalt  }
0x85: {  	_ =	shalt  }
0x86: {  	_ =	shalt  }
0x87: {  	_ =	shalt  }
.Lfunc_end0:
.L_simem_size_0:
called_computation_lowered:
.L_overlay_start_0:
0x88: {  	s2 =	sld [smem:$0x3FD9]  }
0x89: {  	s3 =	sld [smem:$0x3FFE];
	_ =	sdelay $0x1  }
0x8a: {  	s1 =	srdreg.scid  }
0x8b: {  	s0 =	sand.u32 $0x1, s1  }
0x8c: {  	s17 =	sshll.u32 s0, $0xA;
	s2 =	sadd.s32 s3, s2  }
0x8d: {  	s2 =	sadd.s32 s2, s17  }
0x8e: {  	[smem:$0x3FC2] =	sst s2  }
0x8f: {  	_ = 	snop  }
0x90: {  	s2 =	sld [smem:$0x3FD0];
	(tm) =	ssettm $0x1  }
0x91: {  	s18 =	sld [smem:$0x3FFB];
	_ =	sdelay $0x3  }
0x92: {  	_ =	strace s18  }
0x93: {  	s3 =	sld [smem:$0x3FFC];
	_ =	sdelay $0x3  }
0x94: {  	_ =	strace s3  }
0x95: {  	s3 =	sld [smem:$0x3FFD];
	_ =	sdelay $0x3  }
0x96: {  	_ =	strace s3  }
0x97: {  	_ =	strace $0x8FFFFFFF  }
0x98: {  	s19 =	sld [smem:$0x3FDB];
	_ =	sdelay $0x1  }
0x99: {  	s4 =	simm.s32 $_scs_section_size  }
0x9a: {  	s5 =	simm.s32 $_size__tile_overlayer_lowered;
	s6 =	simm.s32 $_tile_overlayer_lowered  }
0x9b: {  	s22 =	simm.s32 $0x1BFF;
	s21 =	sshll.u32 s6, $0x1;
	s3 =	sadd.s32 s4, s19  }
0x9c: {  	s7 =	simm.s32 $0x0;
	s20 =	sshll.u32 s5, $0x1;
	s5 =	sadd.s32 s21, s3  }
0x9d: {  	[timem:s7], [sflag:s22] =	dma.local [hbm:s5], s20  }
0x9e: {  	_ =	swait.ge [sflag:s22], s20  }
0x9f: {  	s4 =	ssub.s32 $0x0, s20;
	[sflag:s22] =	ssyncset.done $0x0  }
0xa0: {  	[sflag:s22] =	ssyncadd.s32 s4;
	_ =	sdelay $0x1  }
0xa1: {  	s23 =	simm.s32 $0x1B8B  }
0xa2: {  	_ =	swait.ge [sflag:s23], $0x1  }
0xa3: {  	[sflag:s23] =	ssyncset.done $0x0  }
0xa4: {  	s25 =	simm.s32 $0x1B8E;
	s24 =	sld [smem:$0x3FFE];
	[sflag:s23] =	ssyncadd.s32 $0xFFFFFFFF  }
0xa5: {  	s26 =	simm.s32 $execute0_lowered;
	[smem:$0x3FD2] =	sst s25  }
0xa6: {  	s5 =	sshll.u32 s26, $0x1;
	_ =	strace $0x80000046;
	[dreg:$0x1] =	wrdreg $0xFFFFFFFF  }
0xa7: {  	s28 =	simm.s32 $_size_execute0_lowered;
	s3 =	sadd.s32 s3, s5;
	[dreg:$0x0] =	wrdreg $0x0  }
0xa8: {  	s5 =	sshll.u32 s28, $0x1;
	[dreg:$0x2] =	wrdreg s3  }
0xa9: {  	[dreg:$0x3] =	wrdreg s5  }
0xaa: {  	[dreg:$0x4] =	wrdreg $0xC0  }
0xab: {  	_ =	task [dreg:s7], $0x5FFFF  }
0xac: {  	[dreg:$0x1] =	wrdreg $0xFFFFFFFF  }
0xad: {  	[dreg:$0x0] =	wrdreg $0x60  }
0xae: {  	[dreg:$0x2] =	wrdreg s24  }
0xaf: {  	[dreg:$0x3] =	wrdreg s2  }
0xb0: {  	[dreg:$0x4] =	wrdreg $0x51900  }
0xb1: {  	[dreg:$0x5] =	wrdreg $0x9  }
0xb2: {  	_ =	task.clear_ibuf [dreg:s7], $0x6FFFF;
	_ =	strace $0x90000046  }
0xb3: {  	s29 =	simm.s32 $0x9;
	_ =	strace $0x80000048  }
0xb4: {  	_ =	swait.ge [sflag:s29], $0x1  }
0xb5: {  	[sflag:s29] =	ssyncadd.s32 $0xFFFFFFFF  }
0xb6: {  	_ =	strace $0x90000048  }
0xb7: {  	_ =	sfence  }
0xb8: {  	s30 =	sld [smem:$0x0];
	_ =	sdelay $0x2  }
0xb9: {  	s31 =	sshll.u32 s1, $0xD;
	s1 =	sshrl.u32 s1, $0x2  }
0xba: {  	s3 =	sand.u32 $0x4000, s31;
	s1 =	sadd.s32 s1, s30  }
0xbb: {  	s0 =	sor.u32 s3, s0;
	s1 =	sshll.u32 s1, $0x11  }
0xbc: {  	s0 =	sor.u32 s1, s0  }
0xbd: {  	s0 =	sadd.s32 $0x8F2B, s0  }
0xbe: {  	[sflag:s0] =	ssyncadd.remote.s32 $0x1  }
0xbf: {  	_ =	sfence.sel $0xFFFF  }
0xc0: {  	[dreg:$0x0] =	wrdreg $0xFFFFFFFF;
	(pc) =	sbr.abs _section_cstart, $3  }
0xc1: {  	[dreg:$0x1] =	wrdreg $0xFFFFFFFF  }
0xc2: {  	_ =	task.clear_ibuf [dreg:s7], $0x2FFFF;
	_ =	strace $0x9FFFFFFF  }
0xc3: {  	(tm) =	ssettm $0x7FFFFFFF  }
tec
execute0_lowered:
.L_overlay_start_1:
0x0: {  	(tag) =	ssettag $0x1  }
0x1: {  	s4 =	rddreg [dreg:$0x0]  }
0x2: {  	s1 =	srdreg.scid;
	s6 =	rddreg [dreg:$0x1]  }
0x3: {  	s0 =	stileid.u32;
	s2 =	rddreg [dreg:$0x2]  }
0x4: {  	s3 =	simm.s32 $0x0;
	s11 =	simm.s32 $0x280;
	s12 =	simm.s32 $0x4F10  }
0x5: {  	s15 =	simm.s32 $0x0;
	s5 =	sand.u32 $0x1, s1;
	s29 =	sshll.u32 s0, $0x1  }
0x6: {  	s8 =	smul.u32 $0x280, s0;
	[smem:$0x7FF] =	sst s3;
	s13 =	sshll.u32 s0, $0x6  }
0x7: {  	s1 =	sor.u32 s5, s29;
	s9 =	smul.u32 $0x2800, s5;
	s5 =	ssub.s32 $0x2, s5  }
0x8: {  	s13 =	sor.u32 $0x1C02, s13;
	s7 =	smul.u32 $0x2710, s1;
	s1 =	rddreg [dreg:$0x3]  }
0x9: {  	_ =	strace $0x80000047;
	s10 =	sshrl.u32 s5, $0x1;
	s30 =	sadd.s32 s8, s9  }
0xa: {  	s31 =	ssub.s32 s5, s10;
	s5 =	sadd.s32 s8, s2;
	s8 =	simm.s32 $0x2800  }
0xb: {  	s9 =	simm.s32 $0x2;
	s10 =	simm.s32 $0x1;
	s7 =	sshrl.u32 s7, $0x3  }
0xc: {  	s14 =	sshrl.u32 s5, $0x3;
	s4 =	sadd.s32 s4, s7;
	s7 =	sshrl.u32 s30, $0x3  }
0xd: {  	v0 =	vimm.f32 $0.0e+00;
	v1 =	vlaneseq.u32;
	v2 =	vimm.f32 $1.000000000e+00;
	s4 =	sadd.s32 $0xBC40, s4;
	s6 =	sadd.s32 s6, s7;
	s7 =	smax.u32 s31, $0x1  }
.LBB2_1:
0xe: {  	[tilespmem:s8], [sflag:$0x1] =	stream.linear.gather [hbm4b:s4+s3], $0x2710, $0x38;
	[tilespmem:$0x5410] =	vst v63  }
0xf: {  	s16 =	simm.s32 $0x0  }
.LBB2_2:
0x10: {  	p0 =	sne.s32 s16, $0x9F00  }
.Ltmp0:
0x11: {  	s17 =	sshra.s32 s16, $0x2;
	(pc) =	sbr.rel @p0 .LBB2_2-.Ltmp0, $4  }
0x12: {  	[tilespmem:s17+$0x0] =	vst v0  }
0x13: {  	[tilespmem:s17+$0x10] =	vst v0  }
0x14: {  	[tilespmem:s17+$0x20] =	vst v0  }
0x15: {  	s16 =	sadd.s32 $0x100, s16;
	[tilespmem:s17+$0x30] =	vst v0  }
0x16: {  	s17 =	simm.s32 $0x0  }
0x17: {  	s16 =	simm.s32 $0x4F10;
	v3 =	vor.u32 s17, v1  }
0x18: {  	s17 =	simm.s32 $0x10;
	[tilespmem:s16+$0x0] =	vst v3  }
.LBB2_4:
0x19: {  	p0 =	sne.s32 s17, $0x270  }
.Ltmp1:
0x1a: {  	_ = 	snop;
	(pc) =	sbr.rel @p0 .LBB2_4-.Ltmp1, $3  }
0x1b: {  	_ =	sdelay $0x1  }
0x1c: {  	v3 =	vor.u32 s17, v1;
	s17 =	sadd.s32 $0x10, s17;
	s16 =	sadd.s32 $0x10, s16  }
0x1d: {  	[tilespmem:s16+$0x0] =	vst v3  }
0x1e: {  	s16 =	simm.s32 $0x0  }
0x1f: {  	[spmem:s5] =	stream.linear.scatter [tilespmem:s16], [sflag:$0x2], $0x280, $0x38;
	[tilespmem:$0x5410] =	vst v63  }
0x20: {  	_ =	swait.ge [sflag:s9], $0x280  }
0x21: {  	[sflag:s9] =	ssyncset.done $0x0  }
0x22: {  	[sflag:s9] =	ssyncadd.s32 $0xFFFFFD80  }
0x23: {  	_ =	swait.ge [sflag:s10], $0x2710  }
0x24: {  	[sflag:s10] =	ssyncset.done $0x0  }
0x25: {  	[sflag:s10] =	ssyncadd.s32 $0xFFFFD8F0  }
0x26: {  	[bflag:$0x0] =	sbarrier.arrive $0xFFFF  }
.LBB2_6:
0x27: {  	s17 =	sshra.s32 s16, $0x2  }
0x28: {  	v3 =	vld [tilespmem:s17+$0x2800];
	_ =	sdelay $0x4  }
0x29: {  	v4 =	vshrl.u32 v3, $0x7  }
0x2a: {  	v4 =	vmul.u32 $0xCD, v4;
	_ =	sdelay $0x1  }
0x2b: {  	v4 =	vshrl.u32 v4, $0xA  }
0x2c: {  	v5 =	vmul.u32 $0xFFFFD80, v4;
	_ =	sdelay $0x1  }
0x2d: {  	v3 =	vadd.s32 v3, v5  }
0x2e: {  	v54 =	vand.u32 $0x3FFFF8, v4;
	v3 =	vshll.u32 v3, $0x4  }
0x2f: {  	v4 =	vand.u32 $0x7, v4;
	v3 =	vadd.s32 v54, v3  }
0x30: {  	v3 =	vor.u32 v4, v3;
	_ =	sdelay $0x4  }
0x31: {  	[tilespmem:v3+s3+$0x0] =	vst.idx.add.f32.msk $0xffff, v2  }
0x32: {  	v3 =	vld [tilespmem:s17+$0x2810];
	_ =	sdelay $0x4  }
0x33: {  	v55 =	vshrl.u32 v3, $0x7  }
0x34: {  	v4 =	vmul.u32 $0xCD, v55;
	_ =	sdelay $0x1  }
0x35: {  	v4 =	vshrl.u32 v4, $0xA  }
0x36: {  	v56 =	vmul.u32 $0xFFFFD80, v4;
	_ =	sdelay $0x1  }
0x37: {  	v3 =	vadd.s32 v3, v56  }
0x38: {  	v57 =	vand.u32 $0x3FFFF8, v4;
	v3 =	vshll.u32 v3, $0x4  }
0x39: {  	v4 =	vand.u32 $0x7, v4;
	v3 =	vadd.s32 v57, v3  }
0x3a: {  	v3 =	vor.u32 v4, v3;
	_ =	sdelay $0x4  }
0x3b: {  	[tilespmem:v3+s3+$0x0] =	vst.idx.add.f32.msk $0xffff, v2  }
0x3c: {  	v3 =	vld [tilespmem:s17+$0x2820];
	_ =	sdelay $0x4  }
0x3d: {  	v58 =	vshrl.u32 v3, $0x7  }
0x3e: {  	v4 =	vmul.u32 $0xCD, v58;
	_ =	sdelay $0x1  }
0x3f: {  	v4 =	vshrl.u32 v4, $0xA  }
0x40: {  	v59 =	vmul.u32 $0xFFFFD80, v4;
	_ =	sdelay $0x1  }
0x41: {  	v3 =	vadd.s32 v3, v59  }
0x42: {  	v60 =	vand.u32 $0x3FFFF8, v4;
	v3 =	vshll.u32 v3, $0x4  }
0x43: {  	v4 =	vand.u32 $0x7, v4;
	v3 =	vadd.s32 v60, v3  }
0x44: {  	v3 =	vor.u32 v4, v3;
	_ =	sdelay $0x4  }
0x45: {  	[tilespmem:v3+s3+$0x0] =	vst.idx.add.f32.msk $0xffff, v2  }
0x46: {  	v3 =	vld [tilespmem:s17+$0x2830];
	_ =	sdelay $0x4  }
0x47: {  	v61 =	vshrl.u32 v3, $0x7  }
0x48: {  	v4 =	vmul.u32 $0xCD, v61;
	_ =	sdelay $0x1  }
0x49: {  	v4 =	vshrl.u32 v4, $0xA  }
0x4a: {  	v62 =	vmul.u32 $0xFFFFD80, v4;
	_ =	sdelay $0x1  }
0x4b: {  	v3 =	vadd.s32 v3, v62  }
0x4c: {  	v63 =	vand.u32 $0x3FFFF8, v4;
	v3 =	vshll.u32 v3, $0x4  }
0x4d: {  	v4 =	vand.u32 $0x7, v4;
	v3 =	vadd.s32 v63, v3  }
0x4e: {  	p0 =	sne.s32 s16, $0x9B00;
	v3 =	vor.u32 v4, v3  }
.Ltmp2:
0x4f: {  	_ = 	snop;
	(pc) =	sbr.rel @p0 .LBB2_6-.Ltmp2, $2  }
0x50: {  	_ =	sdelay $0x2  }
0x51: {  	s16 =	sadd.s32 $0x100, s16;
	[tilespmem:v3+s3+$0x0] =	vst.idx.add.f32.msk $0xffff, v2  }
0x52: {  	v3 =	vld [tilespmem:$0x4F00];
	_ =	sdelay $0x4  }
0x53: {  	v4 =	vshrl.u32 v3, $0x7  }
0x54: {  	v4 =	vmul.u32 $0xCD, v4;
	_ =	sdelay $0x1  }
0x55: {  	v4 =	vshrl.u32 v4, $0xA  }
0x56: {  	v5 =	vmul.u32 $0xFFFFD80, v4;
	_ =	sdelay $0x1  }
0x57: {  	v3 =	vadd.s32 v3, v5  }
0x58: {  	v63 =	vand.u32 $0x3FFFF8, v4;
	v3 =	vshll.u32 v3, $0x4  }
0x59: {  	v4 =	vand.u32 $0x7, v4;
	v3 =	vadd.s32 v63, v3  }
0x5a: {  	v3 =	vor.u32 v4, v3;
	_ =	sdelay $0x4  }
0x5b: {  	[tilespmem:v3+s3+$0x0] =	vst.idx.add.f32.msk $0xffff, v2  }
0x5c: {  	[spmem:s2] =	stream.indirect.scatter.add.f32 [tilespmem:s3], [sflag:$0x2], $0x10, s12, s11, $0xb8;
	[tilespmem:$0x5410] =	vst v63  }
0x5d: {  	_ =	swait.ge [sflag:s9], $0x2800  }
0x5e: {  	s15 =	sadd.s32 $0x1, s15;
	[sflag:s9] =	ssyncset.done $0x0  }
0x5f: {  	p0 =	sne.s32 s15, s7;
	[sflag:s9] =	ssyncadd.s32 $0xFFFFD800  }
.Ltmp3:
0x60: {  	[bflag:$0x0] =	sbarrier.arrive $0xFFFF;
	(pc) =	sbr.rel @p0 .LBB2_1-.Ltmp3, $4  }
0x61: {  	[hbm:s6], [sflag:s13] =	dma.local [spmem:s14], $0x50  }
0x62: {  	_ =	swait.ge [sflag:s9], $0x50  }
0x63: {  	[sflag:s9] =	ssyncset.done $0x0  }
0x64: {  	[sflag:s9] =	ssyncadd.s32 $0xFFFFFFB0  }
0x65: {  	_ =	sfence.sel $0x180000  }
0x66: {  	[bflag:$0x0] =	sbarrier.arrive $0xFFFF  }
0x67: {  	p0 =	sne.s32 s0, $0x0;
	_ =	strace $0x90000047  }
0x68: {  	s0 =	sadd.s32 @!p0 $0x100000, s1;
	[bflag:$0x2] =	sbarrier.arrive $0xFFFF  }
0x69: {  	[sflag:s0] =	ssyncadd.tile.s32 @!p0 $0x1;
	_ =	shalt  }
.Lfunc_end2:
_tile_overlayer_lowered:
.L_overlay_start_2:
0x6a: {  	(tag) =	ssettag $0x2  }
0x6b: {  	s0 =	rddreg [dreg:$0x0];
	s2 =	stileid.u32  }
0x6c: {  	s1 =	rddreg [dreg:$0x1];
	p0 =	sne.s32 s2, $0x0  }
0x6d: {  	s3 =	rddreg [dreg:$0x2];
	[bflag:$0x3] =	sbarrier.arrive $0xFFFF;
	s2 =	simm.s32 @!p0 $0x1C02  }
0x6e: {  	[timem:s3], [sflag:s2] =	dma.local @!p0 [hbm:s0], s1  }
0x6f: {  	s0 =	simm.s32 @!p0 $0x2  }
0x70: {  	_ =	swait.ge @!p0 [sflag:s0], s1  }
0x71: {  	s1 =	ssub.s32 @!p0 $0x0, s1;
	[sflag:s0] =	ssyncset.done @!p0 $0x0  }
0x72: {  	[sflag:s0] =	ssyncadd.s32 @!p0 s1  }
0x73: {  	[bflag:$0x3] =	sbarrier.arrive $0xFFFF  }
0x74: {  	_ =	shalt  }

</sc_bundles>
